<compile_context>
chip_gen: v7x
topology: tpu7x:2x2x1
jax: 0.10.2.dev20260603
libtpu: 0.0.44.dev20260713+nightly
codegen_flags: <defaults>
</compile_context>

<pallas_src>
import functools

import jax
import jax.numpy as jnp
from jax import lax
from jax.experimental import pallas as pl
from jax.experimental.pallas import tpu as pltpu
from jax.experimental.pallas import tpu_sc as plsc

_N_ROWS = 1_000_000
_BATCH = 16384
_D = 64
_G = 16


@functools.lru_cache(maxsize=None)
def _build():
    info = plsc.get_sparse_core_info()
    nw = info.num_cores * info.num_subcores
    b_per_w = _BATCH // nw
    n_groups = b_per_w // _G
    group_words = _G * 16
    mesh = plsc.VectorSubcoreMesh(core_axis_name="c", subcore_axis_name="s")

    @functools.partial(
        pl.kernel,
        mesh=mesh,
        out_type=jax.ShapeDtypeStruct((8, 8, _BATCH), jnp.float32),
        scratch_types=[
            pltpu.VMEM((b_per_w,), jnp.int32),
            pltpu.VMEM((8, 8, group_words), jnp.float32),
            pltpu.VMEM((8, 8, b_per_w), jnp.float32),
            pltpu.SemaphoreType.DMA,
            pltpu.SemaphoreType.DMA,
        ],
        compiler_params=pltpu.CompilerParams(
            needs_layout_passes=False,
            skip_device_barrier=True,
            disable_bounds_checks=True,
            disable_semaphore_checks=True,
        ),
    )
    def gather_kernel(idx_hbm, table_hbm, out_hbm, idx_v, blocks_v, rows_v, sem, sem2):
        wid = lax.axis_index("s") * info.num_cores + lax.axis_index("c")
        pltpu.sync_copy(idx_hbm.at[pl.ds(wid * b_per_w, b_per_w)], idx_v)
        lanes = lax.iota(jnp.int32, 16)

        def fire(g):
            vec = idx_v[pl.ds(g * _G, _G)]
            aligned = vec & ~15
            for j in range(_G):
                pltpu.async_copy(
                    table_hbm.at[:, :, pl.ds(pl.multiple_of(aligned[j], 16), 16)],
                    blocks_v.at[:, :, pl.ds(j * 16, 16)],
                    sem if j % 2 == 0 else sem2,
                )

        def drain(dma_sem):
            pltpu.make_async_copy(
                table_hbm.at[:, :, pl.ds(0, group_words // 2)],
                blocks_v.at[:, :, pl.ds(0, group_words // 2)],
                dma_sem,
            ).wait()

        def extract(g):
            vec = idx_v[pl.ds(g * _G, _G)]
            lane = vec & 15
            pos = lanes * 16 + lane
            for a in range(8):
                for b in range(8):
                    v = plsc.load_gather(
                        blocks_v,
                        [
                            jnp.full((16,), a, jnp.int32),
                            jnp.full((16,), b, jnp.int32),
                            pos,
                        ],
                    )
                    rows_v[a, b, pl.ds(g * _G, _G)] = v

        def body(g, carry):
            fire(g)
            drain(sem)
            drain(sem2)
            extract(g)
            return carry

        lax.fori_loop(0, n_groups, body, 0, unroll=False)
        pltpu.async_copy(
            rows_v,
            out_hbm.at[:, :, pl.ds(pl.multiple_of(wid * b_per_w, 128), b_per_w)],
            sem2,
        ).wait()

    return gather_kernel


def kernel(s, Q_matrix):
    gather_kernel = _build()
    idx = s.astype(jnp.int32)
    table = jnp.transpose(Q_matrix).reshape(8, 8, _N_ROWS)
    out = gather_kernel(idx, table)
    return jnp.transpose(out.reshape(_D, _BATCH))

# --- scband reference (transcript-rebuilt; emitter-appended) ---
"""Pipeline reference for scband-q-tabular-12790412607996 (READ-ONLY COPY).

The authoritative reference and input builder live on the scoring server;
editing this copy changes nothing except your own understanding.
"""

import jax, jax.numpy as jnp
import numpy as np

N_S = 1000000
N_A = 64
BATCH = 16384

def setup_inputs(seed: int = 0) -> dict:
    key = jax.random.key(seed)
    k1, k2 = jax.random.split(key)
    s = jax.random.randint(k1, (BATCH,), 0, N_S, dtype=jnp.int64) if jax.config.read('jax_enable_x64') else jax.random.randint(k1, (BATCH,), 0, N_S, dtype=jnp.int32)
    Q_matrix = jax.random.normal(k2, (N_S, N_A), dtype=jnp.float32)
    return {"s": s, "Q_matrix": Q_matrix}

def reference(s, Q_matrix):
    # Q_matrix[torch.remainder(torch.tensor(s), self.n_s), :].squeeze()
    idx = jnp.remainder(s, N_S)
    out = jnp.take(Q_matrix, idx, axis=0)
    return jnp.squeeze(out)

if __name__ == "__main__":
    import jax
    _d = setup_inputs()
    print(jax.jit(kernel)(*tuple(_d.values())))

</pallas_src>

<mosaic_0001>
#map = affine_map<(d0, d1) -> (0)>
#map1 = affine_map<(d0, d1) -> (0, 0, 0)>
module attributes {stable_mosaic.version = 14 : i64} {
  func.func @gather_kernel(%arg0: i32, %arg1: i32, %arg2: memref<16384xi32, #tpu.memory_space<hbm>>, %arg3: memref<8x8x1000000xf32, #tpu.memory_space<hbm>>, %arg4: memref<8x8x16384xf32, #tpu.memory_space<hbm>>, %arg5: memref<512xi32, #tpu.memory_space<vmem>>, %arg6: memref<8x8x256xf32, #tpu.memory_space<vmem>>, %arg7: memref<8x8x512xf32, #tpu.memory_space<vmem>>, %arg8: memref<!tpu.dma_semaphore, #tpu.memory_space<semaphore_mem>>, %arg9: memref<!tpu.dma_semaphore, #tpu.memory_space<semaphore_mem>>) attributes {dimension_semantics = [#tpu.dimension_semantics<core_parallel>, #tpu.dimension_semantics<subcore_parallel>], iteration_bounds = array<i64: 2, 16>, scalar_prefetch = 0 : i64, scratch_operands = 5 : i64, tpu.core_type = #tpu.core_type<sc_vector_subcore>, window_params = [{transform_indices = #map}, {transform_indices = #map1}, {transform_indices = #map1}]} {
    %mul3A = arith.constant 2 : i32
    %mul3A_0 = arith.muli %arg1, %mul3A : i32
    %add3A = arith.addi %mul3A_0, %arg0 : i32
    %mul3A_1 = arith.constant 512 : i32
    %mul3A_2 = arith.muli %add3A, %mul3A_1 : i32
    "tpu.region"() ({
      %run_scoped3A = tpu.sem_alloc : memref<!tpu.dma_semaphore, #tpu.memory_space<semaphore_mem>>
      %dma_start3A_20 = tpu.memref_slice %arg2[%mul3A_2] : memref<16384xi32, #tpu.memory_space<hbm>> -> memref<512xi32, #tpu.memory_space<hbm>>
      %dma_start3A_21 = tpu.memref_slice %arg2[%mul3A_2] : memref<16384xi32, #tpu.memory_space<hbm>> -> memref<512xi32, #tpu.memory_space<hbm>>
      tpu.enqueue_dma source(%dma_start3A_21 : memref<512xi32, #tpu.memory_space<hbm>>) target(%arg5 : memref<512xi32, #tpu.memory_space<vmem>>) target_semaphore(%run_scoped3A : memref<!tpu.dma_semaphore, #tpu.memory_space<semaphore_mem>>)
      %dma_wait3A_22 = tpu.memref_slice %arg2[%mul3A_2] : memref<16384xi32, #tpu.memory_space<hbm>> -> memref<512xi32, #tpu.memory_space<hbm>>
      %dma_wait3A_23 = tpu.memref_slice %arg2[%mul3A_2] : memref<16384xi32, #tpu.memory_space<hbm>> -> memref<512xi32, #tpu.memory_space<hbm>>
      tpu.wait_dma2 semaphore(%run_scoped3A : memref<!tpu.dma_semaphore, #tpu.memory_space<semaphore_mem>>) src(%dma_wait3A_23 : memref<512xi32, #tpu.memory_space<hbm>>) dst(%arg5 : memref<512xi32, #tpu.memory_space<vmem>>)
      tpu.yield
    }) : () -> ()
    %iota3A = tpu.iota {dimensions = array<i32: 0>} : vector<16xi32>
    %scan3A = arith.constant 0 : i32
    %scan3A_3 = arith.constant 0 : i32
    %scan3A_4 = arith.constant 32 : i32
    %scan3A_5 = arith.addi %scan3A_3, %scan3A_4 : i32
    %scan3A_6 = arith.constant 1 : i32
    scf.for %scan3A_20 = %scan3A_3 to %scan3A_5 step %scan3A_6  : i32 {
      %mul3A_21 = arith.constant 16 : i32
      %mul3A_22 = arith.muli %scan3A_20, %mul3A_21 : i32
      %get3A = arith.index_cast %mul3A_22 : i32 to index
      %get3A_23 = tpu.vector_load %arg5[%get3A] {strides = array<i32>} : memref<512xi32, #tpu.memory_space<vmem>>, vector<16xi32>,
      %and3A = arith.constant -16 : i32
      %and3A_24 = vector.broadcast %and3A : i32 to vector<16xi32>
      %and3A_25 = arith.andi %get3A_23, %and3A_24 : vector<16xi32>
      %slice3A = vector.extract_strided_slice %and3A_25 {offsets = [0], sizes = [1], strides = [1]} : vector<16xi32> to vector<1xi32>
      %squeeze3A = vector.extract %slice3A[0] : i32 from vector<1xi32>
      %multiple_of3A_26 = tpu.assume_multiple %squeeze3A, 16 : i32
      %dma_start3A_27 = arith.constant 0 : i32
      %dma_start3A_28 = arith.constant 0 : i32
      %dma_start3A_29 = arith.constant 0 : i32
      %dma_start3A_30 = tpu.memref_slice %arg6[%dma_start3A_27, %dma_start3A_28, %dma_start3A_29] : memref<8x8x256xf32, #tpu.memory_space<vmem>> -> memref<8x8x16xf32, #tpu.memory_space<vmem>>
      %dma_start3A_31 = arith.constant 0 : i32
      %dma_start3A_32 = arith.constant 0 : i32
      %dma_start3A_33 = tpu.memref_slice %arg3[%dma_start3A_31, %dma_start3A_32, %multiple_of3A_26] : memref<8x8x1000000xf32, #tpu.memory_space<hbm>> -> memref<8x8x16xf32, #tpu.memory_space<hbm>>
      %dma_start3A_34 = arith.constant 0 : i32
      %dma_start3A_35 = arith.constant 0 : i32
      %dma_start3A_36 = arith.constant 0 : i32
      %dma_start3A_37 = tpu.memref_slice %arg6[%dma_start3A_34, %dma_start3A_35, %dma_start3A_36] : memref<8x8x256xf32, #tpu.memory_space<vmem>> -> memref<8x8x16xf32, #tpu.memory_space<vmem>>
      %dma_start3A_38 = arith.constant 0 : i32
      %dma_start3A_39 = arith.constant 0 : i32
      %dma_start3A_40 = tpu.memref_slice %arg3[%dma_start3A_38, %dma_start3A_39, %multiple_of3A_26] : memref<8x8x1000000xf32, #tpu.memory_space<hbm>> -> memref<8x8x16xf32, #tpu.memory_space<hbm>>
      tpu.enqueue_dma source(%dma_start3A_40 : memref<8x8x16xf32, #tpu.memory_space<hbm>>) target(%dma_start3A_37 : memref<8x8x16xf32, #tpu.memory_space<vmem>>) target_semaphore(%arg8 : memref<!tpu.dma_semaphore, #tpu.memory_space<semaphore_mem>>)
      %slice3A_41 = vector.extract_strided_slice %and3A_25 {offsets = [1], sizes = [1], strides = [1]} : vector<16xi32> to vector<1xi32>
      %squeeze3A_42 = vector.extract %slice3A_41[0] : i32 from vector<1xi32>
      %multiple_of3A_43 = tpu.assume_multiple %squeeze3A_42, 16 : i32
      %dma_start3A_44 = arith.constant 0 : i32
      %dma_start3A_45 = arith.constant 0 : i32
      %dma_start3A_46 = arith.constant 16 : i32
      %dma_start3A_47 = tpu.memref_slice %arg6[%dma_start3A_44, %dma_start3A_45, %dma_start3A_46] : memref<8x8x256xf32, #tpu.memory_space<vmem>> -> memref<8x8x16xf32, #tpu.memory_space<vmem>>
      %dma_start3A_48 = arith.constant 0 : i32
      %dma_start3A_49 = arith.constant 0 : i32
      %dma_start3A_50 = tpu.memref_slice %arg3[%dma_start3A_48, %dma_start3A_49, %multiple_of3A_43] : memref<8x8x1000000xf32, #tpu.memory_space<hbm>> -> memref<8x8x16xf32, #tpu.memory_space<hbm>>
      %dma_start3A_51 = arith.constant 0 : i32
      %dma_start3A_52 = arith.constant 0 : i32
      %dma_start3A_53 = arith.constant 16 : i32
      %dma_start3A_54 = tpu.memref_slice %arg6[%dma_start3A_51, %dma_start3A_52, %dma_start3A_53] : memref<8x8x256xf32, #tpu.memory_space<vmem>> -> memref<8x8x16xf32, #tpu.memory_space<vmem>>
      %dma_start3A_55 = arith.constant 0 : i32
      %dma_start3A_56 = arith.constant 0 : i32
      %dma_start3A_57 = tpu.memref_slice %arg3[%dma_start3A_55, %dma_start3A_56, %multiple_of3A_43] : memref<8x8x1000000xf32, #tpu.memory_space<hbm>> -> memref<8x8x16xf32, #tpu.memory_space<hbm>>
      tpu.enqueue_dma source(%dma_start3A_57 : memref<8x8x16xf32, #tpu.memory_space<hbm>>) target(%dma_start3A_54 : memref<8x8x16xf32, #tpu.memory_space<vmem>>) target_semaphore(%arg9 : memref<!tpu.dma_semaphore, #tpu.memory_space<semaphore_mem>>)
      %slice3A_58 = vector.extract_strided_slice %and3A_25 {offsets = [2], sizes = [1], strides = [1]} : vector<16xi32> to vector<1xi32>
      %squeeze3A_59 = vector.extract %slice3A_58[0] : i32 from vector<1xi32>
      %multiple_of3A_60 = tpu.assume_multiple %squeeze3A_59, 16 : i32
      %dma_start3A_61 = arith.constant 0 : i32
      %dma_start3A_62 = arith.constant 0 : i32
      %dma_start3A_63 = arith.constant 32 : i32
      %dma_start3A_64 = tpu.memref_slice %arg6[%dma_start3A_61, %dma_start3A_62, %dma_start3A_63] : memref<8x8x256xf32, #tpu.memory_space<vmem>> -> memref<8x8x16xf32, #tpu.memory_space<vmem>>
      %dma_start3A_65 = arith.constant 0 : i32
      %dma_start3A_66 = arith.constant 0 : i32
      %dma_start3A_67 = tpu.memref_slice %arg3[%dma_start3A_65, %dma_start3A_66, %multiple_of3A_60] : memref<8x8x1000000xf32, #tpu.memory_space<hbm>> -> memref<8x8x16xf32, #tpu.memory_space<hbm>>
      %dma_start3A_68 = arith.constant 0 : i32
      %dma_start3A_69 = arith.constant 0 : i32
      %dma_start3A_70 = arith.constant 32 : i32
      %dma_start3A_71 = tpu.memref_slice %arg6[%dma_start3A_68, %dma_start3A_69, %dma_start3A_70] : memref<8x8x256xf32, #tpu.memory_space<vmem>> -> memref<8x8x16xf32, #tpu.memory_space<vmem>>
      %dma_start3A_72 = arith.constant 0 : i32
      %dma_start3A_73 = arith.constant 0 : i32
      %dma_start3A_74 = tpu.memref_slice %arg3[%dma_start3A_72, %dma_start3A_73, %multiple_of3A_60] : memref<8x8x1000000xf32, #tpu.memory_space<hbm>> -> memref<8x8x16xf32, #tpu.memory_space<hbm>>
      tpu.enqueue_dma source(%dma_start3A_74 : memref<8x8x16xf32, #tpu.memory_space<hbm>>) target(%dma_start3A_71 : memref<8x8x16xf32, #tpu.memory_space<vmem>>) target_semaphore(%arg8 : memref<!tpu.dma_semaphore, #tpu.memory_space<semaphore_mem>>)
      %slice3A_75 = vector.extract_strided_slice %and3A_25 {offsets = [3], sizes = [1], strides = [1]} : vector<16xi32> to vector<1xi32>
      %squeeze3A_76 = vector.extract %slice3A_75[0] : i32 from vector<1xi32>
      %multiple_of3A_77 = tpu.assume_multiple %squeeze3A_76, 16 : i32
      %dma_start3A_78 = arith.constant 0 : i32
      %dma_start3A_79 = arith.constant 0 : i32
      %dma_start3A_80 = arith.constant 48 : i32
      %dma_start3A_81 = tpu.memref_slice %arg6[%dma_start3A_78, %dma_start3A_79, %dma_start3A_80] : memref<8x8x256xf32, #tpu.memory_space<vmem>> -> memref<8x8x16xf32, #tpu.memory_space<vmem>>
      %dma_start3A_82 = arith.constant 0 : i32
      %dma_start3A_83 = arith.constant 0 : i32
      %dma_start3A_84 = tpu.memref_slice %arg3[%dma_start3A_82, %dma_start3A_83, %multiple_of3A_77] : memref<8x8x1000000xf32, #tpu.memory_space<hbm>> -> memref<8x8x16xf32, #tpu.memory_space<hbm>>
      %dma_start3A_85 = arith.constant 0 : i32
      %dma_start3A_86 = arith.constant 0 : i32
      %dma_start3A_87 = arith.constant 48 : i32
      %dma_start3A_88 = tpu.memref_slice %arg6[%dma_start3A_85, %dma_start3A_86, %dma_start3A_87] : memref<8x8x256xf32, #tpu.memory_space<vmem>> -> memref<8x8x16xf32, #tpu.memory_space<vmem>>
      %dma_start3A_89 = arith.constant 0 : i32
      %dma_start3A_90 = arith.constant 0 : i32
      %dma_start3A_91 = tpu.memref_slice %arg3[%dma_start3A_89, %dma_start3A_90, %multiple_of3A_77] : memref<8x8x1000000xf32, #tpu.memory_space<hbm>> -> memref<8x8x16xf32, #tpu.memory_space<hbm>>
      tpu.enqueue_dma source(%dma_start3A_91 : memref<8x8x16xf32, #tpu.memory_space<hbm>>) target(%dma_start3A_88 : memref<8x8x16xf32, #tpu.memory_space<vmem>>) target_semaphore(%arg9 : memref<!tpu.dma_semaphore, #tpu.memory_space<semaphore_mem>>)
      %slice3A_92 = vector.extract_strided_slice %and3A_25 {offsets = [4], sizes = [1], strides = [1]} : vector<16xi32> to vector<1xi32>
      %squeeze3A_93 = vector.extract %slice3A_92[0] : i32 from vector<1xi32>
      %multiple_of3A_94 = tpu.assume_multiple %squeeze3A_93, 16 : i32
      %dma_start3A_95 = arith.constant 0 : i32
      %dma_start3A_96 = arith.constant 0 : i32
      %dma_start3A_97 = arith.constant 64 : i32
      %dma_start3A_98 = tpu.memref_slice %arg6[%dma_start3A_95, %dma_start3A_96, %dma_start3A_97] : memref<8x8x256xf32, #tpu.memory_space<vmem>> -> memref<8x8x16xf32, #tpu.memory_space<vmem>>
      %dma_start3A_99 = arith.constant 0 : i32
      %dma_start3A_100 = arith.constant 0 : i32
      %dma_start3A_101 = tpu.memref_slice %arg3[%dma_start3A_99, %dma_start3A_100, %multiple_of3A_94] : memref<8x8x1000000xf32, #tpu.memory_space<hbm>> -> memref<8x8x16xf32, #tpu.memory_space<hbm>>
      %dma_start3A_102 = arith.constant 0 : i32
      %dma_start3A_103 = arith.constant 0 : i32
      %dma_start3A_104 = arith.constant 64 : i32
      %dma_start3A_105 = tpu.memref_slice %arg6[%dma_start3A_102, %dma_start3A_103, %dma_start3A_104] : memref<8x8x256xf32, #tpu.memory_space<vmem>> -> memref<8x8x16xf32, #tpu.memory_space<vmem>>
      %dma_start3A_106 = arith.constant 0 : i32
      %dma_start3A_107 = arith.constant 0 : i32
      %dma_start3A_108 = tpu.memref_slice %arg3[%dma_start3A_106, %dma_start3A_107, %multiple_of3A_94] : memref<8x8x1000000xf32, #tpu.memory_space<hbm>> -> memref<8x8x16xf32, #tpu.memory_space<hbm>>
      tpu.enqueue_dma source(%dma_start3A_108 : memref<8x8x16xf32, #tpu.memory_space<hbm>>) target(%dma_start3A_105 : memref<8x8x16xf32, #tpu.memory_space<vmem>>) target_semaphore(%arg8 : memref<!tpu.dma_semaphore, #tpu.memory_space<semaphore_mem>>)
      %slice3A_109 = vector.extract_strided_slice %and3A_25 {offsets = [5], sizes = [1], strides = [1]} : vector<16xi32> to vector<1xi32>
      %squeeze3A_110 = vector.extract %slice3A_109[0] : i32 from vector<1xi32>
      %multiple_of3A_111 = tpu.assume_multiple %squeeze3A_110, 16 : i32
      %dma_start3A_112 = arith.constant 0 : i32
      %dma_start3A_113 = arith.constant 0 : i32
      %dma_start3A_114 = arith.constant 80 : i32
      %dma_start3A_115 = tpu.memref_slice %arg6[%dma_start3A_112, %dma_start3A_113, %dma_start3A_114] : memref<8x8x256xf32, #tpu.memory_space<vmem>> -> memref<8x8x16xf32, #tpu.memory_space<vmem>>
      %dma_start3A_116 = arith.constant 0 : i32
      %dma_start3A_117 = arith.constant 0 : i32
      %dma_start3A_118 = tpu.memref_slice %arg3[%dma_start3A_116, %dma_start3A_117, %multiple_of3A_111] : memref<8x8x1000000xf32, #tpu.memory_space<hbm>> -> memref<8x8x16xf32, #tpu.memory_space<hbm>>
      %dma_start3A_119 = arith.constant 0 : i32
      %dma_start3A_120 = arith.constant 0 : i32
      %dma_start3A_121 = arith.constant 80 : i32
      %dma_start3A_122 = tpu.memref_slice %arg6[%dma_start3A_119, %dma_start3A_120, %dma_start3A_121] : memref<8x8x256xf32, #tpu.memory_space<vmem>> -> memref<8x8x16xf32, #tpu.memory_space<vmem>>
      %dma_start3A_123 = arith.constant 0 : i32
      %dma_start3A_124 = arith.constant 0 : i32
      %dma_start3A_125 = tpu.memref_slice %arg3[%dma_start3A_123, %dma_start3A_124, %multiple_of3A_111] : memref<8x8x1000000xf32, #tpu.memory_space<hbm>> -> memref<8x8x16xf32, #tpu.memory_space<hbm>>
      tpu.enqueue_dma source(%dma_start3A_125 : memref<8x8x16xf32, #tpu.memory_space<hbm>>) target(%dma_start3A_122 : memref<8x8x16xf32, #tpu.memory_space<vmem>>) target_semaphore(%arg9 : memref<!tpu.dma_semaphore, #tpu.memory_space<semaphore_mem>>)
      %slice3A_126 = vector.extract_strided_slice %and3A_25 {offsets = [6], sizes = [1], strides = [1]} : vector<16xi32> to vector<1xi32>
      %squeeze3A_127 = vector.extract %slice3A_126[0] : i32 from vector<1xi32>
      %multiple_of3A_128 = tpu.assume_multiple %squeeze3A_127, 16 : i32
      %dma_start3A_129 = arith.constant 0 : i32
      %dma_start3A_130 = arith.constant 0 : i32
      %dma_start3A_131 = arith.constant 96 : i32
      %dma_start3A_132 = tpu.memref_slice %arg6[%dma_start3A_129, %dma_start3A_130, %dma_start3A_131] : memref<8x8x256xf32, #tpu.memory_space<vmem>> -> memref<8x8x16xf32, #tpu.memory_space<vmem>>
      %dma_start3A_133 = arith.constant 0 : i32
      %dma_start3A_134 = arith.constant 0 : i32
      %dma_start3A_135 = tpu.memref_slice %arg3[%dma_start3A_133, %dma_start3A_134, %multiple_of3A_128] : memref<8x8x1000000xf32, #tpu.memory_space<hbm>> -> memref<8x8x16xf32, #tpu.memory_space<hbm>>
      %dma_start3A_136 = arith.constant 0 : i32
      %dma_start3A_137 = arith.constant 0 : i32
      %dma_start3A_138 = arith.constant 96 : i32
      %dma_start3A_139 = tpu.memref_slice %arg6[%dma_start3A_136, %dma_start3A_137, %dma_start3A_138] : memref<8x8x256xf32, #tpu.memory_space<vmem>> -> memref<8x8x16xf32, #tpu.memory_space<vmem>>
      %dma_start3A_140 = arith.constant 0 : i32
      %dma_start3A_141 = arith.constant 0 : i32
      %dma_start3A_142 = tpu.memref_slice %arg3[%dma_start3A_140, %dma_start3A_141, %multiple_of3A_128] : memref<8x8x1000000xf32, #tpu.memory_space<hbm>> -> memref<8x8x16xf32, #tpu.memory_space<hbm>>
      tpu.enqueue_dma source(%dma_start3A_142 : memref<8x8x16xf32, #tpu.memory_space<hbm>>) target(%dma_start3A_139 : memref<8x8x16xf32, #tpu.memory_space<vmem>>) target_semaphore(%arg8 : memref<!tpu.dma_semaphore, #tpu.memory_space<semaphore_mem>>)
      %slice3A_143 = vector.extract_strided_slice %and3A_25 {offsets = [7], sizes = [1], strides = [1]} : vector<16xi32> to vector<1xi32>
      %squeeze3A_144 = vector.extract %slice3A_143[0] : i32 from vector<1xi32>
      %multiple_of3A_145 = tpu.assume_multiple %squeeze3A_144, 16 : i32
      %dma_start3A_146 = arith.constant 0 : i32
      %dma_start3A_147 = arith.constant 0 : i32
      %dma_start3A_148 = arith.constant 112 : i32
      %dma_start3A_149 = tpu.memref_slice %arg6[%dma_start3A_146, %dma_start3A_147, %dma_start3A_148] : memref<8x8x256xf32, #tpu.memory_space<vmem>> -> memref<8x8x16xf32, #tpu.memory_space<vmem>>
      %dma_start3A_150 = arith.constant 0 : i32
      %dma_start3A_151 = arith.constant 0 : i32
      %dma_start3A_152 = tpu.memref_slice %arg3[%dma_start3A_150, %dma_start3A_151, %multiple_of3A_145] : memref<8x8x1000000xf32, #tpu.memory_space<hbm>> -> memref<8x8x16xf32, #tpu.memory_space<hbm>>
      %dma_start3A_153 = arith.constant 0 : i32
      %dma_start3A_154 = arith.constant 0 : i32
      %dma_start3A_155 = arith.constant 112 : i32
      %dma_start3A_156 = tpu.memref_slice %arg6[%dma_start3A_153, %dma_start3A_154, %dma_start3A_155] : memref<8x8x256xf32, #tpu.memory_space<vmem>> -> memref<8x8x16xf32, #tpu.memory_space<vmem>>
      %dma_start3A_157 = arith.constant 0 : i32
      %dma_start3A_158 = arith.constant 0 : i32
      %dma_start3A_159 = tpu.memref_slice %arg3[%dma_start3A_157, %dma_start3A_158, %multiple_of3A_145] : memref<8x8x1000000xf32, #tpu.memory_space<hbm>> -> memref<8x8x16xf32, #tpu.memory_space<hbm>>
      tpu.enqueue_dma source(%dma_start3A_159 : memref<8x8x16xf32, #tpu.memory_space<hbm>>) target(%dma_start3A_156 : memref<8x8x16xf32, #tpu.memory_space<vmem>>) target_semaphore(%arg9 : memref<!tpu.dma_semaphore, #tpu.memory_space<semaphore_mem>>)
      %slice3A_160 = vector.extract_strided_slice %and3A_25 {offsets = [8], sizes = [1], strides = [1]} : vector<16xi32> to vector<1xi32>
      %squeeze3A_161 = vector.extract %slice3A_160[0] : i32 from vector<1xi32>
      %multiple_of3A_162 = tpu.assume_multiple %squeeze3A_161, 16 : i32
      %dma_start3A_163 = arith.constant 0 : i32
      %dma_start3A_164 = arith.constant 0 : i32
      %dma_start3A_165 = arith.constant 128 : i32
      %dma_start3A_166 = tpu.memref_slice %arg6[%dma_start3A_163, %dma_start3A_164, %dma_start3A_165] : memref<8x8x256xf32, #tpu.memory_space<vmem>> -> memref<8x8x16xf32, #tpu.memory_space<vmem>>
      %dma_start3A_167 = arith.constant 0 : i32
      %dma_start3A_168 = arith.constant 0 : i32
      %dma_start3A_169 = tpu.memref_slice %arg3[%dma_start3A_167, %dma_start3A_168, %multiple_of3A_162] : memref<8x8x1000000xf32, #tpu.memory_space<hbm>> -> memref<8x8x16xf32, #tpu.memory_space<hbm>>
      %dma_start3A_170 = arith.constant 0 : i32
      %dma_start3A_171 = arith.constant 0 : i32
      %dma_start3A_172 = arith.constant 128 : i32
      %dma_start3A_173 = tpu.memref_slice %arg6[%dma_start3A_170, %dma_start3A_171, %dma_start3A_172] : memref<8x8x256xf32, #tpu.memory_space<vmem>> -> memref<8x8x16xf32, #tpu.memory_space<vmem>>
      %dma_start3A_174 = arith.constant 0 : i32
      %dma_start3A_175 = arith.constant 0 : i32
      %dma_start3A_176 = tpu.memref_slice %arg3[%dma_start3A_174, %dma_start3A_175, %multiple_of3A_162] : memref<8x8x1000000xf32, #tpu.memory_space<hbm>> -> memref<8x8x16xf32, #tpu.memory_space<hbm>>
      tpu.enqueue_dma source(%dma_start3A_176 : memref<8x8x16xf32, #tpu.memory_space<hbm>>) target(%dma_start3A_173 : memref<8x8x16xf32, #tpu.memory_space<vmem>>) target_semaphore(%arg8 : memref<!tpu.dma_semaphore, #tpu.memory_space<semaphore_mem>>)
      %slice3A_177 = vector.extract_strided_slice %and3A_25 {offsets = [9], sizes = [1], strides = [1]} : vector<16xi32> to vector<1xi32>
      %squeeze3A_178 = vector.extract %slice3A_177[0] : i32 from vector<1xi32>
      %multiple_of3A_179 = tpu.assume_multiple %squeeze3A_178, 16 : i32
      %dma_start3A_180 = arith.constant 0 : i32
      %dma_start3A_181 = arith.constant 0 : i32
      %dma_start3A_182 = arith.constant 144 : i32
      %dma_start3A_183 = tpu.memref_slice %arg6[%dma_start3A_180, %dma_start3A_181, %dma_start3A_182] : memref<8x8x256xf32, #tpu.memory_space<vmem>> -> memref<8x8x16xf32, #tpu.memory_space<vmem>>
      %dma_start3A_184 = arith.constant 0 : i32
      %dma_start3A_185 = arith.constant 0 : i32
      %dma_start3A_186 = tpu.memref_slice %arg3[%dma_start3A_184, %dma_start3A_185, %multiple_of3A_179] : memref<8x8x1000000xf32, #tpu.memory_space<hbm>> -> memref<8x8x16xf32, #tpu.memory_space<hbm>>
      %dma_start3A_187 = arith.constant 0 : i32
      %dma_start3A_188 = arith.constant 0 : i32
      %dma_start3A_189 = arith.constant 144 : i32
      %dma_start3A_190 = tpu.memref_slice %arg6[%dma_start3A_187, %dma_start3A_188, %dma_start3A_189] : memref<8x8x256xf32, #tpu.memory_space<vmem>> -> memref<8x8x16xf32, #tpu.memory_space<vmem>>
      %dma_start3A_191 = arith.constant 0 : i32
      %dma_start3A_192 = arith.constant 0 : i32
      %dma_start3A_193 = tpu.memref_slice %arg3[%dma_start3A_191, %dma_start3A_192, %multiple_of3A_179] : memref<8x8x1000000xf32, #tpu.memory_space<hbm>> -> memref<8x8x16xf32, #tpu.memory_space<hbm>>
      tpu.enqueue_dma source(%dma_start3A_193 : memref<8x8x16xf32, #tpu.memory_space<hbm>>) target(%dma_start3A_190 : memref<8x8x16xf32, #tpu.memory_space<vmem>>) target_semaphore(%arg9 : memref<!tpu.dma_semaphore, #tpu.memory_space<semaphore_mem>>)
      %slice3A_194 = vector.extract_strided_slice %and3A_25 {offsets = [10], sizes = [1], strides = [1]} : vector<16xi32> to vector<1xi32>
      %squeeze3A_195 = vector.extract %slice3A_194[0] : i32 from vector<1xi32>
      %multiple_of3A_196 = tpu.assume_multiple %squeeze3A_195, 16 : i32
      %dma_start3A_197 = arith.constant 0 : i32
      %dma_start3A_198 = arith.constant 0 : i32
      %dma_start3A_199 = arith.constant 160 : i32
      %dma_start3A_200 = tpu.memref_slice %arg6[%dma_start3A_197, %dma_start3A_198, %dma_start3A_199] : memref<8x8x256xf32, #tpu.memory_space<vmem>> -> memref<8x8x16xf32, #tpu.memory_space<vmem>>
      %dma_start3A_201 = arith.constant 0 : i32
      %dma_start3A_202 = arith.constant 0 : i32
      %dma_start3A_203 = tpu.memref_slice %arg3[%dma_start3A_201, %dma_start3A_202, %multiple_of3A_196] : memref<8x8x1000000xf32, #tpu.memory_space<hbm>> -> memref<8x8x16xf32, #tpu.memory_space<hbm>>
      %dma_start3A_204 = arith.constant 0 : i32
      %dma_start3A_205 = arith.constant 0 : i32
      %dma_start3A_206 = arith.constant 160 : i32
      %dma_start3A_207 = tpu.memref_slice %arg6[%dma_start3A_204, %dma_start3A_205, %dma_start3A_206] : memref<8x8x256xf32, #tpu.memory_space<vmem>> -> memref<8x8x16xf32, #tpu.memory_space<vmem>>
      %dma_start3A_208 = arith.constant 0 : i32
      %dma_start3A_209 = arith.constant 0 : i32
      %dma_start3A_210 = tpu.memref_slice %arg3[%dma_start3A_208, %dma_start3A_209, %multiple_of3A_196] : memref<8x8x1000000xf32, #tpu.memory_space<hbm>> -> memref<8x8x16xf32, #tpu.memory_space<hbm>>
      tpu.enqueue_dma source(%dma_start3A_210 : memref<8x8x16xf32, #tpu.memory_space<hbm>>) target(%dma_start3A_207 : memref<8x8x16xf32, #tpu.memory_space<vmem>>) target_semaphore(%arg8 : memref<!tpu.dma_semaphore, #tpu.memory_space<semaphore_mem>>)
      %slice3A_211 = vector.extract_strided_slice %and3A_25 {offsets = [11], sizes = [1], strides = [1]} : vector<16xi32> to vector<1xi32>
      %squeeze3A_212 = vector.extract %slice3A_211[0] : i32 from vector<1xi32>
      %multiple_of3A_213 = tpu.assume_multiple %squeeze3A_212, 16 : i32
      %dma_start3A_214 = arith.constant 0 : i32
      %dma_start3A_215 = arith.constant 0 : i32
      %dma_start3A_216 = arith.constant 176 : i32
      %dma_start3A_217 = tpu.memref_slice %arg6[%dma_start3A_214, %dma_start3A_215, %dma_start3A_216] : memref<8x8x256xf32, #tpu.memory_space<vmem>> -> memref<8x8x16xf32, #tpu.memory_space<vmem>>
      %dma_start3A_218 = arith.constant 0 : i32
      %dma_start3A_219 = arith.constant 0 : i32
      %dma_start3A_220 = tpu.memref_slice %arg3[%dma_start3A_218, %dma_start3A_219, %multiple_of3A_213] : memref<8x8x1000000xf32, #tpu.memory_space<hbm>> -> memref<8x8x16xf32, #tpu.memory_space<hbm>>
      %dma_start3A_221 = arith.constant 0 : i32
      %dma_start3A_222 = arith.constant 0 : i32
      %dma_start3A_223 = arith.constant 176 : i32
      %dma_start3A_224 = tpu.memref_slice %arg6[%dma_start3A_221, %dma_start3A_222, %dma_start3A_223] : memref<8x8x256xf32, #tpu.memory_space<vmem>> -> memref<8x8x16xf32, #tpu.memory_space<vmem>>
      %dma_start3A_225 = arith.constant 0 : i32
      %dma_start3A_226 = arith.constant 0 : i32
      %dma_start3A_227 = tpu.memref_slice %arg3[%dma_start3A_225, %dma_start3A_226, %multiple_of3A_213] : memref<8x8x1000000xf32, #tpu.memory_space<hbm>> -> memref<8x8x16xf32, #tpu.memory_space<hbm>>
      tpu.enqueue_dma source(%dma_start3A_227 : memref<8x8x16xf32, #tpu.memory_space<hbm>>) target(%dma_start3A_224 : memref<8x8x16xf32, #tpu.memory_space<vmem>>) target_semaphore(%arg9 : memref<!tpu.dma_semaphore, #tpu.memory_space<semaphore_mem>>)
      %slice3A_228 = vector.extract_strided_slice %and3A_25 {offsets = [12], sizes = [1], strides = [1]} : vector<16xi32> to vector<1xi32>
      %squeeze3A_229 = vector.extract %slice3A_228[0] : i32 from vector<1xi32>
      %multiple_of3A_230 = tpu.assume_multiple %squeeze3A_229, 16 : i32
      %dma_start3A_231 = arith.constant 0 : i32
      %dma_start3A_232 = arith.constant 0 : i32
      %dma_start3A_233 = arith.constant 192 : i32
      %dma_start3A_234 = tpu.memref_slice %arg6[%dma_start3A_231, %dma_start3A_232, %dma_start3A_233] : memref<8x8x256xf32, #tpu.memory_space<vmem>> -> memref<8x8x16xf32, #tpu.memory_space<vmem>>
      %dma_start3A_235 = arith.constant 0 : i32
      %dma_start3A_236 = arith.constant 0 : i32
      %dma_start3A_237 = tpu.memref_slice %arg3[%dma_start3A_235, %dma_start3A_236, %multiple_of3A_230] : memref<8x8x1000000xf32, #tpu.memory_space<hbm>> -> memref<8x8x16xf32, #tpu.memory_space<hbm>>
      %dma_start3A_238 = arith.constant 0 : i32
      %dma_start3A_239 = arith.constant 0 : i32
      %dma_start3A_240 = arith.constant 192 : i32
      %dma_start3A_241 = tpu.memref_slice %arg6[%dma_start3A_238, %dma_start3A_239, %dma_start3A_240] : memref<8x8x256xf32, #tpu.memory_space<vmem>> -> memref<8x8x16xf32, #tpu.memory_space<vmem>>
      %dma_start3A_242 = arith.constant 0 : i32
      %dma_start3A_243 = arith.constant 0 : i32
      %dma_start3A_244 = tpu.memref_slice %arg3[%dma_start3A_242, %dma_start3A_243, %multiple_of3A_230] : memref<8x8x1000000xf32, #tpu.memory_space<hbm>> -> memref<8x8x16xf32, #tpu.memory_space<hbm>>
      tpu.enqueue_dma source(%dma_start3A_244 : memref<8x8x16xf32, #tpu.memory_space<hbm>>) target(%dma_start3A_241 : memref<8x8x16xf32, #tpu.memory_space<vmem>>) target_semaphore(%arg8 : memref<!tpu.dma_semaphore, #tpu.memory_space<semaphore_mem>>)
      %slice3A_245 = vector.extract_strided_slice %and3A_25 {offsets = [13], sizes = [1], strides = [1]} : vector<16xi32> to vector<1xi32>
      %squeeze3A_246 = vector.extract %slice3A_245[0] : i32 from vector<1xi32>
      %multiple_of3A_247 = tpu.assume_multiple %squeeze3A_246, 16 : i32
      %dma_start3A_248 = arith.constant 0 : i32
      %dma_start3A_249 = arith.constant 0 : i32
      %dma_start3A_250 = arith.constant 208 : i32
      %dma_start3A_251 = tpu.memref_slice %arg6[%dma_start3A_248, %dma_start3A_249, %dma_start3A_250] : memref<8x8x256xf32, #tpu.memory_space<vmem>> -> memref<8x8x16xf32, #tpu.memory_space<vmem>>
      %dma_start3A_252 = arith.constant 0 : i32
      %dma_start3A_253 = arith.constant 0 : i32
      %dma_start3A_254 = tpu.memref_slice %arg3[%dma_start3A_252, %dma_start3A_253, %multiple_of3A_247] : memref<8x8x1000000xf32, #tpu.memory_space<hbm>> -> memref<8x8x16xf32, #tpu.memory_space<hbm>>
      %dma_start3A_255 = arith.constant 0 : i32
      %dma_start3A_256 = arith.constant 0 : i32
      %dma_start3A_257 = arith.constant 208 : i32
      %dma_start3A_258 = tpu.memref_slice %arg6[%dma_start3A_255, %dma_start3A_256, %dma_start3A_257] : memref<8x8x256xf32, #tpu.memory_space<vmem>> -> memref<8x8x16xf32, #tpu.memory_space<vmem>>
      %dma_start3A_259 = arith.constant 0 : i32
      %dma_start3A_260 = arith.constant 0 : i32
      %dma_start3A_261 = tpu.memref_slice %arg3[%dma_start3A_259, %dma_start3A_260, %multiple_of3A_247] : memref<8x8x1000000xf32, #tpu.memory_space<hbm>> -> memref<8x8x16xf32, #tpu.memory_space<hbm>>
      tpu.enqueue_dma source(%dma_start3A_261 : memref<8x8x16xf32, #tpu.memory_space<hbm>>) target(%dma_start3A_258 : memref<8x8x16xf32, #tpu.memory_space<vmem>>) target_semaphore(%arg9 : memref<!tpu.dma_semaphore, #tpu.memory_space<semaphore_mem>>)
      %slice3A_262 = vector.extract_strided_slice %and3A_25 {offsets = [14], sizes = [1], strides = [1]} : vector<16xi32> to vector<1xi32>
      %squeeze3A_263 = vector.extract %slice3A_262[0] : i32 from vector<1xi32>
      %multiple_of3A_264 = tpu.assume_multiple %squeeze3A_263, 16 : i32
      %dma_start3A_265 = arith.constant 0 : i32
      %dma_start3A_266 = arith.constant 0 : i32
      %dma_start3A_267 = arith.constant 224 : i32
      %dma_start3A_268 = tpu.memref_slice %arg6[%dma_start3A_265, %dma_start3A_266, %dma_start3A_267] : memref<8x8x256xf32, #tpu.memory_space<vmem>> -> memref<8x8x16xf32, #tpu.memory_space<vmem>>
      %dma_start3A_269 = arith.constant 0 : i32
      %dma_start3A_270 = arith.constant 0 : i32
      %dma_start3A_271 = tpu.memref_slice %arg3[%dma_start3A_269, %dma_start3A_270, %multiple_of3A_264] : memref<8x8x1000000xf32, #tpu.memory_space<hbm>> -> memref<8x8x16xf32, #tpu.memory_space<hbm>>
      %dma_start3A_272 = arith.constant 0 : i32
      %dma_start3A_273 = arith.constant 0 : i32
      %dma_start3A_274 = arith.constant 224 : i32
      %dma_start3A_275 = tpu.memref_slice %arg6[%dma_start3A_272, %dma_start3A_273, %dma_start3A_274] : memref<8x8x256xf32, #tpu.memory_space<vmem>> -> memref<8x8x16xf32, #tpu.memory_space<vmem>>
      %dma_start3A_276 = arith.constant 0 : i32
      %dma_start3A_277 = arith.constant 0 : i32
      %dma_start3A_278 = tpu.memref_slice %arg3[%dma_start3A_276, %dma_start3A_277, %multiple_of3A_264] : memref<8x8x1000000xf32, #tpu.memory_space<hbm>> -> memref<8x8x16xf32, #tpu.memory_space<hbm>>
      tpu.enqueue_dma source(%dma_start3A_278 : memref<8x8x16xf32, #tpu.memory_space<hbm>>) target(%dma_start3A_275 : memref<8x8x16xf32, #tpu.memory_space<vmem>>) target_semaphore(%arg8 : memref<!tpu.dma_semaphore, #tpu.memory_space<semaphore_mem>>)
      %slice3A_279 = vector.extract_strided_slice %and3A_25 {offsets = [15], sizes = [1], strides = [1]} : vector<16xi32> to vector<1xi32>
      %squeeze3A_280 = vector.extract %slice3A_279[0] : i32 from vector<1xi32>
      %multiple_of3A_281 = tpu.assume_multiple %squeeze3A_280, 16 : i32
      %dma_start3A_282 = arith.constant 0 : i32
      %dma_start3A_283 = arith.constant 0 : i32
      %dma_start3A_284 = arith.constant 240 : i32
      %dma_start3A_285 = tpu.memref_slice %arg6[%dma_start3A_282, %dma_start3A_283, %dma_start3A_284] : memref<8x8x256xf32, #tpu.memory_space<vmem>> -> memref<8x8x16xf32, #tpu.memory_space<vmem>>
      %dma_start3A_286 = arith.constant 0 : i32
      %dma_start3A_287 = arith.constant 0 : i32
      %dma_start3A_288 = tpu.memref_slice %arg3[%dma_start3A_286, %dma_start3A_287, %multiple_of3A_281] : memref<8x8x1000000xf32, #tpu.memory_space<hbm>> -> memref<8x8x16xf32, #tpu.memory_space<hbm>>
      %dma_start3A_289 = arith.constant 0 : i32
      %dma_start3A_290 = arith.constant 0 : i32
      %dma_start3A_291 = arith.constant 240 : i32
      %dma_start3A_292 = tpu.memref_slice %arg6[%dma_start3A_289, %dma_start3A_290, %dma_start3A_291] : memref<8x8x256xf32, #tpu.memory_space<vmem>> -> memref<8x8x16xf32, #tpu.memory_space<vmem>>
      %dma_start3A_293 = arith.constant 0 : i32
      %dma_start3A_294 = arith.constant 0 : i32
      %dma_start3A_295 = tpu.memref_slice %arg3[%dma_start3A_293, %dma_start3A_294, %multiple_of3A_281] : memref<8x8x1000000xf32, #tpu.memory_space<hbm>> -> memref<8x8x16xf32, #tpu.memory_space<hbm>>
      tpu.enqueue_dma source(%dma_start3A_295 : memref<8x8x16xf32, #tpu.memory_space<hbm>>) target(%dma_start3A_292 : memref<8x8x16xf32, #tpu.memory_space<vmem>>) target_semaphore(%arg9 : memref<!tpu.dma_semaphore, #tpu.memory_space<semaphore_mem>>)
      %dma_wait3A_296 = arith.constant 0 : i32
      %dma_wait3A_297 = arith.constant 0 : i32
      %dma_wait3A_298 = arith.constant 0 : i32
      %dma_wait3A_299 = tpu.memref_slice %arg6[%dma_wait3A_296, %dma_wait3A_297, %dma_wait3A_298] : memref<8x8x256xf32, #tpu.memory_space<vmem>> -> memref<8x8x128xf32, #tpu.memory_space<vmem>>
      %dma_wait3A_300 = arith.constant 0 : i32
      %dma_wait3A_301 = arith.constant 0 : i32
      %dma_wait3A_302 = arith.constant 0 : i32
      %dma_wait3A_303 = tpu.memref_slice %arg3[%dma_wait3A_300, %dma_wait3A_301, %dma_wait3A_302] : memref<8x8x1000000xf32, #tpu.memory_space<hbm>> -> memref<8x8x128xf32, #tpu.memory_space<hbm>>
      %dma_wait3A_304 = arith.constant 0 : i32
      %dma_wait3A_305 = arith.constant 0 : i32
      %dma_wait3A_306 = arith.constant 0 : i32
      %dma_wait3A_307 = tpu.memref_slice %arg6[%dma_wait3A_304, %dma_wait3A_305, %dma_wait3A_306] : memref<8x8x256xf32, #tpu.memory_space<vmem>> -> memref<8x8x128xf32, #tpu.memory_space<vmem>>
      %dma_wait3A_308 = arith.constant 0 : i32
      %dma_wait3A_309 = arith.constant 0 : i32
      %dma_wait3A_310 = arith.constant 0 : i32
      %dma_wait3A_311 = tpu.memref_slice %arg3[%dma_wait3A_308, %dma_wait3A_309, %dma_wait3A_310] : memref<8x8x1000000xf32, #tpu.memory_space<hbm>> -> memref<8x8x128xf32, #tpu.memory_space<hbm>>
      tpu.wait_dma2 semaphore(%arg8 : memref<!tpu.dma_semaphore, #tpu.memory_space<semaphore_mem>>) src(%dma_wait3A_311 : memref<8x8x128xf32, #tpu.memory_space<hbm>>) dst(%dma_wait3A_307 : memref<8x8x128xf32, #tpu.memory_space<vmem>>)
      %dma_wait3A_312 = arith.constant 0 : i32
      %dma_wait3A_313 = arith.constant 0 : i32
      %dma_wait3A_314 = arith.constant 0 : i32
      %dma_wait3A_315 = tpu.memref_slice %arg6[%dma_wait3A_312, %dma_wait3A_313, %dma_wait3A_314] : memref<8x8x256xf32, #tpu.memory_space<vmem>> -> memref<8x8x128xf32, #tpu.memory_space<vmem>>
      %dma_wait3A_316 = arith.constant 0 : i32
      %dma_wait3A_317 = arith.constant 0 : i32
      %dma_wait3A_318 = arith.constant 0 : i32
      %dma_wait3A_319 = tpu.memref_slice %arg3[%dma_wait3A_316, %dma_wait3A_317, %dma_wait3A_318] : memref<8x8x1000000xf32, #tpu.memory_space<hbm>> -> memref<8x8x128xf32, #tpu.memory_space<hbm>>
      %dma_wait3A_320 = arith.constant 0 : i32
      %dma_wait3A_321 = arith.constant 0 : i32
      %dma_wait3A_322 = arith.constant 0 : i32
      %dma_wait3A_323 = tpu.memref_slice %arg6[%dma_wait3A_320, %dma_wait3A_321, %dma_wait3A_322] : memref<8x8x256xf32, #tpu.memory_space<vmem>> -> memref<8x8x128xf32, #tpu.memory_space<vmem>>
      %dma_wait3A_324 = arith.constant 0 : i32
      %dma_wait3A_325 = arith.constant 0 : i32
      %dma_wait3A_326 = arith.constant 0 : i32
      %dma_wait3A_327 = tpu.memref_slice %arg3[%dma_wait3A_324, %dma_wait3A_325, %dma_wait3A_326] : memref<8x8x1000000xf32, #tpu.memory_space<hbm>> -> memref<8x8x128xf32, #tpu.memory_space<hbm>>
      tpu.wait_dma2 semaphore(%arg9 : memref<!tpu.dma_semaphore, #tpu.memory_space<semaphore_mem>>) src(%dma_wait3A_327 : memref<8x8x128xf32, #tpu.memory_space<hbm>>) dst(%dma_wait3A_323 : memref<8x8x128xf32, #tpu.memory_space<vmem>>)
      %mul3A_328 = arith.constant 16 : i32
      %mul3A_329 = arith.muli %scan3A_20, %mul3A_328 : i32
      %get3A_330 = arith.index_cast %mul3A_329 : i32 to index
      %get3A_331 = tpu.vector_load %arg5[%get3A_330] {strides = array<i32>} : memref<512xi32, #tpu.memory_space<vmem>>, vector<16xi32>,
      %and3A_332 = arith.constant 15 : i32
      %and3A_333 = vector.broadcast %and3A_332 : i32 to vector<16xi32>
      %and3A_334 = arith.andi %get3A_331, %and3A_333 : vector<16xi32>
      %mul3A_335 = arith.constant 16 : i32
      %mul3A_336 = vector.broadcast %mul3A_335 : i32 to vector<16xi32>
      %mul3A_337 = arith.muli %iota3A, %mul3A_336 : vector<16xi32>
      %add3A_338 = arith.addi %mul3A_337, %and3A_334 : vector<16xi32>
      %broadcast_in_dim3A = arith.constant 0 : i32
      %broadcast_in_dim3A_339 = vector.broadcast %broadcast_in_dim3A : i32 to vector<16xi32>
      %broadcast_in_dim3A_340 = arith.constant 0 : i32
      %broadcast_in_dim3A_341 = vector.broadcast %broadcast_in_dim3A_340 : i32 to vector<16xi32>
      %gather3A = tpu.vector_load_idx %arg6[%broadcast_in_dim3A_339, %broadcast_in_dim3A_341, %add3A_338] : memref<8x8x256xf32, #tpu.memory_space<vmem>>[vector<16xi32>, vector<16xi32>, vector<16xi32>], vector<16xf32>,
      %mul3A_342 = arith.constant 16 : i32
      %mul3A_343 = arith.muli %scan3A_20, %mul3A_342 : i32
      %swap3A = arith.constant 0 : i32
      %swap3A_344 = arith.constant 0 : i32
      %swap3A_345 = arith.index_cast %swap3A : i32 to index
      %swap3A_346 = arith.index_cast %swap3A_344 : i32 to index
      %swap3A_347 = arith.index_cast %mul3A_343 : i32 to index
      %swap3A_348 = tpu.vector_load %arg7[%swap3A_345, %swap3A_346, %swap3A_347] {strides = array<i32>} : memref<8x8x512xf32, #tpu.memory_space<vmem>>, vector<16xf32>,
      tpu.vector_store %arg7[%swap3A_345, %swap3A_346, %swap3A_347], %gather3A {strides = array<i32>} : memref<8x8x512xf32, #tpu.memory_space<vmem>>, vector<16xf32>,
      %broadcast_in_dim3A_349 = arith.constant 0 : i32
      %broadcast_in_dim3A_350 = vector.broadcast %broadcast_in_dim3A_349 : i32 to vector<16xi32>
      %broadcast_in_dim3A_351 = arith.constant 1 : i32
      %broadcast_in_dim3A_352 = vector.broadcast %broadcast_in_dim3A_351 : i32 to vector<16xi32>
      %gather3A_353 = tpu.vector_load_idx %arg6[%broadcast_in_dim3A_350, %broadcast_in_dim3A_352, %add3A_338] : memref<8x8x256xf32, #tpu.memory_space<vmem>>[vector<16xi32>, vector<16xi32>, vector<16xi32>], vector<16xf32>,
      %mul3A_354 = arith.constant 16 : i32
      %mul3A_355 = arith.muli %scan3A_20, %mul3A_354 : i32
      %swap3A_356 = arith.constant 0 : i32
      %swap3A_357 = arith.constant 1 : i32
      %swap3A_358 = arith.index_cast %swap3A_356 : i32 to index
      %swap3A_359 = arith.index_cast %swap3A_357 : i32 to index
      %swap3A_360 = arith.index_cast %mul3A_355 : i32 to index
      %swap3A_361 = tpu.vector_load %arg7[%swap3A_358, %swap3A_359, %swap3A_360] {strides = array<i32>} : memref<8x8x512xf32, #tpu.memory_space<vmem>>, vector<16xf32>,
      tpu.vector_store %arg7[%swap3A_358, %swap3A_359, %swap3A_360], %gather3A_353 {strides = array<i32>} : memref<8x8x512xf32, #tpu.memory_space<vmem>>, vector<16xf32>,
      %broadcast_in_dim3A_362 = arith.constant 0 : i32
      %broadcast_in_dim3A_363 = vector.broadcast %broadcast_in_dim3A_362 : i32 to vector<16xi32>
      %broadcast_in_dim3A_364 = arith.constant 2 : i32
      %broadcast_in_dim3A_365 = vector.broadcast %broadcast_in_dim3A_364 : i32 to vector<16xi32>
      %gather3A_366 = tpu.vector_load_idx %arg6[%broadcast_in_dim3A_363, %broadcast_in_dim3A_365, %add3A_338] : memref<8x8x256xf32, #tpu.memory_space<vmem>>[vector<16xi32>, vector<16xi32>, vector<16xi32>], vector<16xf32>,
      %mul3A_367 = arith.constant 16 : i32
      %mul3A_368 = arith.muli %scan3A_20, %mul3A_367 : i32
      %swap3A_369 = arith.constant 0 : i32
      %swap3A_370 = arith.constant 2 : i32
      %swap3A_371 = arith.index_cast %swap3A_369 : i32 to index
      %swap3A_372 = arith.index_cast %swap3A_370 : i32 to index
      %swap3A_373 = arith.index_cast %mul3A_368 : i32 to index
      %swap3A_374 = tpu.vector_load %arg7[%swap3A_371, %swap3A_372, %swap3A_373] {strides = array<i32>} : memref<8x8x512xf32, #tpu.memory_space<vmem>>, vector<16xf32>,
      tpu.vector_store %arg7[%swap3A_371, %swap3A_372, %swap3A_373], %gather3A_366 {strides = array<i32>} : memref<8x8x512xf32, #tpu.memory_space<vmem>>, vector<16xf32>,
      %broadcast_in_dim3A_375 = arith.constant 0 : i32
      %broadcast_in_dim3A_376 = vector.broadcast %broadcast_in_dim3A_375 : i32 to vector<16xi32>
      %broadcast_in_dim3A_377 = arith.constant 3 : i32
      %broadcast_in_dim3A_378 = vector.broadcast %broadcast_in_dim3A_377 : i32 to vector<16xi32>
      %gather3A_379 = tpu.vector_load_idx %arg6[%broadcast_in_dim3A_376, %broadcast_in_dim3A_378, %add3A_338] : memref<8x8x256xf32, #tpu.memory_space<vmem>>[vector<16xi32>, vector<16xi32>, vector<16xi32>], vector<16xf32>,
      %mul3A_380 = arith.constant 16 : i32
      %mul3A_381 = arith.muli %scan3A_20, %mul3A_380 : i32
      %swap3A_382 = arith.constant 0 : i32
      %swap3A_383 = arith.constant 3 : i32
      %swap3A_384 = arith.index_cast %swap3A_382 : i32 to index
      %swap3A_385 = arith.index_cast %swap3A_383 : i32 to index
      %swap3A_386 = arith.index_cast %mul3A_381 : i32 to index
      %swap3A_387 = tpu.vector_load %arg7[%swap3A_384, %swap3A_385, %swap3A_386] {strides = array<i32>} : memref<8x8x512xf32, #tpu.memory_space<vmem>>, vector<16xf32>,
      tpu.vector_store %arg7[%swap3A_384, %swap3A_385, %swap3A_386], %gather3A_379 {strides = array<i32>} : memref<8x8x512xf32, #tpu.memory_space<vmem>>, vector<16xf32>,
      %broadcast_in_dim3A_388 = arith.constant 0 : i32
      %broadcast_in_dim3A_389 = vector.broadcast %broadcast_in_dim3A_388 : i32 to vector<16xi32>
      %broadcast_in_dim3A_390 = arith.constant 4 : i32
      %broadcast_in_dim3A_391 = vector.broadcast %broadcast_in_dim3A_390 : i32 to vector<16xi32>
      %gather3A_392 = tpu.vector_load_idx %arg6[%broadcast_in_dim3A_389, %broadcast_in_dim3A_391, %add3A_338] : memref<8x8x256xf32, #tpu.memory_space<vmem>>[vector<16xi32>, vector<16xi32>, vector<16xi32>], vector<16xf32>,
      %mul3A_393 = arith.constant 16 : i32
      %mul3A_394 = arith.muli %scan3A_20, %mul3A_393 : i32
      %swap3A_395 = arith.constant 0 : i32
      %swap3A_396 = arith.constant 4 : i32
      %swap3A_397 = arith.index_cast %swap3A_395 : i32 to index
      %swap3A_398 = arith.index_cast %swap3A_396 : i32 to index
      %swap3A_399 = arith.index_cast %mul3A_394 : i32 to index
      %swap3A_400 = tpu.vector_load %arg7[%swap3A_397, %swap3A_398, %swap3A_399] {strides = array<i32>} : memref<8x8x512xf32, #tpu.memory_space<vmem>>, vector<16xf32>,
      tpu.vector_store %arg7[%swap3A_397, %swap3A_398, %swap3A_399], %gather3A_392 {strides = array<i32>} : memref<8x8x512xf32, #tpu.memory_space<vmem>>, vector<16xf32>,
      %broadcast_in_dim3A_401 = arith.constant 0 : i32
      %broadcast_in_dim3A_402 = vector.broadcast %broadcast_in_dim3A_401 : i32 to vector<16xi32>
      %broadcast_in_dim3A_403 = arith.constant 5 : i32
      %broadcast_in_dim3A_404 = vector.broadcast %broadcast_in_dim3A_403 : i32 to vector<16xi32>
      %gather3A_405 = tpu.vector_load_idx %arg6[%broadcast_in_dim3A_402, %broadcast_in_dim3A_404, %add3A_338] : memref<8x8x256xf32, #tpu.memory_space<vmem>>[vector<16xi32>, vector<16xi32>, vector<16xi32>], vector<16xf32>,
      %mul3A_406 = arith.constant 16 : i32
      %mul3A_407 = arith.muli %scan3A_20, %mul3A_406 : i32
      %swap3A_408 = arith.constant 0 : i32
      %swap3A_409 = arith.constant 5 : i32
      %swap3A_410 = arith.index_cast %swap3A_408 : i32 to index
      %swap3A_411 = arith.index_cast %swap3A_409 : i32 to index
      %swap3A_412 = arith.index_cast %mul3A_407 : i32 to index
      %swap3A_413 = tpu.vector_load %arg7[%swap3A_410, %swap3A_411, %swap3A_412] {strides = array<i32>} : memref<8x8x512xf32, #tpu.memory_space<vmem>>, vector<16xf32>,
      tpu.vector_store %arg7[%swap3A_410, %swap3A_411, %swap3A_412], %gather3A_405 {strides = array<i32>} : memref<8x8x512xf32, #tpu.memory_space<vmem>>, vector<16xf32>,
      %broadcast_in_dim3A_414 = arith.constant 0 : i32
      %broadcast_in_dim3A_415 = vector.broadcast %broadcast_in_dim3A_414 : i32 to vector<16xi32>
      %broadcast_in_dim3A_416 = arith.constant 6 : i32
      %broadcast_in_dim3A_417 = vector.broadcast %broadcast_in_dim3A_416 : i32 to vector<16xi32>
      %gather3A_418 = tpu.vector_load_idx %arg6[%broadcast_in_dim3A_415, %broadcast_in_dim3A_417, %add3A_338] : memref<8x8x256xf32, #tpu.memory_space<vmem>>[vector<16xi32>, vector<16xi32>, vector<16xi32>], vector<16xf32>,
      %mul3A_419 = arith.constant 16 : i32
      %mul3A_420 = arith.muli %scan3A_20, %mul3A_419 : i32
      %swap3A_421 = arith.constant 0 : i32
      %swap3A_422 = arith.constant 6 : i32
      %swap3A_423 = arith.index_cast %swap3A_421 : i32 to index
      %swap3A_424 = arith.index_cast %swap3A_422 : i32 to index
      %swap3A_425 = arith.index_cast %mul3A_420 : i32 to index
      %swap3A_426 = tpu.vector_load %arg7[%swap3A_423, %swap3A_424, %swap3A_425] {strides = array<i32>} : memref<8x8x512xf32, #tpu.memory_space<vmem>>, vector<16xf32>,
      tpu.vector_store %arg7[%swap3A_423, %swap3A_424, %swap3A_425], %gather3A_418 {strides = array<i32>} : memref<8x8x512xf32, #tpu.memory_space<vmem>>, vector<16xf32>,
      %broadcast_in_dim3A_427 = arith.constant 0 : i32
      %broadcast_in_dim3A_428 = vector.broadcast %broadcast_in_dim3A_427 : i32 to vector<16xi32>
      %broadcast_in_dim3A_429 = arith.constant 7 : i32
      %broadcast_in_dim3A_430 = vector.broadcast %broadcast_in_dim3A_429 : i32 to vector<16xi32>
      %gather3A_431 = tpu.vector_load_idx %arg6[%broadcast_in_dim3A_428, %broadcast_in_dim3A_430, %add3A_338] : memref<8x8x256xf32, #tpu.memory_space<vmem>>[vector<16xi32>, vector<16xi32>, vector<16xi32>], vector<16xf32>,
      %mul3A_432 = arith.constant 16 : i32
      %mul3A_433 = arith.muli %scan3A_20, %mul3A_432 : i32
      %swap3A_434 = arith.constant 0 : i32
      %swap3A_435 = arith.constant 7 : i32
      %swap3A_436 = arith.index_cast %swap3A_434 : i32 to index
      %swap3A_437 = arith.index_cast %swap3A_435 : i32 to index
      %swap3A_438 = arith.index_cast %mul3A_433 : i32 to index
      %swap3A_439 = tpu.vector_load %arg7[%swap3A_436, %swap3A_437, %swap3A_438] {strides = array<i32>} : memref<8x8x512xf32, #tpu.memory_space<vmem>>, vector<16xf32>,
      tpu.vector_store %arg7[%swap3A_436, %swap3A_437, %swap3A_438], %gather3A_431 {strides = array<i32>} : memref<8x8x512xf32, #tpu.memory_space<vmem>>, vector<16xf32>,
      %broadcast_in_dim3A_440 = arith.constant 1 : i32
      %broadcast_in_dim3A_441 = vector.broadcast %broadcast_in_dim3A_440 : i32 to vector<16xi32>
      %broadcast_in_dim3A_442 = arith.constant 0 : i32
      %broadcast_in_dim3A_443 = vector.broadcast %broadcast_in_dim3A_442 : i32 to vector<16xi32>
      %gather3A_444 = tpu.vector_load_idx %arg6[%broadcast_in_dim3A_441, %broadcast_in_dim3A_443, %add3A_338] : memref<8x8x256xf32, #tpu.memory_space<vmem>>[vector<16xi32>, vector<16xi32>, vector<16xi32>], vector<16xf32>,
      %mul3A_445 = arith.constant 16 : i32
      %mul3A_446 = arith.muli %scan3A_20, %mul3A_445 : i32
      %swap3A_447 = arith.constant 1 : i32
      %swap3A_448 = arith.constant 0 : i32
      %swap3A_449 = arith.index_cast %swap3A_447 : i32 to index
      %swap3A_450 = arith.index_cast %swap3A_448 : i32 to index
      %swap3A_451 = arith.index_cast %mul3A_446 : i32 to index
      %swap3A_452 = tpu.vector_load %arg7[%swap3A_449, %swap3A_450, %swap3A_451] {strides = array<i32>} : memref<8x8x512xf32, #tpu.memory_space<vmem>>, vector<16xf32>,
      tpu.vector_store %arg7[%swap3A_449, %swap3A_450, %swap3A_451], %gather3A_444 {strides = array<i32>} : memref<8x8x512xf32, #tpu.memory_space<vmem>>, vector<16xf32>,
      %broadcast_in_dim3A_453 = arith.constant 1 : i32
      %broadcast_in_dim3A_454 = vector.broadcast %broadcast_in_dim3A_453 : i32 to vector<16xi32>
      %broadcast_in_dim3A_455 = arith.constant 1 : i32
      %broadcast_in_dim3A_456 = vector.broadcast %broadcast_in_dim3A_455 : i32 to vector<16xi32>
      %gather3A_457 = tpu.vector_load_idx %arg6[%broadcast_in_dim3A_454, %broadcast_in_dim3A_456, %add3A_338] : memref<8x8x256xf32, #tpu.memory_space<vmem>>[vector<16xi32>, vector<16xi32>, vector<16xi32>], vector<16xf32>,
      %mul3A_458 = arith.constant 16 : i32
      %mul3A_459 = arith.muli %scan3A_20, %mul3A_458 : i32
      %swap3A_460 = arith.constant 1 : i32
      %swap3A_461 = arith.constant 1 : i32
      %swap3A_462 = arith.index_cast %swap3A_460 : i32 to index
      %swap3A_463 = arith.index_cast %swap3A_461 : i32 to index
      %swap3A_464 = arith.index_cast %mul3A_459 : i32 to index
      %swap3A_465 = tpu.vector_load %arg7[%swap3A_462, %swap3A_463, %swap3A_464] {strides = array<i32>} : memref<8x8x512xf32, #tpu.memory_space<vmem>>, vector<16xf32>,
      tpu.vector_store %arg7[%swap3A_462, %swap3A_463, %swap3A_464], %gather3A_457 {strides = array<i32>} : memref<8x8x512xf32, #tpu.memory_space<vmem>>, vector<16xf32>,
      %broadcast_in_dim3A_466 = arith.constant 1 : i32
      %broadcast_in_dim3A_467 = vector.broadcast %broadcast_in_dim3A_466 : i32 to vector<16xi32>
      %broadcast_in_dim3A_468 = arith.constant 2 : i32
      %broadcast_in_dim3A_469 = vector.broadcast %broadcast_in_dim3A_468 : i32 to vector<16xi32>
      %gather3A_470 = tpu.vector_load_idx %arg6[%broadcast_in_dim3A_467, %broadcast_in_dim3A_469, %add3A_338] : memref<8x8x256xf32, #tpu.memory_space<vmem>>[vector<16xi32>, vector<16xi32>, vector<16xi32>], vector<16xf32>,
      %mul3A_471 = arith.constant 16 : i32
      %mul3A_472 = arith.muli %scan3A_20, %mul3A_471 : i32
      %swap3A_473 = arith.constant 1 : i32
      %swap3A_474 = arith.constant 2 : i32
      %swap3A_475 = arith.index_cast %swap3A_473 : i32 to index
      %swap3A_476 = arith.index_cast %swap3A_474 : i32 to index
      %swap3A_477 = arith.index_cast %mul3A_472 : i32 to index
      %swap3A_478 = tpu.vector_load %arg7[%swap3A_475, %swap3A_476, %swap3A_477] {strides = array<i32>} : memref<8x8x512xf32, #tpu.memory_space<vmem>>, vector<16xf32>,
      tpu.vector_store %arg7[%swap3A_475, %swap3A_476, %swap3A_477], %gather3A_470 {strides = array<i32>} : memref<8x8x512xf32, #tpu.memory_space<vmem>>, vector<16xf32>,
      %broadcast_in_dim3A_479 = arith.constant 1 : i32
      %broadcast_in_dim3A_480 = vector.broadcast %broadcast_in_dim3A_479 : i32 to vector<16xi32>
      %broadcast_in_dim3A_481 = arith.constant 3 : i32
      %broadcast_in_dim3A_482 = vector.broadcast %broadcast_in_dim3A_481 : i32 to vector<16xi32>
      %gather3A_483 = tpu.vector_load_idx %arg6[%broadcast_in_dim3A_480, %broadcast_in_dim3A_482, %add3A_338] : memref<8x8x256xf32, #tpu.memory_space<vmem>>[vector<16xi32>, vector<16xi32>, vector<16xi32>], vector<16xf32>,
      %mul3A_484 = arith.constant 16 : i32
      %mul3A_485 = arith.muli %scan3A_20, %mul3A_484 : i32
      %swap3A_486 = arith.constant 1 : i32
      %swap3A_487 = arith.constant 3 : i32
      %swap3A_488 = arith.index_cast %swap3A_486 : i32 to index
      %swap3A_489 = arith.index_cast %swap3A_487 : i32 to index
      %swap3A_490 = arith.index_cast %mul3A_485 : i32 to index
      %swap3A_491 = tpu.vector_load %arg7[%swap3A_488, %swap3A_489, %swap3A_490] {strides = array<i32>} : memref<8x8x512xf32, #tpu.memory_space<vmem>>, vector<16xf32>,
      tpu.vector_store %arg7[%swap3A_488, %swap3A_489, %swap3A_490], %gather3A_483 {strides = array<i32>} : memref<8x8x512xf32, #tpu.memory_space<vmem>>, vector<16xf32>,
      %broadcast_in_dim3A_492 = arith.constant 1 : i32
      %broadcast_in_dim3A_493 = vector.broadcast %broadcast_in_dim3A_492 : i32 to vector<16xi32>
      %broadcast_in_dim3A_494 = arith.constant 4 : i32
      %broadcast_in_dim3A_495 = vector.broadcast %broadcast_in_dim3A_494 : i32 to vector<16xi32>
      %gather3A_496 = tpu.vector_load_idx %arg6[%broadcast_in_dim3A_493, %broadcast_in_dim3A_495, %add3A_338] : memref<8x8x256xf32, #tpu.memory_space<vmem>>[vector<16xi32>, vector<16xi32>, vector<16xi32>], vector<16xf32>,
      %mul3A_497 = arith.constant 16 : i32
      %mul3A_498 = arith.muli %scan3A_20, %mul3A_497 : i32
      %swap3A_499 = arith.constant 1 : i32
      %swap3A_500 = arith.constant 4 : i32
      %swap3A_501 = arith.index_cast %swap3A_499 : i32 to index
      %swap3A_502 = arith.index_cast %swap3A_500 : i32 to index
      %swap3A_503 = arith.index_cast %mul3A_498 : i32 to index
      %swap3A_504 = tpu.vector_load %arg7[%swap3A_501, %swap3A_502, %swap3A_503] {strides = array<i32>} : memref<8x8x512xf32, #tpu.memory_space<vmem>>, vector<16xf32>,
      tpu.vector_store %arg7[%swap3A_501, %swap3A_502, %swap3A_503], %gather3A_496 {strides = array<i32>} : memref<8x8x512xf32, #tpu.memory_space<vmem>>, vector<16xf32>,
      %broadcast_in_dim3A_505 = arith.constant 1 : i32
      %broadcast_in_dim3A_506 = vector.broadcast %broadcast_in_dim3A_505 : i32 to vector<16xi32>
      %broadcast_in_dim3A_507 = arith.constant 5 : i32
      %broadcast_in_dim3A_508 = vector.broadcast %broadcast_in_dim3A_507 : i32 to vector<16xi32>
      %gather3A_509 = tpu.vector_load_idx %arg6[%broadcast_in_dim3A_506, %broadcast_in_dim3A_508, %add3A_338] : memref<8x8x256xf32, #tpu.memory_space<vmem>>[vector<16xi32>, vector<16xi32>, vector<16xi32>], vector<16xf32>,
      %mul3A_510 = arith.constant 16 : i32
      %mul3A_511 = arith.muli %scan3A_20, %mul3A_510 : i32
      %swap3A_512 = arith.constant 1 : i32
      %swap3A_513 = arith.constant 5 : i32
      %swap3A_514 = arith.index_cast %swap3A_512 : i32 to index
      %swap3A_515 = arith.index_cast %swap3A_513 : i32 to index
      %swap3A_516 = arith.index_cast %mul3A_511 : i32 to index
      %swap3A_517 = tpu.vector_load %arg7[%swap3A_514, %swap3A_515, %swap3A_516] {strides = array<i32>} : memref<8x8x512xf32, #tpu.memory_space<vmem>>, vector<16xf32>,
      tpu.vector_store %arg7[%swap3A_514, %swap3A_515, %swap3A_516], %gather3A_509 {strides = array<i32>} : memref<8x8x512xf32, #tpu.memory_space<vmem>>, vector<16xf32>,
      %broadcast_in_dim3A_518 = arith.constant 1 : i32
      %broadcast_in_dim3A_519 = vector.broadcast %broadcast_in_dim3A_518 : i32 to vector<16xi32>
      %broadcast_in_dim3A_520 = arith.constant 6 : i32
      %broadcast_in_dim3A_521 = vector.broadcast %broadcast_in_dim3A_520 : i32 to vector<16xi32>
      %gather3A_522 = tpu.vector_load_idx %arg6[%broadcast_in_dim3A_519, %broadcast_in_dim3A_521, %add3A_338] : memref<8x8x256xf32, #tpu.memory_space<vmem>>[vector<16xi32>, vector<16xi32>, vector<16xi32>], vector<16xf32>,
      %mul3A_523 = arith.constant 16 : i32
      %mul3A_524 = arith.muli %scan3A_20, %mul3A_523 : i32
      %swap3A_525 = arith.constant 1 : i32
      %swap3A_526 = arith.constant 6 : i32
      %swap3A_527 = arith.index_cast %swap3A_525 : i32 to index
      %swap3A_528 = arith.index_cast %swap3A_526 : i32 to index
      %swap3A_529 = arith.index_cast %mul3A_524 : i32 to index
      %swap3A_530 = tpu.vector_load %arg7[%swap3A_527, %swap3A_528, %swap3A_529] {strides = array<i32>} : memref<8x8x512xf32, #tpu.memory_space<vmem>>, vector<16xf32>,
      tpu.vector_store %arg7[%swap3A_527, %swap3A_528, %swap3A_529], %gather3A_522 {strides = array<i32>} : memref<8x8x512xf32, #tpu.memory_space<vmem>>, vector<16xf32>,
      %broadcast_in_dim3A_531 = arith.constant 1 : i32
      %broadcast_in_dim3A_532 = vector.broadcast %broadcast_in_dim3A_531 : i32 to vector<16xi32>
      %broadcast_in_dim3A_533 = arith.constant 7 : i32
      %broadcast_in_dim3A_534 = vector.broadcast %broadcast_in_dim3A_533 : i32 to vector<16xi32>
      %gather3A_535 = tpu.vector_load_idx %arg6[%broadcast_in_dim3A_532, %broadcast_in_dim3A_534, %add3A_338] : memref<8x8x256xf32, #tpu.memory_space<vmem>>[vector<16xi32>, vector<16xi32>, vector<16xi32>], vector<16xf32>,
      %mul3A_536 = arith.constant 16 : i32
      %mul3A_537 = arith.muli %scan3A_20, %mul3A_536 : i32
      %swap3A_538 = arith.constant 1 : i32
      %swap3A_539 = arith.constant 7 : i32
      %swap3A_540 = arith.index_cast %swap3A_538 : i32 to index
      %swap3A_541 = arith.index_cast %swap3A_539 : i32 to index
      %swap3A_542 = arith.index_cast %mul3A_537 : i32 to index
      %swap3A_543 = tpu.vector_load %arg7[%swap3A_540, %swap3A_541, %swap3A_542] {strides = array<i32>} : memref<8x8x512xf32, #tpu.memory_space<vmem>>, vector<16xf32>,
      tpu.vector_store %arg7[%swap3A_540, %swap3A_541, %swap3A_542], %gather3A_535 {strides = array<i32>} : memref<8x8x512xf32, #tpu.memory_space<vmem>>, vector<16xf32>,
      %broadcast_in_dim3A_544 = arith.constant 2 : i32
      %broadcast_in_dim3A_545 = vector.broadcast %broadcast_in_dim3A_544 : i32 to vector<16xi32>
      %broadcast_in_dim3A_546 = arith.constant 0 : i32
      %broadcast_in_dim3A_547 = vector.broadcast %broadcast_in_dim3A_546 : i32 to vector<16xi32>
      %gather3A_548 = tpu.vector_load_idx %arg6[%broadcast_in_dim3A_545, %broadcast_in_dim3A_547, %add3A_338] : memref<8x8x256xf32, #tpu.memory_space<vmem>>[vector<16xi32>, vector<16xi32>, vector<16xi32>], vector<16xf32>,
      %mul3A_549 = arith.constant 16 : i32
      %mul3A_550 = arith.muli %scan3A_20, %mul3A_549 : i32
      %swap3A_551 = arith.constant 2 : i32
      %swap3A_552 = arith.constant 0 : i32
      %swap3A_553 = arith.index_cast %swap3A_551 : i32 to index
      %swap3A_554 = arith.index_cast %swap3A_552 : i32 to index
      %swap3A_555 = arith.index_cast %mul3A_550 : i32 to index
      %swap3A_556 = tpu.vector_load %arg7[%swap3A_553, %swap3A_554, %swap3A_555] {strides = array<i32>} : memref<8x8x512xf32, #tpu.memory_space<vmem>>, vector<16xf32>,
      tpu.vector_store %arg7[%swap3A_553, %swap3A_554, %swap3A_555], %gather3A_548 {strides = array<i32>} : memref<8x8x512xf32, #tpu.memory_space<vmem>>, vector<16xf32>,
      %broadcast_in_dim3A_557 = arith.constant 2 : i32
      %broadcast_in_dim3A_558 = vector.broadcast %broadcast_in_dim3A_557 : i32 to vector<16xi32>
      %broadcast_in_dim3A_559 = arith.constant 1 : i32
      %broadcast_in_dim3A_560 = vector.broadcast %broadcast_in_dim3A_559 : i32 to vector<16xi32>
      %gather3A_561 = tpu.vector_load_idx %arg6[%broadcast_in_dim3A_558, %broadcast_in_dim3A_560, %add3A_338] : memref<8x8x256xf32, #tpu.memory_space<vmem>>[vector<16xi32>, vector<16xi32>, vector<16xi32>], vector<16xf32>,
      %mul3A_562 = arith.constant 16 : i32
      %mul3A_563 = arith.muli %scan3A_20, %mul3A_562 : i32
      %swap3A_564 = arith.constant 2 : i32
      %swap3A_565 = arith.constant 1 : i32
      %swap3A_566 = arith.index_cast %swap3A_564 : i32 to index
      %swap3A_567 = arith.index_cast %swap3A_565 : i32 to index
      %swap3A_568 = arith.index_cast %mul3A_563 : i32 to index
      %swap3A_569 = tpu.vector_load %arg7[%swap3A_566, %swap3A_567, %swap3A_568] {strides = array<i32>} : memref<8x8x512xf32, #tpu.memory_space<vmem>>, vector<16xf32>,
      tpu.vector_store %arg7[%swap3A_566, %swap3A_567, %swap3A_568], %gather3A_561 {strides = array<i32>} : memref<8x8x512xf32, #tpu.memory_space<vmem>>, vector<16xf32>,
      %broadcast_in_dim3A_570 = arith.constant 2 : i32
      %broadcast_in_dim3A_571 = vector.broadcast %broadcast_in_dim3A_570 : i32 to vector<16xi32>
      %broadcast_in_dim3A_572 = arith.constant 2 : i32
      %broadcast_in_dim3A_573 = vector.broadcast %broadcast_in_dim3A_572 : i32 to vector<16xi32>
      %gather3A_574 = tpu.vector_load_idx %arg6[%broadcast_in_dim3A_571, %broadcast_in_dim3A_573, %add3A_338] : memref<8x8x256xf32, #tpu.memory_space<vmem>>[vector<16xi32>, vector<16xi32>, vector<16xi32>], vector<16xf32>,
      %mul3A_575 = arith.constant 16 : i32
      %mul3A_576 = arith.muli %scan3A_20, %mul3A_575 : i32
      %swap3A_577 = arith.constant 2 : i32
      %swap3A_578 = arith.constant 2 : i32
      %swap3A_579 = arith.index_cast %swap3A_577 : i32 to index
      %swap3A_580 = arith.index_cast %swap3A_578 : i32 to index
      %swap3A_581 = arith.index_cast %mul3A_576 : i32 to index
      %swap3A_582 = tpu.vector_load %arg7[%swap3A_579, %swap3A_580, %swap3A_581] {strides = array<i32>} : memref<8x8x512xf32, #tpu.memory_space<vmem>>, vector<16xf32>,
      tpu.vector_store %arg7[%swap3A_579, %swap3A_580, %swap3A_581], %gather3A_574 {strides = array<i32>} : memref<8x8x512xf32, #tpu.memory_space<vmem>>, vector<16xf32>,
      %broadcast_in_dim3A_583 = arith.constant 2 : i32
      %broadcast_in_dim3A_584 = vector.broadcast %broadcast_in_dim3A_583 : i32 to vector<16xi32>
      %broadcast_in_dim3A_585 = arith.constant 3 : i32
      %broadcast_in_dim3A_586 = vector.broadcast %broadcast_in_dim3A_585 : i32 to vector<16xi32>
      %gather3A_587 = tpu.vector_load_idx %arg6[%broadcast_in_dim3A_584, %broadcast_in_dim3A_586, %add3A_338] : memref<8x8x256xf32, #tpu.memory_space<vmem>>[vector<16xi32>, vector<16xi32>, vector<16xi32>], vector<16xf32>,
      %mul3A_588 = arith.constant 16 : i32
      %mul3A_589 = arith.muli %scan3A_20, %mul3A_588 : i32
      %swap3A_590 = arith.constant 2 : i32
      %swap3A_591 = arith.constant 3 : i32
      %swap3A_592 = arith.index_cast %swap3A_590 : i32 to index
      %swap3A_593 = arith.index_cast %swap3A_591 : i32 to index
      %swap3A_594 = arith.index_cast %mul3A_589 : i32 to index
      %swap3A_595 = tpu.vector_load %arg7[%swap3A_592, %swap3A_593, %swap3A_594] {strides = array<i32>} : memref<8x8x512xf32, #tpu.memory_space<vmem>>, vector<16xf32>,
      tpu.vector_store %arg7[%swap3A_592, %swap3A_593, %swap3A_594], %gather3A_587 {strides = array<i32>} : memref<8x8x512xf32, #tpu.memory_space<vmem>>, vector<16xf32>,
      %broadcast_in_dim3A_596 = arith.constant 2 : i32
      %broadcast_in_dim3A_597 = vector.broadcast %broadcast_in_dim3A_596 : i32 to vector<16xi32>
      %broadcast_in_dim3A_598 = arith.constant 4 : i32
      %broadcast_in_dim3A_599 = vector.broadcast %broadcast_in_dim3A_598 : i32 to vector<16xi32>
      %gather3A_600 = tpu.vector_load_idx %arg6[%broadcast_in_dim3A_597, %broadcast_in_dim3A_599, %add3A_338] : memref<8x8x256xf32, #tpu.memory_space<vmem>>[vector<16xi32>, vector<16xi32>, vector<16xi32>], vector<16xf32>,
      %mul3A_601 = arith.constant 16 : i32
      %mul3A_602 = arith.muli %scan3A_20, %mul3A_601 : i32
      %swap3A_603 = arith.constant 2 : i32
      %swap3A_604 = arith.constant 4 : i32
      %swap3A_605 = arith.index_cast %swap3A_603 : i32 to index
      %swap3A_606 = arith.index_cast %swap3A_604 : i32 to index
      %swap3A_607 = arith.index_cast %mul3A_602 : i32 to index
      %swap3A_608 = tpu.vector_load %arg7[%swap3A_605, %swap3A_606, %swap3A_607] {strides = array<i32>} : memref<8x8x512xf32, #tpu.memory_space<vmem>>, vector<16xf32>,
      tpu.vector_store %arg7[%swap3A_605, %swap3A_606, %swap3A_607], %gather3A_600 {strides = array<i32>} : memref<8x8x512xf32, #tpu.memory_space<vmem>>, vector<16xf32>,
      %broadcast_in_dim3A_609 = arith.constant 2 : i32
      %broadcast_in_dim3A_610 = vector.broadcast %broadcast_in_dim3A_609 : i32 to vector<16xi32>
      %broadcast_in_dim3A_611 = arith.constant 5 : i32
      %broadcast_in_dim3A_612 = vector.broadcast %broadcast_in_dim3A_611 : i32 to vector<16xi32>
      %gather3A_613 = tpu.vector_load_idx %arg6[%broadcast_in_dim3A_610, %broadcast_in_dim3A_612, %add3A_338] : memref<8x8x256xf32, #tpu.memory_space<vmem>>[vector<16xi32>, vector<16xi32>, vector<16xi32>], vector<16xf32>,
      %mul3A_614 = arith.constant 16 : i32
      %mul3A_615 = arith.muli %scan3A_20, %mul3A_614 : i32
      %swap3A_616 = arith.constant 2 : i32
      %swap3A_617 = arith.constant 5 : i32
      %swap3A_618 = arith.index_cast %swap3A_616 : i32 to index
      %swap3A_619 = arith.index_cast %swap3A_617 : i32 to index
      %swap3A_620 = arith.index_cast %mul3A_615 : i32 to index
      %swap3A_621 = tpu.vector_load %arg7[%swap3A_618, %swap3A_619, %swap3A_620] {strides = array<i32>} : memref<8x8x512xf32, #tpu.memory_space<vmem>>, vector<16xf32>,
      tpu.vector_store %arg7[%swap3A_618, %swap3A_619, %swap3A_620], %gather3A_613 {strides = array<i32>} : memref<8x8x512xf32, #tpu.memory_space<vmem>>, vector<16xf32>,
      %broadcast_in_dim3A_622 = arith.constant 2 : i32
      %broadcast_in_dim3A_623 = vector.broadcast %broadcast_in_dim3A_622 : i32 to vector<16xi32>
      %broadcast_in_dim3A_624 = arith.constant 6 : i32
      %broadcast_in_dim3A_625 = vector.broadcast %broadcast_in_dim3A_624 : i32 to vector<16xi32>
      %gather3A_626 = tpu.vector_load_idx %arg6[%broadcast_in_dim3A_623, %broadcast_in_dim3A_625, %add3A_338] : memref<8x8x256xf32, #tpu.memory_space<vmem>>[vector<16xi32>, vector<16xi32>, vector<16xi32>], vector<16xf32>,
      %mul3A_627 = arith.constant 16 : i32
      %mul3A_628 = arith.muli %scan3A_20, %mul3A_627 : i32
      %swap3A_629 = arith.constant 2 : i32
      %swap3A_630 = arith.constant 6 : i32
      %swap3A_631 = arith.index_cast %swap3A_629 : i32 to index
      %swap3A_632 = arith.index_cast %swap3A_630 : i32 to index
      %swap3A_633 = arith.index_cast %mul3A_628 : i32 to index
      %swap3A_634 = tpu.vector_load %arg7[%swap3A_631, %swap3A_632, %swap3A_633] {strides = array<i32>} : memref<8x8x512xf32, #tpu.memory_space<vmem>>, vector<16xf32>,
      tpu.vector_store %arg7[%swap3A_631, %swap3A_632, %swap3A_633], %gather3A_626 {strides = array<i32>} : memref<8x8x512xf32, #tpu.memory_space<vmem>>, vector<16xf32>,
      %broadcast_in_dim3A_635 = arith.constant 2 : i32
      %broadcast_in_dim3A_636 = vector.broadcast %broadcast_in_dim3A_635 : i32 to vector<16xi32>
      %broadcast_in_dim3A_637 = arith.constant 7 : i32
      %broadcast_in_dim3A_638 = vector.broadcast %broadcast_in_dim3A_637 : i32 to vector<16xi32>
      %gather3A_639 = tpu.vector_load_idx %arg6[%broadcast_in_dim3A_636, %broadcast_in_dim3A_638, %add3A_338] : memref<8x8x256xf32, #tpu.memory_space<vmem>>[vector<16xi32>, vector<16xi32>, vector<16xi32>], vector<16xf32>,
      %mul3A_640 = arith.constant 16 : i32
      %mul3A_641 = arith.muli %scan3A_20, %mul3A_640 : i32
      %swap3A_642 = arith.constant 2 : i32
      %swap3A_643 = arith.constant 7 : i32
      %swap3A_644 = arith.index_cast %swap3A_642 : i32 to index
      %swap3A_645 = arith.index_cast %swap3A_643 : i32 to index
      %swap3A_646 = arith.index_cast %mul3A_641 : i32 to index
      %swap3A_647 = tpu.vector_load %arg7[%swap3A_644, %swap3A_645, %swap3A_646] {strides = array<i32>} : memref<8x8x512xf32, #tpu.memory_space<vmem>>, vector<16xf32>,
      tpu.vector_store %arg7[%swap3A_644, %swap3A_645, %swap3A_646], %gather3A_639 {strides = array<i32>} : memref<8x8x512xf32, #tpu.memory_space<vmem>>, vector<16xf32>,
      %broadcast_in_dim3A_648 = arith.constant 3 : i32
      %broadcast_in_dim3A_649 = vector.broadcast %broadcast_in_dim3A_648 : i32 to vector<16xi32>
      %broadcast_in_dim3A_650 = arith.constant 0 : i32
      %broadcast_in_dim3A_651 = vector.broadcast %broadcast_in_dim3A_650 : i32 to vector<16xi32>
      %gather3A_652 = tpu.vector_load_idx %arg6[%broadcast_in_dim3A_649, %broadcast_in_dim3A_651, %add3A_338] : memref<8x8x256xf32, #tpu.memory_space<vmem>>[vector<16xi32>, vector<16xi32>, vector<16xi32>], vector<16xf32>,
      %mul3A_653 = arith.constant 16 : i32
      %mul3A_654 = arith.muli %scan3A_20, %mul3A_653 : i32
      %swap3A_655 = arith.constant 3 : i32
      %swap3A_656 = arith.constant 0 : i32
      %swap3A_657 = arith.index_cast %swap3A_655 : i32 to index
      %swap3A_658 = arith.index_cast %swap3A_656 : i32 to index
      %swap3A_659 = arith.index_cast %mul3A_654 : i32 to index
      %swap3A_660 = tpu.vector_load %arg7[%swap3A_657, %swap3A_658, %swap3A_659] {strides = array<i32>} : memref<8x8x512xf32, #tpu.memory_space<vmem>>, vector<16xf32>,
      tpu.vector_store %arg7[%swap3A_657, %swap3A_658, %swap3A_659], %gather3A_652 {strides = array<i32>} : memref<8x8x512xf32, #tpu.memory_space<vmem>>, vector<16xf32>,
      %broadcast_in_dim3A_661 = arith.constant 3 : i32
      %broadcast_in_dim3A_662 = vector.broadcast %broadcast_in_dim3A_661 : i32 to vector<16xi32>
      %broadcast_in_dim3A_663 = arith.constant 1 : i32
      %broadcast_in_dim3A_664 = vector.broadcast %broadcast_in_dim3A_663 : i32 to vector<16xi32>
      %gather3A_665 = tpu.vector_load_idx %arg6[%broadcast_in_dim3A_662, %broadcast_in_dim3A_664, %add3A_338] : memref<8x8x256xf32, #tpu.memory_space<vmem>>[vector<16xi32>, vector<16xi32>, vector<16xi32>], vector<16xf32>,
      %mul3A_666 = arith.constant 16 : i32
      %mul3A_667 = arith.muli %scan3A_20, %mul3A_666 : i32
      %swap3A_668 = arith.constant 3 : i32
      %swap3A_669 = arith.constant 1 : i32
      %swap3A_670 = arith.index_cast %swap3A_668 : i32 to index
      %swap3A_671 = arith.index_cast %swap3A_669 : i32 to index
      %swap3A_672 = arith.index_cast %mul3A_667 : i32 to index
      %swap3A_673 = tpu.vector_load %arg7[%swap3A_670, %swap3A_671, %swap3A_672] {strides = array<i32>} : memref<8x8x512xf32, #tpu.memory_space<vmem>>, vector<16xf32>,
      tpu.vector_store %arg7[%swap3A_670, %swap3A_671, %swap3A_672], %gather3A_665 {strides = array<i32>} : memref<8x8x512xf32, #tpu.memory_space<vmem>>, vector<16xf32>,
      %broadcast_in_dim3A_674 = arith.constant 3 : i32
      %broadcast_in_dim3A_675 = vector.broadcast %broadcast_in_dim3A_674 : i32 to vector<16xi32>
      %broadcast_in_dim3A_676 = arith.constant 2 : i32
      %broadcast_in_dim3A_677 = vector.broadcast %broadcast_in_dim3A_676 : i32 to vector<16xi32>
      %gather3A_678 = tpu.vector_load_idx %arg6[%broadcast_in_dim3A_675, %broadcast_in_dim3A_677, %add3A_338] : memref<8x8x256xf32, #tpu.memory_space<vmem>>[vector<16xi32>, vector<16xi32>, vector<16xi32>], vector<16xf32>,
      %mul3A_679 = arith.constant 16 : i32
      %mul3A_680 = arith.muli %scan3A_20, %mul3A_679 : i32
      %swap3A_681 = arith.constant 3 : i32
      %swap3A_682 = arith.constant 2 : i32
      %swap3A_683 = arith.index_cast %swap3A_681 : i32 to index
      %swap3A_684 = arith.index_cast %swap3A_682 : i32 to index
      %swap3A_685 = arith.index_cast %mul3A_680 : i32 to index
      %swap3A_686 = tpu.vector_load %arg7[%swap3A_683, %swap3A_684, %swap3A_685] {strides = array<i32>} : memref<8x8x512xf32, #tpu.memory_space<vmem>>, vector<16xf32>,
      tpu.vector_store %arg7[%swap3A_683, %swap3A_684, %swap3A_685], %gather3A_678 {strides = array<i32>} : memref<8x8x512xf32, #tpu.memory_space<vmem>>, vector<16xf32>,
      %broadcast_in_dim3A_687 = arith.constant 3 : i32
      %broadcast_in_dim3A_688 = vector.broadcast %broadcast_in_dim3A_687 : i32 to vector<16xi32>
      %broadcast_in_dim3A_689 = arith.constant 3 : i32
      %broadcast_in_dim3A_690 = vector.broadcast %broadcast_in_dim3A_689 : i32 to vector<16xi32>
      %gather3A_691 = tpu.vector_load_idx %arg6[%broadcast_in_dim3A_688, %broadcast_in_dim3A_690, %add3A_338] : memref<8x8x256xf32, #tpu.memory_space<vmem>>[vector<16xi32>, vector<16xi32>, vector<16xi32>], vector<16xf32>,
      %mul3A_692 = arith.constant 16 : i32
      %mul3A_693 = arith.muli %scan3A_20, %mul3A_692 : i32
      %swap3A_694 = arith.constant 3 : i32
      %swap3A_695 = arith.constant 3 : i32
      %swap3A_696 = arith.index_cast %swap3A_694 : i32 to index
      %swap3A_697 = arith.index_cast %swap3A_695 : i32 to index
      %swap3A_698 = arith.index_cast %mul3A_693 : i32 to index
      %swap3A_699 = tpu.vector_load %arg7[%swap3A_696, %swap3A_697, %swap3A_698] {strides = array<i32>} : memref<8x8x512xf32, #tpu.memory_space<vmem>>, vector<16xf32>,
      tpu.vector_store %arg7[%swap3A_696, %swap3A_697, %swap3A_698], %gather3A_691 {strides = array<i32>} : memref<8x8x512xf32, #tpu.memory_space<vmem>>, vector<16xf32>,
      %broadcast_in_dim3A_700 = arith.constant 3 : i32
      %broadcast_in_dim3A_701 = vector.broadcast %broadcast_in_dim3A_700 : i32 to vector<16xi32>
      %broadcast_in_dim3A_702 = arith.constant 4 : i32
      %broadcast_in_dim3A_703 = vector.broadcast %broadcast_in_dim3A_702 : i32 to vector<16xi32>
      %gather3A_704 = tpu.vector_load_idx %arg6[%broadcast_in_dim3A_701, %broadcast_in_dim3A_703, %add3A_338] : memref<8x8x256xf32, #tpu.memory_space<vmem>>[vector<16xi32>, vector<16xi32>, vector<16xi32>], vector<16xf32>,
      %mul3A_705 = arith.constant 16 : i32
      %mul3A_706 = arith.muli %scan3A_20, %mul3A_705 : i32
      %swap3A_707 = arith.constant 3 : i32
      %swap3A_708 = arith.constant 4 : i32
      %swap3A_709 = arith.index_cast %swap3A_707 : i32 to index
      %swap3A_710 = arith.index_cast %swap3A_708 : i32 to index
      %swap3A_711 = arith.index_cast %mul3A_706 : i32 to index
      %swap3A_712 = tpu.vector_load %arg7[%swap3A_709, %swap3A_710, %swap3A_711] {strides = array<i32>} : memref<8x8x512xf32, #tpu.memory_space<vmem>>, vector<16xf32>,
      tpu.vector_store %arg7[%swap3A_709, %swap3A_710, %swap3A_711], %gather3A_704 {strides = array<i32>} : memref<8x8x512xf32, #tpu.memory_space<vmem>>, vector<16xf32>,
      %broadcast_in_dim3A_713 = arith.constant 3 : i32
      %broadcast_in_dim3A_714 = vector.broadcast %broadcast_in_dim3A_713 : i32 to vector<16xi32>
      %broadcast_in_dim3A_715 = arith.constant 5 : i32
      %broadcast_in_dim3A_716 = vector.broadcast %broadcast_in_dim3A_715 : i32 to vector<16xi32>
      %gather3A_717 = tpu.vector_load_idx %arg6[%broadcast_in_dim3A_714, %broadcast_in_dim3A_716, %add3A_338] : memref<8x8x256xf32, #tpu.memory_space<vmem>>[vector<16xi32>, vector<16xi32>, vector<16xi32>], vector<16xf32>,
      %mul3A_718 = arith.constant 16 : i32
      %mul3A_719 = arith.muli %scan3A_20, %mul3A_718 : i32
      %swap3A_720 = arith.constant 3 : i32
      %swap3A_721 = arith.constant 5 : i32
      %swap3A_722 = arith.index_cast %swap3A_720 : i32 to index
      %swap3A_723 = arith.index_cast %swap3A_721 : i32 to index
      %swap3A_724 = arith.index_cast %mul3A_719 : i32 to index
      %swap3A_725 = tpu.vector_load %arg7[%swap3A_722, %swap3A_723, %swap3A_724] {strides = array<i32>} : memref<8x8x512xf32, #tpu.memory_space<vmem>>, vector<16xf32>,
      tpu.vector_store %arg7[%swap3A_722, %swap3A_723, %swap3A_724], %gather3A_717 {strides = array<i32>} : memref<8x8x512xf32, #tpu.memory_space<vmem>>, vector<16xf32>,
      %broadcast_in_dim3A_726 = arith.constant 3 : i32
      %broadcast_in_dim3A_727 = vector.broadcast %broadcast_in_dim3A_726 : i32 to vector<16xi32>
      %broadcast_in_dim3A_728 = arith.constant 6 : i32
      %broadcast_in_dim3A_729 = vector.broadcast %broadcast_in_dim3A_728 : i32 to vector<16xi32>
      %gather3A_730 = tpu.vector_load_idx %arg6[%broadcast_in_dim3A_727, %broadcast_in_dim3A_729, %add3A_338] : memref<8x8x256xf32, #tpu.memory_space<vmem>>[vector<16xi32>, vector<16xi32>, vector<16xi32>], vector<16xf32>,
      %mul3A_731 = arith.constant 16 : i32
      %mul3A_732 = arith.muli %scan3A_20, %mul3A_731 : i32
      %swap3A_733 = arith.constant 3 : i32
      %swap3A_734 = arith.constant 6 : i32
      %swap3A_735 = arith.index_cast %swap3A_733 : i32 to index
      %swap3A_736 = arith.index_cast %swap3A_734 : i32 to index
      %swap3A_737 = arith.index_cast %mul3A_732 : i32 to index
      %swap3A_738 = tpu.vector_load %arg7[%swap3A_735, %swap3A_736, %swap3A_737] {strides = array<i32>} : memref<8x8x512xf32, #tpu.memory_space<vmem>>, vector<16xf32>,
      tpu.vector_store %arg7[%swap3A_735, %swap3A_736, %swap3A_737], %gather3A_730 {strides = array<i32>} : memref<8x8x512xf32, #tpu.memory_space<vmem>>, vector<16xf32>,
      %broadcast_in_dim3A_739 = arith.constant 3 : i32
      %broadcast_in_dim3A_740 = vector.broadcast %broadcast_in_dim3A_739 : i32 to vector<16xi32>
      %broadcast_in_dim3A_741 = arith.constant 7 : i32
      %broadcast_in_dim3A_742 = vector.broadcast %broadcast_in_dim3A_741 : i32 to vector<16xi32>
      %gather3A_743 = tpu.vector_load_idx %arg6[%broadcast_in_dim3A_740, %broadcast_in_dim3A_742, %add3A_338] : memref<8x8x256xf32, #tpu.memory_space<vmem>>[vector<16xi32>, vector<16xi32>, vector<16xi32>], vector<16xf32>,
      %mul3A_744 = arith.constant 16 : i32
      %mul3A_745 = arith.muli %scan3A_20, %mul3A_744 : i32
      %swap3A_746 = arith.constant 3 : i32
      %swap3A_747 = arith.constant 7 : i32
      %swap3A_748 = arith.index_cast %swap3A_746 : i32 to index
      %swap3A_749 = arith.index_cast %swap3A_747 : i32 to index
      %swap3A_750 = arith.index_cast %mul3A_745 : i32 to index
      %swap3A_751 = tpu.vector_load %arg7[%swap3A_748, %swap3A_749, %swap3A_750] {strides = array<i32>} : memref<8x8x512xf32, #tpu.memory_space<vmem>>, vector<16xf32>,
      tpu.vector_store %arg7[%swap3A_748, %swap3A_749, %swap3A_750], %gather3A_743 {strides = array<i32>} : memref<8x8x512xf32, #tpu.memory_space<vmem>>, vector<16xf32>,
      %broadcast_in_dim3A_752 = arith.constant 4 : i32
      %broadcast_in_dim3A_753 = vector.broadcast %broadcast_in_dim3A_752 : i32 to vector<16xi32>
      %broadcast_in_dim3A_754 = arith.constant 0 : i32
      %broadcast_in_dim3A_755 = vector.broadcast %broadcast_in_dim3A_754 : i32 to vector<16xi32>
      %gather3A_756 = tpu.vector_load_idx %arg6[%broadcast_in_dim3A_753, %broadcast_in_dim3A_755, %add3A_338] : memref<8x8x256xf32, #tpu.memory_space<vmem>>[vector<16xi32>, vector<16xi32>, vector<16xi32>], vector<16xf32>,
      %mul3A_757 = arith.constant 16 : i32
      %mul3A_758 = arith.muli %scan3A_20, %mul3A_757 : i32
      %swap3A_759 = arith.constant 4 : i32
      %swap3A_760 = arith.constant 0 : i32
      %swap3A_761 = arith.index_cast %swap3A_759 : i32 to index
      %swap3A_762 = arith.index_cast %swap3A_760 : i32 to index
      %swap3A_763 = arith.index_cast %mul3A_758 : i32 to index
      %swap3A_764 = tpu.vector_load %arg7[%swap3A_761, %swap3A_762, %swap3A_763] {strides = array<i32>} : memref<8x8x512xf32, #tpu.memory_space<vmem>>, vector<16xf32>,
      tpu.vector_store %arg7[%swap3A_761, %swap3A_762, %swap3A_763], %gather3A_756 {strides = array<i32>} : memref<8x8x512xf32, #tpu.memory_space<vmem>>, vector<16xf32>,
      %broadcast_in_dim3A_765 = arith.constant 4 : i32
      %broadcast_in_dim3A_766 = vector.broadcast %broadcast_in_dim3A_765 : i32 to vector<16xi32>
      %broadcast_in_dim3A_767 = arith.constant 1 : i32
      %broadcast_in_dim3A_768 = vector.broadcast %broadcast_in_dim3A_767 : i32 to vector<16xi32>
      %gather3A_769 = tpu.vector_load_idx %arg6[%broadcast_in_dim3A_766, %broadcast_in_dim3A_768, %add3A_338] : memref<8x8x256xf32, #tpu.memory_space<vmem>>[vector<16xi32>, vector<16xi32>, vector<16xi32>], vector<16xf32>,
      %mul3A_770 = arith.constant 16 : i32
      %mul3A_771 = arith.muli %scan3A_20, %mul3A_770 : i32
      %swap3A_772 = arith.constant 4 : i32
      %swap3A_773 = arith.constant 1 : i32
      %swap3A_774 = arith.index_cast %swap3A_772 : i32 to index
      %swap3A_775 = arith.index_cast %swap3A_773 : i32 to index
      %swap3A_776 = arith.index_cast %mul3A_771 : i32 to index
      %swap3A_777 = tpu.vector_load %arg7[%swap3A_774, %swap3A_775, %swap3A_776] {strides = array<i32>} : memref<8x8x512xf32, #tpu.memory_space<vmem>>, vector<16xf32>,
      tpu.vector_store %arg7[%swap3A_774, %swap3A_775, %swap3A_776], %gather3A_769 {strides = array<i32>} : memref<8x8x512xf32, #tpu.memory_space<vmem>>, vector<16xf32>,
      %broadcast_in_dim3A_778 = arith.constant 4 : i32
      %broadcast_in_dim3A_779 = vector.broadcast %broadcast_in_dim3A_778 : i32 to vector<16xi32>
      %broadcast_in_dim3A_780 = arith.constant 2 : i32
      %broadcast_in_dim3A_781 = vector.broadcast %broadcast_in_dim3A_780 : i32 to vector<16xi32>
      %gather3A_782 = tpu.vector_load_idx %arg6[%broadcast_in_dim3A_779, %broadcast_in_dim3A_781, %add3A_338] : memref<8x8x256xf32, #tpu.memory_space<vmem>>[vector<16xi32>, vector<16xi32>, vector<16xi32>], vector<16xf32>,
      %mul3A_783 = arith.constant 16 : i32
      %mul3A_784 = arith.muli %scan3A_20, %mul3A_783 : i32
      %swap3A_785 = arith.constant 4 : i32
      %swap3A_786 = arith.constant 2 : i32
      %swap3A_787 = arith.index_cast %swap3A_785 : i32 to index
      %swap3A_788 = arith.index_cast %swap3A_786 : i32 to index
      %swap3A_789 = arith.index_cast %mul3A_784 : i32 to index
      %swap3A_790 = tpu.vector_load %arg7[%swap3A_787, %swap3A_788, %swap3A_789] {strides = array<i32>} : memref<8x8x512xf32, #tpu.memory_space<vmem>>, vector<16xf32>,
      tpu.vector_store %arg7[%swap3A_787, %swap3A_788, %swap3A_789], %gather3A_782 {strides = array<i32>} : memref<8x8x512xf32, #tpu.memory_space<vmem>>, vector<16xf32>,
      %broadcast_in_dim3A_791 = arith.constant 4 : i32
      %broadcast_in_dim3A_792 = vector.broadcast %broadcast_in_dim3A_791 : i32 to vector<16xi32>
      %broadcast_in_dim3A_793 = arith.constant 3 : i32
      %broadcast_in_dim3A_794 = vector.broadcast %broadcast_in_dim3A_793 : i32 to vector<16xi32>
      %gather3A_795 = tpu.vector_load_idx %arg6[%broadcast_in_dim3A_792, %broadcast_in_dim3A_794, %add3A_338] : memref<8x8x256xf32, #tpu.memory_space<vmem>>[vector<16xi32>, vector<16xi32>, vector<16xi32>], vector<16xf32>,
      %mul3A_796 = arith.constant 16 : i32
      %mul3A_797 = arith.muli %scan3A_20, %mul3A_796 : i32
      %swap3A_798 = arith.constant 4 : i32
      %swap3A_799 = arith.constant 3 : i32
      %swap3A_800 = arith.index_cast %swap3A_798 : i32 to index
      %swap3A_801 = arith.index_cast %swap3A_799 : i32 to index
      %swap3A_802 = arith.index_cast %mul3A_797 : i32 to index
      %swap3A_803 = tpu.vector_load %arg7[%swap3A_800, %swap3A_801, %swap3A_802] {strides = array<i32>} : memref<8x8x512xf32, #tpu.memory_space<vmem>>, vector<16xf32>,
      tpu.vector_store %arg7[%swap3A_800, %swap3A_801, %swap3A_802], %gather3A_795 {strides = array<i32>} : memref<8x8x512xf32, #tpu.memory_space<vmem>>, vector<16xf32>,
      %broadcast_in_dim3A_804 = arith.constant 4 : i32
      %broadcast_in_dim3A_805 = vector.broadcast %broadcast_in_dim3A_804 : i32 to vector<16xi32>
      %broadcast_in_dim3A_806 = arith.constant 4 : i32
      %broadcast_in_dim3A_807 = vector.broadcast %broadcast_in_dim3A_806 : i32 to vector<16xi32>
      %gather3A_808 = tpu.vector_load_idx %arg6[%broadcast_in_dim3A_805, %broadcast_in_dim3A_807, %add3A_338] : memref<8x8x256xf32, #tpu.memory_space<vmem>>[vector<16xi32>, vector<16xi32>, vector<16xi32>], vector<16xf32>,
      %mul3A_809 = arith.constant 16 : i32
      %mul3A_810 = arith.muli %scan3A_20, %mul3A_809 : i32
      %swap3A_811 = arith.constant 4 : i32
      %swap3A_812 = arith.constant 4 : i32
      %swap3A_813 = arith.index_cast %swap3A_811 : i32 to index
      %swap3A_814 = arith.index_cast %swap3A_812 : i32 to index
      %swap3A_815 = arith.index_cast %mul3A_810 : i32 to index
      %swap3A_816 = tpu.vector_load %arg7[%swap3A_813, %swap3A_814, %swap3A_815] {strides = array<i32>} : memref<8x8x512xf32, #tpu.memory_space<vmem>>, vector<16xf32>,
      tpu.vector_store %arg7[%swap3A_813, %swap3A_814, %swap3A_815], %gather3A_808 {strides = array<i32>} : memref<8x8x512xf32, #tpu.memory_space<vmem>>, vector<16xf32>,
      %broadcast_in_dim3A_817 = arith.constant 4 : i32
      %broadcast_in_dim3A_818 = vector.broadcast %broadcast_in_dim3A_817 : i32 to vector<16xi32>
      %broadcast_in_dim3A_819 = arith.constant 5 : i32
      %broadcast_in_dim3A_820 = vector.broadcast %broadcast_in_dim3A_819 : i32 to vector<16xi32>
      %gather3A_821 = tpu.vector_load_idx %arg6[%broadcast_in_dim3A_818, %broadcast_in_dim3A_820, %add3A_338] : memref<8x8x256xf32, #tpu.memory_space<vmem>>[vector<16xi32>, vector<16xi32>, vector<16xi32>], vector<16xf32>,
      %mul3A_822 = arith.constant 16 : i32
      %mul3A_823 = arith.muli %scan3A_20, %mul3A_822 : i32
      %swap3A_824 = arith.constant 4 : i32
      %swap3A_825 = arith.constant 5 : i32
      %swap3A_826 = arith.index_cast %swap3A_824 : i32 to index
      %swap3A_827 = arith.index_cast %swap3A_825 : i32 to index
      %swap3A_828 = arith.index_cast %mul3A_823 : i32 to index
      %swap3A_829 = tpu.vector_load %arg7[%swap3A_826, %swap3A_827, %swap3A_828] {strides = array<i32>} : memref<8x8x512xf32, #tpu.memory_space<vmem>>, vector<16xf32>,
      tpu.vector_store %arg7[%swap3A_826, %swap3A_827, %swap3A_828], %gather3A_821 {strides = array<i32>} : memref<8x8x512xf32, #tpu.memory_space<vmem>>, vector<16xf32>,
      %broadcast_in_dim3A_830 = arith.constant 4 : i32
      %broadcast_in_dim3A_831 = vector.broadcast %broadcast_in_dim3A_830 : i32 to vector<16xi32>
      %broadcast_in_dim3A_832 = arith.constant 6 : i32
      %broadcast_in_dim3A_833 = vector.broadcast %broadcast_in_dim3A_832 : i32 to vector<16xi32>
      %gather3A_834 = tpu.vector_load_idx %arg6[%broadcast_in_dim3A_831, %broadcast_in_dim3A_833, %add3A_338] : memref<8x8x256xf32, #tpu.memory_space<vmem>>[vector<16xi32>, vector<16xi32>, vector<16xi32>], vector<16xf32>,
      %mul3A_835 = arith.constant 16 : i32
      %mul3A_836 = arith.muli %scan3A_20, %mul3A_835 : i32
      %swap3A_837 = arith.constant 4 : i32
      %swap3A_838 = arith.constant 6 : i32
      %swap3A_839 = arith.index_cast %swap3A_837 : i32 to index
      %swap3A_840 = arith.index_cast %swap3A_838 : i32 to index
      %swap3A_841 = arith.index_cast %mul3A_836 : i32 to index
      %swap3A_842 = tpu.vector_load %arg7[%swap3A_839, %swap3A_840, %swap3A_841] {strides = array<i32>} : memref<8x8x512xf32, #tpu.memory_space<vmem>>, vector<16xf32>,
      tpu.vector_store %arg7[%swap3A_839, %swap3A_840, %swap3A_841], %gather3A_834 {strides = array<i32>} : memref<8x8x512xf32, #tpu.memory_space<vmem>>, vector<16xf32>,
      %broadcast_in_dim3A_843 = arith.constant 4 : i32
      %broadcast_in_dim3A_844 = vector.broadcast %broadcast_in_dim3A_843 : i32 to vector<16xi32>
      %broadcast_in_dim3A_845 = arith.constant 7 : i32
      %broadcast_in_dim3A_846 = vector.broadcast %broadcast_in_dim3A_845 : i32 to vector<16xi32>
      %gather3A_847 = tpu.vector_load_idx %arg6[%broadcast_in_dim3A_844, %broadcast_in_dim3A_846, %add3A_338] : memref<8x8x256xf32, #tpu.memory_space<vmem>>[vector<16xi32>, vector<16xi32>, vector<16xi32>], vector<16xf32>,
      %mul3A_848 = arith.constant 16 : i32
      %mul3A_849 = arith.muli %scan3A_20, %mul3A_848 : i32
      %swap3A_850 = arith.constant 4 : i32
      %swap3A_851 = arith.constant 7 : i32
      %swap3A_852 = arith.index_cast %swap3A_850 : i32 to index
      %swap3A_853 = arith.index_cast %swap3A_851 : i32 to index
      %swap3A_854 = arith.index_cast %mul3A_849 : i32 to index
      %swap3A_855 = tpu.vector_load %arg7[%swap3A_852, %swap3A_853, %swap3A_854] {strides = array<i32>} : memref<8x8x512xf32, #tpu.memory_space<vmem>>, vector<16xf32>,
      tpu.vector_store %arg7[%swap3A_852, %swap3A_853, %swap3A_854], %gather3A_847 {strides = array<i32>} : memref<8x8x512xf32, #tpu.memory_space<vmem>>, vector<16xf32>,
      %broadcast_in_dim3A_856 = arith.constant 5 : i32
      %broadcast_in_dim3A_857 = vector.broadcast %broadcast_in_dim3A_856 : i32 to vector<16xi32>
      %broadcast_in_dim3A_858 = arith.constant 0 : i32
      %broadcast_in_dim3A_859 = vector.broadcast %broadcast_in_dim3A_858 : i32 to vector<16xi32>
      %gather3A_860 = tpu.vector_load_idx %arg6[%broadcast_in_dim3A_857, %broadcast_in_dim3A_859, %add3A_338] : memref<8x8x256xf32, #tpu.memory_space<vmem>>[vector<16xi32>, vector<16xi32>, vector<16xi32>], vector<16xf32>,
      %mul3A_861 = arith.constant 16 : i32
      %mul3A_862 = arith.muli %scan3A_20, %mul3A_861 : i32
      %swap3A_863 = arith.constant 5 : i32
      %swap3A_864 = arith.constant 0 : i32
      %swap3A_865 = arith.index_cast %swap3A_863 : i32 to index
      %swap3A_866 = arith.index_cast %swap3A_864 : i32 to index
      %swap3A_867 = arith.index_cast %mul3A_862 : i32 to index
      %swap3A_868 = tpu.vector_load %arg7[%swap3A_865, %swap3A_866, %swap3A_867] {strides = array<i32>} : memref<8x8x512xf32, #tpu.memory_space<vmem>>, vector<16xf32>,
      tpu.vector_store %arg7[%swap3A_865, %swap3A_866, %swap3A_867], %gather3A_860 {strides = array<i32>} : memref<8x8x512xf32, #tpu.memory_space<vmem>>, vector<16xf32>,
      %broadcast_in_dim3A_869 = arith.constant 5 : i32
      %broadcast_in_dim3A_870 = vector.broadcast %broadcast_in_dim3A_869 : i32 to vector<16xi32>
      %broadcast_in_dim3A_871 = arith.constant 1 : i32
      %broadcast_in_dim3A_872 = vector.broadcast %broadcast_in_dim3A_871 : i32 to vector<16xi32>
      %gather3A_873 = tpu.vector_load_idx %arg6[%broadcast_in_dim3A_870, %broadcast_in_dim3A_872, %add3A_338] : memref<8x8x256xf32, #tpu.memory_space<vmem>>[vector<16xi32>, vector<16xi32>, vector<16xi32>], vector<16xf32>,
      %mul3A_874 = arith.constant 16 : i32
      %mul3A_875 = arith.muli %scan3A_20, %mul3A_874 : i32
      %swap3A_876 = arith.constant 5 : i32
      %swap3A_877 = arith.constant 1 : i32
      %swap3A_878 = arith.index_cast %swap3A_876 : i32 to index
      %swap3A_879 = arith.index_cast %swap3A_877 : i32 to index
      %swap3A_880 = arith.index_cast %mul3A_875 : i32 to index
      %swap3A_881 = tpu.vector_load %arg7[%swap3A_878, %swap3A_879, %swap3A_880] {strides = array<i32>} : memref<8x8x512xf32, #tpu.memory_space<vmem>>, vector<16xf32>,
      tpu.vector_store %arg7[%swap3A_878, %swap3A_879, %swap3A_880], %gather3A_873 {strides = array<i32>} : memref<8x8x512xf32, #tpu.memory_space<vmem>>, vector<16xf32>,
      %broadcast_in_dim3A_882 = arith.constant 5 : i32
      %broadcast_in_dim3A_883 = vector.broadcast %broadcast_in_dim3A_882 : i32 to vector<16xi32>
      %broadcast_in_dim3A_884 = arith.constant 2 : i32
      %broadcast_in_dim3A_885 = vector.broadcast %broadcast_in_dim3A_884 : i32 to vector<16xi32>
      %gather3A_886 = tpu.vector_load_idx %arg6[%broadcast_in_dim3A_883, %broadcast_in_dim3A_885, %add3A_338] : memref<8x8x256xf32, #tpu.memory_space<vmem>>[vector<16xi32>, vector<16xi32>, vector<16xi32>], vector<16xf32>,
      %mul3A_887 = arith.constant 16 : i32
      %mul3A_888 = arith.muli %scan3A_20, %mul3A_887 : i32
      %swap3A_889 = arith.constant 5 : i32
      %swap3A_890 = arith.constant 2 : i32
      %swap3A_891 = arith.index_cast %swap3A_889 : i32 to index
      %swap3A_892 = arith.index_cast %swap3A_890 : i32 to index
      %swap3A_893 = arith.index_cast %mul3A_888 : i32 to index
      %swap3A_894 = tpu.vector_load %arg7[%swap3A_891, %swap3A_892, %swap3A_893] {strides = array<i32>} : memref<8x8x512xf32, #tpu.memory_space<vmem>>, vector<16xf32>,
      tpu.vector_store %arg7[%swap3A_891, %swap3A_892, %swap3A_893], %gather3A_886 {strides = array<i32>} : memref<8x8x512xf32, #tpu.memory_space<vmem>>, vector<16xf32>,
      %broadcast_in_dim3A_895 = arith.constant 5 : i32
      %broadcast_in_dim3A_896 = vector.broadcast %broadcast_in_dim3A_895 : i32 to vector<16xi32>
      %broadcast_in_dim3A_897 = arith.constant 3 : i32
      %broadcast_in_dim3A_898 = vector.broadcast %broadcast_in_dim3A_897 : i32 to vector<16xi32>
      %gather3A_899 = tpu.vector_load_idx %arg6[%broadcast_in_dim3A_896, %broadcast_in_dim3A_898, %add3A_338] : memref<8x8x256xf32, #tpu.memory_space<vmem>>[vector<16xi32>, vector<16xi32>, vector<16xi32>], vector<16xf32>,
      %mul3A_900 = arith.constant 16 : i32
      %mul3A_901 = arith.muli %scan3A_20, %mul3A_900 : i32
      %swap3A_902 = arith.constant 5 : i32
      %swap3A_903 = arith.constant 3 : i32
      %swap3A_904 = arith.index_cast %swap3A_902 : i32 to index
      %swap3A_905 = arith.index_cast %swap3A_903 : i32 to index
      %swap3A_906 = arith.index_cast %mul3A_901 : i32 to index
      %swap3A_907 = tpu.vector_load %arg7[%swap3A_904, %swap3A_905, %swap3A_906] {strides = array<i32>} : memref<8x8x512xf32, #tpu.memory_space<vmem>>, vector<16xf32>,
      tpu.vector_store %arg7[%swap3A_904, %swap3A_905, %swap3A_906], %gather3A_899 {strides = array<i32>} : memref<8x8x512xf32, #tpu.memory_space<vmem>>, vector<16xf32>,
      %broadcast_in_dim3A_908 = arith.constant 5 : i32
      %broadcast_in_dim3A_909 = vector.broadcast %broadcast_in_dim3A_908 : i32 to vector<16xi32>
      %broadcast_in_dim3A_910 = arith.constant 4 : i32
      %broadcast_in_dim3A_911 = vector.broadcast %broadcast_in_dim3A_910 : i32 to vector<16xi32>
      %gather3A_912 = tpu.vector_load_idx %arg6[%broadcast_in_dim3A_909, %broadcast_in_dim3A_911, %add3A_338] : memref<8x8x256xf32, #tpu.memory_space<vmem>>[vector<16xi32>, vector<16xi32>, vector<16xi32>], vector<16xf32>,
      %mul3A_913 = arith.constant 16 : i32
      %mul3A_914 = arith.muli %scan3A_20, %mul3A_913 : i32
      %swap3A_915 = arith.constant 5 : i32
      %swap3A_916 = arith.constant 4 : i32
      %swap3A_917 = arith.index_cast %swap3A_915 : i32 to index
      %swap3A_918 = arith.index_cast %swap3A_916 : i32 to index
      %swap3A_919 = arith.index_cast %mul3A_914 : i32 to index
      %swap3A_920 = tpu.vector_load %arg7[%swap3A_917, %swap3A_918, %swap3A_919] {strides = array<i32>} : memref<8x8x512xf32, #tpu.memory_space<vmem>>, vector<16xf32>,
      tpu.vector_store %arg7[%swap3A_917, %swap3A_918, %swap3A_919], %gather3A_912 {strides = array<i32>} : memref<8x8x512xf32, #tpu.memory_space<vmem>>, vector<16xf32>,
      %broadcast_in_dim3A_921 = arith.constant 5 : i32
      %broadcast_in_dim3A_922 = vector.broadcast %broadcast_in_dim3A_921 : i32 to vector<16xi32>
      %broadcast_in_dim3A_923 = arith.constant 5 : i32
      %broadcast_in_dim3A_924 = vector.broadcast %broadcast_in_dim3A_923 : i32 to vector<16xi32>
      %gather3A_925 = tpu.vector_load_idx %arg6[%broadcast_in_dim3A_922, %broadcast_in_dim3A_924, %add3A_338] : memref<8x8x256xf32, #tpu.memory_space<vmem>>[vector<16xi32>, vector<16xi32>, vector<16xi32>], vector<16xf32>,
      %mul3A_926 = arith.constant 16 : i32
      %mul3A_927 = arith.muli %scan3A_20, %mul3A_926 : i32
      %swap3A_928 = arith.constant 5 : i32
      %swap3A_929 = arith.constant 5 : i32
      %swap3A_930 = arith.index_cast %swap3A_928 : i32 to index
      %swap3A_931 = arith.index_cast %swap3A_929 : i32 to index
      %swap3A_932 = arith.index_cast %mul3A_927 : i32 to index
      %swap3A_933 = tpu.vector_load %arg7[%swap3A_930, %swap3A_931, %swap3A_932] {strides = array<i32>} : memref<8x8x512xf32, #tpu.memory_space<vmem>>, vector<16xf32>,
      tpu.vector_store %arg7[%swap3A_930, %swap3A_931, %swap3A_932], %gather3A_925 {strides = array<i32>} : memref<8x8x512xf32, #tpu.memory_space<vmem>>, vector<16xf32>,
      %broadcast_in_dim3A_934 = arith.constant 5 : i32
      %broadcast_in_dim3A_935 = vector.broadcast %broadcast_in_dim3A_934 : i32 to vector<16xi32>
      %broadcast_in_dim3A_936 = arith.constant 6 : i32
      %broadcast_in_dim3A_937 = vector.broadcast %broadcast_in_dim3A_936 : i32 to vector<16xi32>
      %gather3A_938 = tpu.vector_load_idx %arg6[%broadcast_in_dim3A_935, %broadcast_in_dim3A_937, %add3A_338] : memref<8x8x256xf32, #tpu.memory_space<vmem>>[vector<16xi32>, vector<16xi32>, vector<16xi32>], vector<16xf32>,
      %mul3A_939 = arith.constant 16 : i32
      %mul3A_940 = arith.muli %scan3A_20, %mul3A_939 : i32
      %swap3A_941 = arith.constant 5 : i32
      %swap3A_942 = arith.constant 6 : i32
      %swap3A_943 = arith.index_cast %swap3A_941 : i32 to index
      %swap3A_944 = arith.index_cast %swap3A_942 : i32 to index
      %swap3A_945 = arith.index_cast %mul3A_940 : i32 to index
      %swap3A_946 = tpu.vector_load %arg7[%swap3A_943, %swap3A_944, %swap3A_945] {strides = array<i32>} : memref<8x8x512xf32, #tpu.memory_space<vmem>>, vector<16xf32>,
      tpu.vector_store %arg7[%swap3A_943, %swap3A_944, %swap3A_945], %gather3A_938 {strides = array<i32>} : memref<8x8x512xf32, #tpu.memory_space<vmem>>, vector<16xf32>,
      %broadcast_in_dim3A_947 = arith.constant 5 : i32
      %broadcast_in_dim3A_948 = vector.broadcast %broadcast_in_dim3A_947 : i32 to vector<16xi32>
      %broadcast_in_dim3A_949 = arith.constant 7 : i32
      %broadcast_in_dim3A_950 = vector.broadcast %broadcast_in_dim3A_949 : i32 to vector<16xi32>
      %gather3A_951 = tpu.vector_load_idx %arg6[%broadcast_in_dim3A_948, %broadcast_in_dim3A_950, %add3A_338] : memref<8x8x256xf32, #tpu.memory_space<vmem>>[vector<16xi32>, vector<16xi32>, vector<16xi32>], vector<16xf32>,
      %mul3A_952 = arith.constant 16 : i32
      %mul3A_953 = arith.muli %scan3A_20, %mul3A_952 : i32
      %swap3A_954 = arith.constant 5 : i32
      %swap3A_955 = arith.constant 7 : i32
      %swap3A_956 = arith.index_cast %swap3A_954 : i32 to index
      %swap3A_957 = arith.index_cast %swap3A_955 : i32 to index
      %swap3A_958 = arith.index_cast %mul3A_953 : i32 to index
      %swap3A_959 = tpu.vector_load %arg7[%swap3A_956, %swap3A_957, %swap3A_958] {strides = array<i32>} : memref<8x8x512xf32, #tpu.memory_space<vmem>>, vector<16xf32>,
      tpu.vector_store %arg7[%swap3A_956, %swap3A_957, %swap3A_958], %gather3A_951 {strides = array<i32>} : memref<8x8x512xf32, #tpu.memory_space<vmem>>, vector<16xf32>,
      %broadcast_in_dim3A_960 = arith.constant 6 : i32
      %broadcast_in_dim3A_961 = vector.broadcast %broadcast_in_dim3A_960 : i32 to vector<16xi32>
      %broadcast_in_dim3A_962 = arith.constant 0 : i32
      %broadcast_in_dim3A_963 = vector.broadcast %broadcast_in_dim3A_962 : i32 to vector<16xi32>
      %gather3A_964 = tpu.vector_load_idx %arg6[%broadcast_in_dim3A_961, %broadcast_in_dim3A_963, %add3A_338] : memref<8x8x256xf32, #tpu.memory_space<vmem>>[vector<16xi32>, vector<16xi32>, vector<16xi32>], vector<16xf32>,
      %mul3A_965 = arith.constant 16 : i32
      %mul3A_966 = arith.muli %scan3A_20, %mul3A_965 : i32
      %swap3A_967 = arith.constant 6 : i32
      %swap3A_968 = arith.constant 0 : i32
      %swap3A_969 = arith.index_cast %swap3A_967 : i32 to index
      %swap3A_970 = arith.index_cast %swap3A_968 : i32 to index
      %swap3A_971 = arith.index_cast %mul3A_966 : i32 to index
      %swap3A_972 = tpu.vector_load %arg7[%swap3A_969, %swap3A_970, %swap3A_971] {strides = array<i32>} : memref<8x8x512xf32, #tpu.memory_space<vmem>>, vector<16xf32>,
      tpu.vector_store %arg7[%swap3A_969, %swap3A_970, %swap3A_971], %gather3A_964 {strides = array<i32>} : memref<8x8x512xf32, #tpu.memory_space<vmem>>, vector<16xf32>,
      %broadcast_in_dim3A_973 = arith.constant 6 : i32
      %broadcast_in_dim3A_974 = vector.broadcast %broadcast_in_dim3A_973 : i32 to vector<16xi32>
      %broadcast_in_dim3A_975 = arith.constant 1 : i32
      %broadcast_in_dim3A_976 = vector.broadcast %broadcast_in_dim3A_975 : i32 to vector<16xi32>
      %gather3A_977 = tpu.vector_load_idx %arg6[%broadcast_in_dim3A_974, %broadcast_in_dim3A_976, %add3A_338] : memref<8x8x256xf32, #tpu.memory_space<vmem>>[vector<16xi32>, vector<16xi32>, vector<16xi32>], vector<16xf32>,
      %mul3A_978 = arith.constant 16 : i32
      %mul3A_979 = arith.muli %scan3A_20, %mul3A_978 : i32
      %swap3A_980 = arith.constant 6 : i32
      %swap3A_981 = arith.constant 1 : i32
      %swap3A_982 = arith.index_cast %swap3A_980 : i32 to index
      %swap3A_983 = arith.index_cast %swap3A_981 : i32 to index
      %swap3A_984 = arith.index_cast %mul3A_979 : i32 to index
      %swap3A_985 = tpu.vector_load %arg7[%swap3A_982, %swap3A_983, %swap3A_984] {strides = array<i32>} : memref<8x8x512xf32, #tpu.memory_space<vmem>>, vector<16xf32>,
      tpu.vector_store %arg7[%swap3A_982, %swap3A_983, %swap3A_984], %gather3A_977 {strides = array<i32>} : memref<8x8x512xf32, #tpu.memory_space<vmem>>, vector<16xf32>,
      %broadcast_in_dim3A_986 = arith.constant 6 : i32
      %broadcast_in_dim3A_987 = vector.broadcast %broadcast_in_dim3A_986 : i32 to vector<16xi32>
      %broadcast_in_dim3A_988 = arith.constant 2 : i32
      %broadcast_in_dim3A_989 = vector.broadcast %broadcast_in_dim3A_988 : i32 to vector<16xi32>
      %gather3A_990 = tpu.vector_load_idx %arg6[%broadcast_in_dim3A_987, %broadcast_in_dim3A_989, %add3A_338] : memref<8x8x256xf32, #tpu.memory_space<vmem>>[vector<16xi32>, vector<16xi32>, vector<16xi32>], vector<16xf32>,
      %mul3A_991 = arith.constant 16 : i32
      %mul3A_992 = arith.muli %scan3A_20, %mul3A_991 : i32
      %swap3A_993 = arith.constant 6 : i32
      %swap3A_994 = arith.constant 2 : i32
      %swap3A_995 = arith.index_cast %swap3A_993 : i32 to index
      %swap3A_996 = arith.index_cast %swap3A_994 : i32 to index
      %swap3A_997 = arith.index_cast %mul3A_992 : i32 to index
      %swap3A_998 = tpu.vector_load %arg7[%swap3A_995, %swap3A_996, %swap3A_997] {strides = array<i32>} : memref<8x8x512xf32, #tpu.memory_space<vmem>>, vector<16xf32>,
      tpu.vector_store %arg7[%swap3A_995, %swap3A_996, %swap3A_997], %gather3A_990 {strides = array<i32>} : memref<8x8x512xf32, #tpu.memory_space<vmem>>, vector<16xf32>,
      %broadcast_in_dim3A_999 = arith.constant 6 : i32
      %broadcast_in_dim3A_1000 = vector.broadcast %broadcast_in_dim3A_999 : i32 to vector<16xi32>
      %broadcast_in_dim3A_1001 = arith.constant 3 : i32
      %broadcast_in_dim3A_1002 = vector.broadcast %broadcast_in_dim3A_1001 : i32 to vector<16xi32>
      %gather3A_1003 = tpu.vector_load_idx %arg6[%broadcast_in_dim3A_1000, %broadcast_in_dim3A_1002, %add3A_338] : memref<8x8x256xf32, #tpu.memory_space<vmem>>[vector<16xi32>, vector<16xi32>, vector<16xi32>], vector<16xf32>,
      %mul3A_1004 = arith.constant 16 : i32
      %mul3A_1005 = arith.muli %scan3A_20, %mul3A_1004 : i32
      %swap3A_1006 = arith.constant 6 : i32
      %swap3A_1007 = arith.constant 3 : i32
      %swap3A_1008 = arith.index_cast %swap3A_1006 : i32 to index
      %swap3A_1009 = arith.index_cast %swap3A_1007 : i32 to index
      %swap3A_1010 = arith.index_cast %mul3A_1005 : i32 to index
      %swap3A_1011 = tpu.vector_load %arg7[%swap3A_1008, %swap3A_1009, %swap3A_1010] {strides = array<i32>} : memref<8x8x512xf32, #tpu.memory_space<vmem>>, vector<16xf32>,
      tpu.vector_store %arg7[%swap3A_1008, %swap3A_1009, %swap3A_1010], %gather3A_1003 {strides = array<i32>} : memref<8x8x512xf32, #tpu.memory_space<vmem>>, vector<16xf32>,
      %broadcast_in_dim3A_1012 = arith.constant 6 : i32
      %broadcast_in_dim3A_1013 = vector.broadcast %broadcast_in_dim3A_1012 : i32 to vector<16xi32>
      %broadcast_in_dim3A_1014 = arith.constant 4 : i32
      %broadcast_in_dim3A_1015 = vector.broadcast %broadcast_in_dim3A_1014 : i32 to vector<16xi32>
      %gather3A_1016 = tpu.vector_load_idx %arg6[%broadcast_in_dim3A_1013, %broadcast_in_dim3A_1015, %add3A_338] : memref<8x8x256xf32, #tpu.memory_space<vmem>>[vector<16xi32>, vector<16xi32>, vector<16xi32>], vector<16xf32>,
      %mul3A_1017 = arith.constant 16 : i32
      %mul3A_1018 = arith.muli %scan3A_20, %mul3A_1017 : i32
      %swap3A_1019 = arith.constant 6 : i32
      %swap3A_1020 = arith.constant 4 : i32
      %swap3A_1021 = arith.index_cast %swap3A_1019 : i32 to index
      %swap3A_1022 = arith.index_cast %swap3A_1020 : i32 to index
      %swap3A_1023 = arith.index_cast %mul3A_1018 : i32 to index
      %swap3A_1024 = tpu.vector_load %arg7[%swap3A_1021, %swap3A_1022, %swap3A_1023] {strides = array<i32>} : memref<8x8x512xf32, #tpu.memory_space<vmem>>, vector<16xf32>,
      tpu.vector_store %arg7[%swap3A_1021, %swap3A_1022, %swap3A_1023], %gather3A_1016 {strides = array<i32>} : memref<8x8x512xf32, #tpu.memory_space<vmem>>, vector<16xf32>,
      %broadcast_in_dim3A_1025 = arith.constant 6 : i32
      %broadcast_in_dim3A_1026 = vector.broadcast %broadcast_in_dim3A_1025 : i32 to vector<16xi32>
      %broadcast_in_dim3A_1027 = arith.constant 5 : i32
      %broadcast_in_dim3A_1028 = vector.broadcast %broadcast_in_dim3A_1027 : i32 to vector<16xi32>
      %gather3A_1029 = tpu.vector_load_idx %arg6[%broadcast_in_dim3A_1026, %broadcast_in_dim3A_1028, %add3A_338] : memref<8x8x256xf32, #tpu.memory_space<vmem>>[vector<16xi32>, vector<16xi32>, vector<16xi32>], vector<16xf32>,
      %mul3A_1030 = arith.constant 16 : i32
      %mul3A_1031 = arith.muli %scan3A_20, %mul3A_1030 : i32
      %swap3A_1032 = arith.constant 6 : i32
      %swap3A_1033 = arith.constant 5 : i32
      %swap3A_1034 = arith.index_cast %swap3A_1032 : i32 to index
      %swap3A_1035 = arith.index_cast %swap3A_1033 : i32 to index
      %swap3A_1036 = arith.index_cast %mul3A_1031 : i32 to index
      %swap3A_1037 = tpu.vector_load %arg7[%swap3A_1034, %swap3A_1035, %swap3A_1036] {strides = array<i32>} : memref<8x8x512xf32, #tpu.memory_space<vmem>>, vector<16xf32>,
      tpu.vector_store %arg7[%swap3A_1034, %swap3A_1035, %swap3A_1036], %gather3A_1029 {strides = array<i32>} : memref<8x8x512xf32, #tpu.memory_space<vmem>>, vector<16xf32>,
      %broadcast_in_dim3A_1038 = arith.constant 6 : i32
      %broadcast_in_dim3A_1039 = vector.broadcast %broadcast_in_dim3A_1038 : i32 to vector<16xi32>
      %broadcast_in_dim3A_1040 = arith.constant 6 : i32
      %broadcast_in_dim3A_1041 = vector.broadcast %broadcast_in_dim3A_1040 : i32 to vector<16xi32>
      %gather3A_1042 = tpu.vector_load_idx %arg6[%broadcast_in_dim3A_1039, %broadcast_in_dim3A_1041, %add3A_338] : memref<8x8x256xf32, #tpu.memory_space<vmem>>[vector<16xi32>, vector<16xi32>, vector<16xi32>], vector<16xf32>,
      %mul3A_1043 = arith.constant 16 : i32
      %mul3A_1044 = arith.muli %scan3A_20, %mul3A_1043 : i32
      %swap3A_1045 = arith.constant 6 : i32
      %swap3A_1046 = arith.constant 6 : i32
      %swap3A_1047 = arith.index_cast %swap3A_1045 : i32 to index
      %swap3A_1048 = arith.index_cast %swap3A_1046 : i32 to index
      %swap3A_1049 = arith.index_cast %mul3A_1044 : i32 to index
      %swap3A_1050 = tpu.vector_load %arg7[%swap3A_1047, %swap3A_1048, %swap3A_1049] {strides = array<i32>} : memref<8x8x512xf32, #tpu.memory_space<vmem>>, vector<16xf32>,
      tpu.vector_store %arg7[%swap3A_1047, %swap3A_1048, %swap3A_1049], %gather3A_1042 {strides = array<i32>} : memref<8x8x512xf32, #tpu.memory_space<vmem>>, vector<16xf32>,
      %broadcast_in_dim3A_1051 = arith.constant 6 : i32
      %broadcast_in_dim3A_1052 = vector.broadcast %broadcast_in_dim3A_1051 : i32 to vector<16xi32>
      %broadcast_in_dim3A_1053 = arith.constant 7 : i32
      %broadcast_in_dim3A_1054 = vector.broadcast %broadcast_in_dim3A_1053 : i32 to vector<16xi32>
      %gather3A_1055 = tpu.vector_load_idx %arg6[%broadcast_in_dim3A_1052, %broadcast_in_dim3A_1054, %add3A_338] : memref<8x8x256xf32, #tpu.memory_space<vmem>>[vector<16xi32>, vector<16xi32>, vector<16xi32>], vector<16xf32>,
      %mul3A_1056 = arith.constant 16 : i32
      %mul3A_1057 = arith.muli %scan3A_20, %mul3A_1056 : i32
      %swap3A_1058 = arith.constant 6 : i32
      %swap3A_1059 = arith.constant 7 : i32
      %swap3A_1060 = arith.index_cast %swap3A_1058 : i32 to index
      %swap3A_1061 = arith.index_cast %swap3A_1059 : i32 to index
      %swap3A_1062 = arith.index_cast %mul3A_1057 : i32 to index
      %swap3A_1063 = tpu.vector_load %arg7[%swap3A_1060, %swap3A_1061, %swap3A_1062] {strides = array<i32>} : memref<8x8x512xf32, #tpu.memory_space<vmem>>, vector<16xf32>,
      tpu.vector_store %arg7[%swap3A_1060, %swap3A_1061, %swap3A_1062], %gather3A_1055 {strides = array<i32>} : memref<8x8x512xf32, #tpu.memory_space<vmem>>, vector<16xf32>,
      %broadcast_in_dim3A_1064 = arith.constant 7 : i32
      %broadcast_in_dim3A_1065 = vector.broadcast %broadcast_in_dim3A_1064 : i32 to vector<16xi32>
      %broadcast_in_dim3A_1066 = arith.constant 0 : i32
      %broadcast_in_dim3A_1067 = vector.broadcast %broadcast_in_dim3A_1066 : i32 to vector<16xi32>
      %gather3A_1068 = tpu.vector_load_idx %arg6[%broadcast_in_dim3A_1065, %broadcast_in_dim3A_1067, %add3A_338] : memref<8x8x256xf32, #tpu.memory_space<vmem>>[vector<16xi32>, vector<16xi32>, vector<16xi32>], vector<16xf32>,
      %mul3A_1069 = arith.constant 16 : i32
      %mul3A_1070 = arith.muli %scan3A_20, %mul3A_1069 : i32
      %swap3A_1071 = arith.constant 7 : i32
      %swap3A_1072 = arith.constant 0 : i32
      %swap3A_1073 = arith.index_cast %swap3A_1071 : i32 to index
      %swap3A_1074 = arith.index_cast %swap3A_1072 : i32 to index
      %swap3A_1075 = arith.index_cast %mul3A_1070 : i32 to index
      %swap3A_1076 = tpu.vector_load %arg7[%swap3A_1073, %swap3A_1074, %swap3A_1075] {strides = array<i32>} : memref<8x8x512xf32, #tpu.memory_space<vmem>>, vector<16xf32>,
      tpu.vector_store %arg7[%swap3A_1073, %swap3A_1074, %swap3A_1075], %gather3A_1068 {strides = array<i32>} : memref<8x8x512xf32, #tpu.memory_space<vmem>>, vector<16xf32>,
      %broadcast_in_dim3A_1077 = arith.constant 7 : i32
      %broadcast_in_dim3A_1078 = vector.broadcast %broadcast_in_dim3A_1077 : i32 to vector<16xi32>
      %broadcast_in_dim3A_1079 = arith.constant 1 : i32
      %broadcast_in_dim3A_1080 = vector.broadcast %broadcast_in_dim3A_1079 : i32 to vector<16xi32>
      %gather3A_1081 = tpu.vector_load_idx %arg6[%broadcast_in_dim3A_1078, %broadcast_in_dim3A_1080, %add3A_338] : memref<8x8x256xf32, #tpu.memory_space<vmem>>[vector<16xi32>, vector<16xi32>, vector<16xi32>], vector<16xf32>,
      %mul3A_1082 = arith.constant 16 : i32
      %mul3A_1083 = arith.muli %scan3A_20, %mul3A_1082 : i32
      %swap3A_1084 = arith.constant 7 : i32
      %swap3A_1085 = arith.constant 1 : i32
      %swap3A_1086 = arith.index_cast %swap3A_1084 : i32 to index
      %swap3A_1087 = arith.index_cast %swap3A_1085 : i32 to index
      %swap3A_1088 = arith.index_cast %mul3A_1083 : i32 to index
      %swap3A_1089 = tpu.vector_load %arg7[%swap3A_1086, %swap3A_1087, %swap3A_1088] {strides = array<i32>} : memref<8x8x512xf32, #tpu.memory_space<vmem>>, vector<16xf32>,
      tpu.vector_store %arg7[%swap3A_1086, %swap3A_1087, %swap3A_1088], %gather3A_1081 {strides = array<i32>} : memref<8x8x512xf32, #tpu.memory_space<vmem>>, vector<16xf32>,
      %broadcast_in_dim3A_1090 = arith.constant 7 : i32
      %broadcast_in_dim3A_1091 = vector.broadcast %broadcast_in_dim3A_1090 : i32 to vector<16xi32>
      %broadcast_in_dim3A_1092 = arith.constant 2 : i32
      %broadcast_in_dim3A_1093 = vector.broadcast %broadcast_in_dim3A_1092 : i32 to vector<16xi32>
      %gather3A_1094 = tpu.vector_load_idx %arg6[%broadcast_in_dim3A_1091, %broadcast_in_dim3A_1093, %add3A_338] : memref<8x8x256xf32, #tpu.memory_space<vmem>>[vector<16xi32>, vector<16xi32>, vector<16xi32>], vector<16xf32>,
      %mul3A_1095 = arith.constant 16 : i32
      %mul3A_1096 = arith.muli %scan3A_20, %mul3A_1095 : i32
      %swap3A_1097 = arith.constant 7 : i32
      %swap3A_1098 = arith.constant 2 : i32
      %swap3A_1099 = arith.index_cast %swap3A_1097 : i32 to index
      %swap3A_1100 = arith.index_cast %swap3A_1098 : i32 to index
      %swap3A_1101 = arith.index_cast %mul3A_1096 : i32 to index
      %swap3A_1102 = tpu.vector_load %arg7[%swap3A_1099, %swap3A_1100, %swap3A_1101] {strides = array<i32>} : memref<8x8x512xf32, #tpu.memory_space<vmem>>, vector<16xf32>,
      tpu.vector_store %arg7[%swap3A_1099, %swap3A_1100, %swap3A_1101], %gather3A_1094 {strides = array<i32>} : memref<8x8x512xf32, #tpu.memory_space<vmem>>, vector<16xf32>,
      %broadcast_in_dim3A_1103 = arith.constant 7 : i32
      %broadcast_in_dim3A_1104 = vector.broadcast %broadcast_in_dim3A_1103 : i32 to vector<16xi32>
      %broadcast_in_dim3A_1105 = arith.constant 3 : i32
      %broadcast_in_dim3A_1106 = vector.broadcast %broadcast_in_dim3A_1105 : i32 to vector<16xi32>
      %gather3A_1107 = tpu.vector_load_idx %arg6[%broadcast_in_dim3A_1104, %broadcast_in_dim3A_1106, %add3A_338] : memref<8x8x256xf32, #tpu.memory_space<vmem>>[vector<16xi32>, vector<16xi32>, vector<16xi32>], vector<16xf32>,
      %mul3A_1108 = arith.constant 16 : i32
      %mul3A_1109 = arith.muli %scan3A_20, %mul3A_1108 : i32
      %swap3A_1110 = arith.constant 7 : i32
      %swap3A_1111 = arith.constant 3 : i32
      %swap3A_1112 = arith.index_cast %swap3A_1110 : i32 to index
      %swap3A_1113 = arith.index_cast %swap3A_1111 : i32 to index
      %swap3A_1114 = arith.index_cast %mul3A_1109 : i32 to index
      %swap3A_1115 = tpu.vector_load %arg7[%swap3A_1112, %swap3A_1113, %swap3A_1114] {strides = array<i32>} : memref<8x8x512xf32, #tpu.memory_space<vmem>>, vector<16xf32>,
      tpu.vector_store %arg7[%swap3A_1112, %swap3A_1113, %swap3A_1114], %gather3A_1107 {strides = array<i32>} : memref<8x8x512xf32, #tpu.memory_space<vmem>>, vector<16xf32>,
      %broadcast_in_dim3A_1116 = arith.constant 7 : i32
      %broadcast_in_dim3A_1117 = vector.broadcast %broadcast_in_dim3A_1116 : i32 to vector<16xi32>
      %broadcast_in_dim3A_1118 = arith.constant 4 : i32
      %broadcast_in_dim3A_1119 = vector.broadcast %broadcast_in_dim3A_1118 : i32 to vector<16xi32>
      %gather3A_1120 = tpu.vector_load_idx %arg6[%broadcast_in_dim3A_1117, %broadcast_in_dim3A_1119, %add3A_338] : memref<8x8x256xf32, #tpu.memory_space<vmem>>[vector<16xi32>, vector<16xi32>, vector<16xi32>], vector<16xf32>,
      %mul3A_1121 = arith.constant 16 : i32
      %mul3A_1122 = arith.muli %scan3A_20, %mul3A_1121 : i32
      %swap3A_1123 = arith.constant 7 : i32
      %swap3A_1124 = arith.constant 4 : i32
      %swap3A_1125 = arith.index_cast %swap3A_1123 : i32 to index
      %swap3A_1126 = arith.index_cast %swap3A_1124 : i32 to index
      %swap3A_1127 = arith.index_cast %mul3A_1122 : i32 to index
      %swap3A_1128 = tpu.vector_load %arg7[%swap3A_1125, %swap3A_1126, %swap3A_1127] {strides = array<i32>} : memref<8x8x512xf32, #tpu.memory_space<vmem>>, vector<16xf32>,
      tpu.vector_store %arg7[%swap3A_1125, %swap3A_1126, %swap3A_1127], %gather3A_1120 {strides = array<i32>} : memref<8x8x512xf32, #tpu.memory_space<vmem>>, vector<16xf32>,
      %broadcast_in_dim3A_1129 = arith.constant 7 : i32
      %broadcast_in_dim3A_1130 = vector.broadcast %broadcast_in_dim3A_1129 : i32 to vector<16xi32>
      %broadcast_in_dim3A_1131 = arith.constant 5 : i32
      %broadcast_in_dim3A_1132 = vector.broadcast %broadcast_in_dim3A_1131 : i32 to vector<16xi32>
      %gather3A_1133 = tpu.vector_load_idx %arg6[%broadcast_in_dim3A_1130, %broadcast_in_dim3A_1132, %add3A_338] : memref<8x8x256xf32, #tpu.memory_space<vmem>>[vector<16xi32>, vector<16xi32>, vector<16xi32>], vector<16xf32>,
      %mul3A_1134 = arith.constant 16 : i32
      %mul3A_1135 = arith.muli %scan3A_20, %mul3A_1134 : i32
      %swap3A_1136 = arith.constant 7 : i32
      %swap3A_1137 = arith.constant 5 : i32
      %swap3A_1138 = arith.index_cast %swap3A_1136 : i32 to index
      %swap3A_1139 = arith.index_cast %swap3A_1137 : i32 to index
      %swap3A_1140 = arith.index_cast %mul3A_1135 : i32 to index
      %swap3A_1141 = tpu.vector_load %arg7[%swap3A_1138, %swap3A_1139, %swap3A_1140] {strides = array<i32>} : memref<8x8x512xf32, #tpu.memory_space<vmem>>, vector<16xf32>,
      tpu.vector_store %arg7[%swap3A_1138, %swap3A_1139, %swap3A_1140], %gather3A_1133 {strides = array<i32>} : memref<8x8x512xf32, #tpu.memory_space<vmem>>, vector<16xf32>,
      %broadcast_in_dim3A_1142 = arith.constant 7 : i32
      %broadcast_in_dim3A_1143 = vector.broadcast %broadcast_in_dim3A_1142 : i32 to vector<16xi32>
      %broadcast_in_dim3A_1144 = arith.constant 6 : i32
      %broadcast_in_dim3A_1145 = vector.broadcast %broadcast_in_dim3A_1144 : i32 to vector<16xi32>
      %gather3A_1146 = tpu.vector_load_idx %arg6[%broadcast_in_dim3A_1143, %broadcast_in_dim3A_1145, %add3A_338] : memref<8x8x256xf32, #tpu.memory_space<vmem>>[vector<16xi32>, vector<16xi32>, vector<16xi32>], vector<16xf32>,
      %mul3A_1147 = arith.constant 16 : i32
      %mul3A_1148 = arith.muli %scan3A_20, %mul3A_1147 : i32
      %swap3A_1149 = arith.constant 7 : i32
      %swap3A_1150 = arith.constant 6 : i32
      %swap3A_1151 = arith.index_cast %swap3A_1149 : i32 to index
      %swap3A_1152 = arith.index_cast %swap3A_1150 : i32 to index
      %swap3A_1153 = arith.index_cast %mul3A_1148 : i32 to index
      %swap3A_1154 = tpu.vector_load %arg7[%swap3A_1151, %swap3A_1152, %swap3A_1153] {strides = array<i32>} : memref<8x8x512xf32, #tpu.memory_space<vmem>>, vector<16xf32>,
      tpu.vector_store %arg7[%swap3A_1151, %swap3A_1152, %swap3A_1153], %gather3A_1146 {strides = array<i32>} : memref<8x8x512xf32, #tpu.memory_space<vmem>>, vector<16xf32>,
      %broadcast_in_dim3A_1155 = arith.constant 7 : i32
      %broadcast_in_dim3A_1156 = vector.broadcast %broadcast_in_dim3A_1155 : i32 to vector<16xi32>
      %broadcast_in_dim3A_1157 = arith.constant 7 : i32
      %broadcast_in_dim3A_1158 = vector.broadcast %broadcast_in_dim3A_1157 : i32 to vector<16xi32>
      %gather3A_1159 = tpu.vector_load_idx %arg6[%broadcast_in_dim3A_1156, %broadcast_in_dim3A_1158, %add3A_338] : memref<8x8x256xf32, #tpu.memory_space<vmem>>[vector<16xi32>, vector<16xi32>, vector<16xi32>], vector<16xf32>,
      %mul3A_1160 = arith.constant 16 : i32
      %mul3A_1161 = arith.muli %scan3A_20, %mul3A_1160 : i32
      %swap3A_1162 = arith.constant 7 : i32
      %swap3A_1163 = arith.constant 7 : i32
      %swap3A_1164 = arith.index_cast %swap3A_1162 : i32 to index
      %swap3A_1165 = arith.index_cast %swap3A_1163 : i32 to index
      %swap3A_1166 = arith.index_cast %mul3A_1161 : i32 to index
      %swap3A_1167 = tpu.vector_load %arg7[%swap3A_1164, %swap3A_1165, %swap3A_1166] {strides = array<i32>} : memref<8x8x512xf32, #tpu.memory_space<vmem>>, vector<16xf32>,
      tpu.vector_store %arg7[%swap3A_1164, %swap3A_1165, %swap3A_1166], %gather3A_1159 {strides = array<i32>} : memref<8x8x512xf32, #tpu.memory_space<vmem>>, vector<16xf32>,
    }
    %scan3A_7 = arith.constant 32 : i32
    %mul3A_8 = arith.constant 512 : i32
    %mul3A_9 = arith.muli %add3A, %mul3A_8 : i32
    %multiple_of3A = tpu.assume_multiple %mul3A_9, 128 : i32
    %dma_start3A = arith.constant 0 : i32
    %dma_start3A_10 = arith.constant 0 : i32
    %dma_start3A_11 = tpu.memref_slice %arg4[%dma_start3A, %dma_start3A_10, %multiple_of3A] : memref<8x8x16384xf32, #tpu.memory_space<hbm>> -> memref<8x8x512xf32, #tpu.memory_space<hbm>>
    %dma_start3A_12 = arith.constant 0 : i32
    %dma_start3A_13 = arith.constant 0 : i32
    %dma_start3A_14 = tpu.memref_slice %arg4[%dma_start3A_12, %dma_start3A_13, %multiple_of3A] : memref<8x8x16384xf32, #tpu.memory_space<hbm>> -> memref<8x8x512xf32, #tpu.memory_space<hbm>>
    tpu.enqueue_dma source(%arg7 : memref<8x8x512xf32, #tpu.memory_space<vmem>>) target(%dma_start3A_14 : memref<8x8x512xf32, #tpu.memory_space<hbm>>) target_semaphore(%arg9 : memref<!tpu.dma_semaphore, #tpu.memory_space<semaphore_mem>>)
    %dma_wait3A = arith.constant 0 : i32
    %dma_wait3A_15 = arith.constant 0 : i32
    %dma_wait3A_16 = tpu.memref_slice %arg4[%dma_wait3A, %dma_wait3A_15, %multiple_of3A] : memref<8x8x16384xf32, #tpu.memory_space<hbm>> -> memref<8x8x512xf32, #tpu.memory_space<hbm>>
    %dma_wait3A_17 = arith.constant 0 : i32
    %dma_wait3A_18 = arith.constant 0 : i32
    %dma_wait3A_19 = tpu.memref_slice %arg4[%dma_wait3A_17, %dma_wait3A_18, %multiple_of3A] : memref<8x8x16384xf32, #tpu.memory_space<hbm>> -> memref<8x8x512xf32, #tpu.memory_space<hbm>>
    tpu.wait_dma2 semaphore(%arg9 : memref<!tpu.dma_semaphore, #tpu.memory_space<semaphore_mem>>) src(%arg7 : memref<8x8x512xf32, #tpu.memory_space<vmem>>) dst(%dma_wait3A_19 : memref<8x8x512xf32, #tpu.memory_space<hbm>>)
    return
  }
}

</mosaic_0001>

<sc_bundles>
// kernel: kernel.3.cloned.1.call-start
scs
__scs_entry_jumppad:
0x0: {  	(pc) =	sbr.rel $0x88, $3  }
0x1: {  	(tag) =	ssettag $0x0;
	lr =	simm.s32 $0x1  }
0x2: {  	[smem:$0x3F9F] =	sst lr;
	_ =	strace $0xD0000000  }
0x3: {  	_ = 	snop  }
0x4: {  	_ = 	snop  }
0x5: {  	_ = 	snop  }
0x6: {  	_ = 	snop  }
0x7: {  	_ = 	snop  }
__scs_overlays_trampoline_lowered:
0x8: {  	[smem:$0x3FAE] =	sst s0  }
0x9: {  	[smem:$0x3FAF] =	sst s1  }
0xa: {  	[smem:$0x3FB0] =	sst s2  }
0xb: {  	[smem:$0x3FB1] =	sst s3  }
0xc: {  	[smem:$0x3FB2] =	sst s4  }
0xd: {  	[smem:$0x3FB3] =	sst s5  }
0xe: {  	[smem:$0x3FB4] =	sst s6  }
0xf: {  	[smem:$0x3FB5] =	sst s7  }
0x10: {  	[smem:$0x3FB6] =	sst s8  }
0x11: {  	[smem:$0x3FB7] =	sst s9;
	s0 =	simm.s32 @!p0 $0x0  }
0x12: {  	s1 =	sld [smem:$0x3F9D];
	s0 =	simm.s32 @p0 $0x1  }
0x13: {  	[smem:$0x3FB8] =	sst s0;
	s0 =	simm.s32 @!p1 $0x0  }
0x14: {  	s2 =	sld [smem:$0x3F9C];
	s0 =	simm.s32 @p1 $0x1  }
0x15: {  	[smem:$0x3FB9] =	sst s0;
	s0 =	simm.s32 @!p2 $0x0  }
0x16: {  	s3 =	sld [smem:$0x3FDB];
	s0 =	simm.s32 @p2 $0x1  }
0x17: {  	s4 =	simm.s32 $0x1BF5;
	[smem:$0x3FBB] =	sst s0  }
0x18: {  	s0 =	sld [smem:$0x3F9E];
	_ =	swait.ge [sflag:s4], $0x0  }
0x19: {  	s7 =	sld [smem:$0x3F9F]  }
0x1a: {  	s8 =	sadd.s32 $0xFFFFE003, lr  }
0x1b: {  	s9 =	sadd.s32 $0xFFFFFEF7, lr;
	s5 =	simm.s32 $0xFFFFFFFF;
	p2 =	slt.u32 s8, $0xFFFFF086  }
0x1c: {  	p1 =	slt.u32 s9, $0xF7A;
	s5 =	simm.s32 @!p2 $0x0  }
0x1d: {  	s5 =	simm.s32 @p1 $0x1;
	p0 =	seq.s32 s7, s2  }
0x1e: {  	s7 =	smul.u32 @!p0 $0xF7A, s2;
	p2 =	seq.s32 @!p0 s5, $0x0  }
0x1f: {  	s9 =	smul.u32 $0xF7A, s1;
	s8 =	simm.s32 @!p0 $0x1BF5;
	p2 =	por !p2, p0  }
0x20: {  	[sflag:s8] =	ssyncset.s32 @!p0 $0xFFFFF086;
	s6 =	sadd.s32 @!p0 s3, s7;
	s7 =	simm.s32 @!p0 $0x108  }
0x21: {  	s3 =	sadd.s32 s3, s9;
	s6 =	sadd.s32 @!p0 $0x88, s6;
	s7 =	simm.s32 @p2 $0x1082  }
0x22: {  	[simem:s7], [sflag:s8] =	dma.local @!p0 [hbm:s6], $0xF7A  }
0x23: {  	s9 =	sor.u32 $0xD0000000, s2;
	s6 =	simm.s32 $0x108;
	_ =	swait.ge @!p0 [sflag:s8], $0x0  }
0x24: {  	s3 =	sadd.s32 $0x88, s3;
	s6 =	simm.s32 @!p1 $0x1082;
	[sflag:s4] =	ssyncset.s32 $0xFFFFF086  }
0x25: {  	[simem:s6], [sflag:s4] =	dma.local [hbm:s3], $0xF7A  }
0x26: {  	[smem:$0x3F9F] =	sst s1;
	(tag) =	ssettag s2;
	_ =	strace s9  }
0x27: {  	s1 =	sld [smem:$0x3FAF]  }
0x28: {  	s2 =	sld [smem:$0x3FB0]  }
0x29: {  	s4 =	sld [smem:$0x3FB2]  }
0x2a: {  	p0 =	seq.s32 s5, $0x0;
	s5 =	sld [smem:$0x3FB3]  }
0x2b: {  	s6 =	sld [smem:$0x3FB4]  }
0x2c: {  	s7 =	sld [smem:$0x3FB5]  }
0x2d: {  	s3 =	simm.s32 $0x108;
	s8 =	sld [smem:$0x3FB6]  }
0x2e: {  	s3 =	simm.s32 @!p0 $0x1082;
	s9 =	sld [smem:$0x3FB7]  }
0x2f: {  	lr =	sadd.s32 s0, s3;
	s0 =	sld [smem:$0x3FAE]  }
0x30: {  	s3 =	sld [smem:$0x3FB1]  }
0x31: {  	[smem:$0x3FBA] =	sst s10  }
0x32: {  	s10 =	sld [smem:$0x3FB8];
	_ =	sdelay $0x3  }
0x33: {  	p0 =	seq.s32 s10, $0x1;
	s10 =	sld [smem:$0x3FBA];
	_ =	sdelay $0x3  }
0x34: {  	[smem:$0x3FBA] =	sst s10  }
0x35: {  	s10 =	sld [smem:$0x3FB9];
	_ =	sdelay $0x3  }
0x36: {  	p1 =	seq.s32 s10, $0x1;
	s10 =	sld [smem:$0x3FBA];
	_ =	sdelay $0x3  }
0x37: {  	[smem:$0x3FBA] =	sst s10  }
0x38: {  	s10 =	sld [smem:$0x3FBB]  }
0x39: {  	_ = 	snop;
	(pc) =	sbr.ind lr, $3  }
0x3a: {  	_ = 	snop  }
0x3b: {  	_ = 	snop  }
0x3c: {  	p2 =	seq.s32 s10, $0x1;
	s10 =	sld [smem:$0x3FBA]  }
0x3d: {  	_ =	shalt  }
0x3e: {  	_ =	shalt  }
0x3f: {  	_ =	shalt  }
0x40: {  	_ =	shalt  }
0x41: {  	_ =	shalt  }
0x42: {  	_ =	shalt  }
0x43: {  	_ =	shalt  }
0x44: {  	_ =	shalt  }
0x45: {  	_ =	shalt  }
0x46: {  	_ =	shalt  }
0x47: {  	_ =	shalt  }
0x48: {  	_ =	shalt  }
0x49: {  	_ =	shalt  }
0x4a: {  	_ =	shalt  }
0x4b: {  	_ =	shalt  }
0x4c: {  	_ =	shalt  }
0x4d: {  	_ =	shalt  }
0x4e: {  	_ =	shalt  }
0x4f: {  	_ =	shalt  }
0x50: {  	_ =	shalt  }
0x51: {  	_ =	shalt  }
0x52: {  	_ =	shalt  }
0x53: {  	_ =	shalt  }
0x54: {  	_ =	shalt  }
0x55: {  	_ =	shalt  }
0x56: {  	_ =	shalt  }
0x57: {  	_ =	shalt  }
0x58: {  	_ =	shalt  }
0x59: {  	_ =	shalt  }
0x5a: {  	_ =	shalt  }
0x5b: {  	_ =	shalt  }
0x5c: {  	_ =	shalt  }
0x5d: {  	_ =	shalt  }
0x5e: {  	_ =	shalt  }
0x5f: {  	_ =	shalt  }
0x60: {  	_ =	shalt  }
0x61: {  	_ =	shalt  }
0x62: {  	_ =	shalt  }
0x63: {  	_ =	shalt  }
0x64: {  	_ =	shalt  }
0x65: {  	_ =	shalt  }
0x66: {  	_ =	shalt  }
0x67: {  	_ =	shalt  }
0x68: {  	_ =	shalt  }
0x69: {  	_ =	shalt  }
0x6a: {  	_ =	shalt  }
0x6b: {  	_ =	shalt  }
0x6c: {  	_ =	shalt  }
0x6d: {  	_ =	shalt  }
0x6e: {  	_ =	shalt  }
0x6f: {  	_ =	shalt  }
0x70: {  	_ =	shalt  }
0x71: {  	_ =	shalt  }
0x72: {  	_ =	shalt  }
0x73: {  	_ =	shalt  }
0x74: {  	_ =	shalt  }
0x75: {  	_ =	shalt  }
0x76: {  	_ =	shalt  }
0x77: {  	_ =	shalt  }
0x78: {  	_ =	shalt  }
0x79: {  	_ =	shalt  }
0x7a: {  	_ =	shalt  }
0x7b: {  	_ =	shalt  }
0x7c: {  	_ =	shalt  }
0x7d: {  	_ =	shalt  }
0x7e: {  	_ =	shalt  }
0x7f: {  	_ =	shalt  }
0x80: {  	_ =	shalt  }
0x81: {  	_ =	shalt  }
0x82: {  	_ =	shalt  }
0x83: {  	_ =	shalt  }
0x84: {  	_ =	shalt  }
0x85: {  	_ =	shalt  }
0x86: {  	_ =	shalt  }
0x87: {  	_ =	shalt  }
.Lfunc_end0:
.L_simem_size_0:
called_computation_lowered:
.L_overlay_start_0:
0x88: {  	s2 =	sld [smem:$0x3FD9]  }
0x89: {  	s3 =	sld [smem:$0x3FFE];
	_ =	sdelay $0x1  }
0x8a: {  	s1 =	srdreg.scid  }
0x8b: {  	s0 =	sand.u32 $0x1, s1  }
0x8c: {  	s18 =	sshll.u32 s0, $0xA;
	s2 =	sadd.s32 s3, s2  }
0x8d: {  	s2 =	sadd.s32 s2, s18  }
0x8e: {  	[smem:$0x3FC6] =	sst s2  }
0x8f: {  	_ = 	snop  }
0x90: {  	s2 =	sld [smem:$0x3FC9]  }
0x91: {  	s19 =	sld [smem:$0x3FC8]  }
0x92: {  	s4 =	sld [smem:$0x3FD0];
	(tm) =	ssettm $0x1  }
0x93: {  	s5 =	sld [smem:$0x3FFB];
	_ =	sdelay $0x3  }
0x94: {  	_ =	strace s5  }
0x95: {  	s5 =	sld [smem:$0x3FFC];
	_ =	sdelay $0x3  }
0x96: {  	_ =	strace s5  }
0x97: {  	s5 =	sld [smem:$0x3FFD];
	_ =	sdelay $0x3  }
0x98: {  	_ =	strace s5  }
0x99: {  	_ =	strace $0x8FFFFFFF  }
0x9a: {  	s20 =	sld [smem:$0x3FDB];
	_ =	sdelay $0x1  }
0x9b: {  	s6 =	simm.s32 $_scs_section_size  }
0x9c: {  	s7 =	simm.s32 $_size__tile_overlayer_lowered;
	s8 =	simm.s32 $_tile_overlayer_lowered  }
0x9d: {  	s23 =	simm.s32 $0x1BFF;
	s22 =	sshll.u32 s8, $0x1;
	s5 =	sadd.s32 s6, s20  }
0x9e: {  	s9 =	simm.s32 $0x0;
	s21 =	sshll.u32 s7, $0x1;
	s7 =	sadd.s32 s22, s5  }
0x9f: {  	[timem:s9], [sflag:s23] =	dma.local [hbm:s7], s21  }
0xa0: {  	_ =	swait.ge [sflag:s23], s21  }
0xa1: {  	s6 =	ssub.s32 $0x0, s21;
	[sflag:s23] =	ssyncset.done $0x0  }
0xa2: {  	[sflag:s23] =	ssyncadd.s32 s6;
	_ =	sdelay $0x1  }
0xa3: {  	s24 =	simm.s32 $0x1B8B  }
0xa4: {  	_ =	swait.ge [sflag:s24], $0x1  }
0xa5: {  	[sflag:s24] =	ssyncset.done $0x0  }
0xa6: {  	s25 =	simm.s32 $0x1B8E;
	[sflag:s24] =	ssyncadd.s32 $0xFFFFFFFF  }
0xa7: {  	s26 =	simm.s32 $execute0_lowered;
	[smem:$0x3FD2] =	sst s25  }
0xa8: {  	s6 =	sshll.u32 s26, $0x1;
	_ =	strace $0x80000046;
	[dreg:$0x1] =	wrdreg $0xFFFFFFFF  }
0xa9: {  	s28 =	simm.s32 $_size_execute0_lowered;
	s5 =	sadd.s32 s5, s6;
	[dreg:$0x0] =	wrdreg $0x0  }
0xaa: {  	s6 =	sshll.u32 s28, $0x1;
	[dreg:$0x2] =	wrdreg s5  }
0xab: {  	[dreg:$0x3] =	wrdreg s6  }
0xac: {  	[dreg:$0x4] =	wrdreg $0xC0  }
0xad: {  	_ =	task [dreg:s9], $0x5FFFF  }
0xae: {  	[dreg:$0x1] =	wrdreg $0xFFFFFFFF  }
0xaf: {  	[dreg:$0x0] =	wrdreg $0x60  }
0xb0: {  	[dreg:$0x2] =	wrdreg s2  }
0xb1: {  	[dreg:$0x3] =	wrdreg s19  }
0xb2: {  	[dreg:$0x4] =	wrdreg s4  }
0xb3: {  	[dreg:$0x5] =	wrdreg $0x9  }
0xb4: {  	_ =	task.clear_ibuf [dreg:s9], $0x6FFFF;
	_ =	strace $0x90000046  }
0xb5: {  	s29 =	simm.s32 $0x9;
	_ =	strace $0x80000048  }
0xb6: {  	_ =	swait.ge [sflag:s29], $0x1  }
0xb7: {  	[sflag:s29] =	ssyncadd.s32 $0xFFFFFFFF  }
0xb8: {  	_ =	strace $0x90000048  }
0xb9: {  	_ =	sfence  }
0xba: {  	s30 =	sld [smem:$0x0];
	_ =	sdelay $0x2  }
0xbb: {  	s31 =	sshll.u32 s1, $0xD;
	s1 =	sshrl.u32 s1, $0x2  }
0xbc: {  	s3 =	sand.u32 $0x4000, s31;
	s1 =	sadd.s32 s1, s30  }
0xbd: {  	s0 =	sor.u32 s3, s0;
	s1 =	sshll.u32 s1, $0x11  }
0xbe: {  	s0 =	sor.u32 s1, s0  }
0xbf: {  	s0 =	sadd.s32 $0x8F2B, s0  }
0xc0: {  	[sflag:s0] =	ssyncadd.remote.s32 $0x1  }
0xc1: {  	_ =	sfence.sel $0xFFFF  }
0xc2: {  	[dreg:$0x0] =	wrdreg $0xFFFFFFFF;
	(pc) =	sbr.abs _section_cstart, $3  }
0xc3: {  	[dreg:$0x1] =	wrdreg $0xFFFFFFFF  }
0xc4: {  	_ =	task.clear_ibuf [dreg:s9], $0x2FFFF;
	_ =	strace $0x9FFFFFFF  }
0xc5: {  	(tm) =	ssettm $0x7FFFFFFF  }
tec
execute0_lowered:
.L_overlay_start_1:
0x0: {  	(tag) =	ssettag $0x1  }
0x1: {  	v0 =	vimm.s32 $0x30201000;
	v1 =	vimm.s32 $0x70605040  }
0x2: {  	vm1 =	vcmask $0xF00;
	vm7 =	vcmask $0x1F10;
	vm6 =	vcmask $0x2320  }
0x3: {  	vm5 =	vcmask $0x2724;
	vm4 =	vcmask $0x2B28;
	vm3 =	vcmask $0x2F2C  }
0x4: {  	v2 =	vimm.s32 $0xF0E0D0C0;
	vm2 =	vcmask $0x3330;
	vm0 =	vcmask $0x3734  }
0x5: {  	vm11 =	vcmask $0x300;
	v3 =	vimm.s32 $0x5F0;
	vm12 =	vcmask $0x704  }
0x6: {  	vm13 =	vcmask $0xB08;
	vm14 =	vcmask $0xF0C;
	vm10 =	vcmask $0x1310  }
0x7: {  	vm9 =	vcmask $0x1714;
	vm8 =	vcmask $0x1B18;
	vm15 =	vcmask $0x1F1C  }
0x8: {  	v4 =	vimm.s32 $0x6F0;
	v5 =	vimm.s32 $0x770;
	v8 =	vimm.s32 $0xCF0  }
0x9: {  	v11 =	vimm.s32 $0xE70;
	v14 =	vimm.s32 $0xFF0;
	v17 =	vimm.s32 $0x1570  }
0xa: {  	v20 =	vimm.s32 $0x16F0;
	v23 =	vimm.s32 $0x1C70;
	v26 =	vimm.s32 $0x1DF0  }
0xb: {  	v29 =	vimm.s32 $0x1F70;
	v32 =	vimm.s32 $0x24F0;
	v55 =	vimm.s32 $0x25F0  }
0xc: {  	v35 =	vimm.s32 $0x2670;
	v56 =	vimm.s32 $0x2770;
	v38 =	vimm.s32 $0x27F0  }
0xd: {  	v57 =	vimm.s32 $0x2CF0;
	v41 =	vimm.s32 $0x2D70;
	v58 =	vimm.s32 $0x2E70  }
0xe: {  	v44 =	vimm.s32 $0x2EF0;
	v59 =	vimm.s32 $0x2FF0;
	v47 =	vimm.s32 $0x3470  }
0xf: {  	v60 =	vimm.s32 $0x3570;
	v50 =	vimm.s32 $0x35F0;
	v61 =	vimm.s32 $0x36F0  }
0x10: {  	v53 =	vimm.s32 $0x3770;
	v62 =	vimm.s32 $0x3C70;
	v63 =	vimm.s32 $0x3DF0  }
0x11: {  	v0 =	vunpack.c.0.s8.s32 v0;
	v1 =	vunpack.c.0.s8.s32 v1;
	v2 =	vunpack.c.0.s8.s32 v2  }
0x12: {  	v3 =	vsel vm11, $0x180, v3;
	v4 =	vsel vm11, $0x280, v4;
	v5 =	vsel vm11, $0x300, v5  }
0x13: {  	v8 =	vsel vm11, $0x880, v8;
	v11 =	vsel vm11, $0xA00, v11;
	v14 =	vsel vm11, $0xB80, v14  }
0x14: {  	v17 =	vsel vm11, $0x1100, v17;
	v20 =	vsel vm11, $0x1280, v20;
	v23 =	vsel vm11, $0x1800, v23  }
0x15: {  	v26 =	vsel vm11, $0x1980, v26;
	v29 =	vsel vm11, $0x1B00, v29;
	v32 =	vsel vm11, $0x2080, v32  }
0x16: {  	v35 =	vsel vm11, $0x2200, v35;
	v38 =	vsel vm11, $0x2380, v38;
	v41 =	vsel vm11, $0x2900, v41  }
0x17: {  	v44 =	vsel vm11, $0x2A80, v44;
	v47 =	vsel vm11, $0x3000, v47;
	v50 =	vsel vm11, $0x3180, v50  }
0x18: {  	v53 =	vsel vm11, $0x3300, v53;
	v3 =	vsel vm12, $0x190, v3;
	v0 =	vnsel vm1, $0x470, v0  }
0x19: {  	v4 =	vsel vm12, $0x290, v4;
	v0 =	vsel vm7, v1, v0;
	v1 =	vimm.s32 $0xB0A09080  }
0x1a: {  	v5 =	vsel vm12, $0x310, v5;
	v8 =	vsel vm12, $0x890, v8;
	v1 =	vunpack.c.0.s8.s32 v1  }
0x1b: {  	v11 =	vsel vm12, $0xA10, v11;
	v14 =	vsel vm12, $0xB90, v14;
	v17 =	vsel vm12, $0x1110, v17  }
0x1c: {  	v20 =	vsel vm12, $0x1290, v20;
	v23 =	vsel vm12, $0x1810, v23;
	v1 =	vand.u32 $0xFF, v1  }
0x1d: {  	v26 =	vsel vm12, $0x1990, v26;
	v2 =	vand.u32 $0xFF, v2;
	v1 =	vnsel vm1, $0x4F0, v1  }
0x1e: {  	v29 =	vsel vm12, $0x1B10, v29;
	v1 =	vsel vm7, v2, v1;
	v2 =	vimm.s32 $0x570  }
0x1f: {  	v32 =	vsel vm12, $0x2090, v32;
	v0 =	vsel vm6, $0x400, v0;
	v2 =	vsel vm11, $0x100, v2  }
0x20: {  	v35 =	vsel vm12, $0x2210, v35;
	v0 =	vsel vm5, $0x410, v0;
	v2 =	vsel vm12, $0x110, v2  }
0x21: {  	v38 =	vsel vm12, $0x2390, v38;
	v0 =	vsel vm4, $0x420, v0;
	v2 =	vsel vm13, $0x120, v2  }
0x22: {  	v41 =	vsel vm12, $0x2910, v41;
	v0 =	vsel vm3, $0x430, v0;
	v2 =	vsel vm14, $0x130, v2  }
0x23: {  	v44 =	vsel vm12, $0x2A90, v44;
	v0 =	vsel vm2, $0x440, v0;
	v2 =	vsel vm10, $0x140, v2  }
0x24: {  	vm1 =	vcmask $0x3B38;
	v0 =	vsel vm0, $0x450, v0;
	v2 =	vsel vm9, $0x150, v2  }
0x25: {  	v47 =	vsel vm12, $0x3010, v47;
	v0 =	vsel vm1, $0x460, v0;
	v2 =	vsel vm8, $0x160, v2  }
0x26: {  	v50 =	vsel vm12, $0x3190, v50;
	v53 =	vsel vm12, $0x3310, v53;
	[tilespmem:$0x1FFD0] =	vst v0;
	v0 =	vsel vm15, $0x170, v2  }
0x27: {  	v3 =	vsel vm13, $0x1A0, v3;
	v4 =	vsel vm13, $0x2A0, v4;
	v0 =	vsel vm6, $0x500, v0  }
0x28: {  	v5 =	vsel vm13, $0x320, v5;
	v4 =	vsel vm14, $0x2B0, v4;
	v0 =	vsel vm5, $0x510, v0  }
0x29: {  	v5 =	vsel vm14, $0x330, v5;
	v4 =	vsel vm10, $0x2C0, v4;
	v0 =	vsel vm4, $0x520, v0  }
0x2a: {  	v5 =	vsel vm10, $0x340, v5;
	v4 =	vsel vm9, $0x2D0, v4;
	v0 =	vsel vm3, $0x530, v0  }
0x2b: {  	v5 =	vsel vm9, $0x350, v5;
	v4 =	vsel vm8, $0x2E0, v4;
	v0 =	vsel vm2, $0x540, v0  }
0x2c: {  	v5 =	vsel vm8, $0x360, v5;
	v4 =	vsel vm15, $0x2F0, v4;
	v0 =	vsel vm0, $0x550, v0  }
0x2d: {  	v5 =	vsel vm15, $0x370, v5;
	v4 =	vsel vm6, $0x680, v4;
	v0 =	vsel vm1, $0x560, v0  }
0x2e: {  	v5 =	vsel vm6, $0x700, v5;
	v4 =	vsel vm5, $0x690, v4;
	[tilespmem:$0x1FFF0] =	vst v0;
	v0 =	vimm.s32 $0x670  }
0x2f: {  	v5 =	vsel vm5, $0x710, v5;
	v4 =	vsel vm4, $0x6A0, v4;
	v0 =	vsel vm11, $0x200, v0  }
0x30: {  	v5 =	vsel vm4, $0x720, v5;
	v4 =	vsel vm3, $0x6B0, v4;
	v0 =	vsel vm12, $0x210, v0  }
0x31: {  	v5 =	vsel vm3, $0x730, v5;
	v4 =	vsel vm2, $0x6C0, v4;
	v0 =	vsel vm13, $0x220, v0  }
0x32: {  	v5 =	vsel vm2, $0x740, v5;
	v6 =	vsel vm0, $0x6D0, v4;
	v0 =	vsel vm14, $0x230, v0  }
0x33: {  	v7 =	vsel vm0, $0x750, v5;
	v5 =	vsel vm1, $0x6E0, v6;
	v0 =	vsel vm10, $0x240, v0  }
0x34: {  	v6 =	vsel vm1, $0x760, v7;
	v7 =	vimm.s32 $0xC70;
	v0 =	vsel vm9, $0x250, v0  }
0x35: {  	v8 =	vsel vm13, $0x8A0, v8;
	v7 =	vsel vm11, $0x800, v7;
	v0 =	vsel vm8, $0x260, v0  }
0x36: {  	v11 =	vsel vm13, $0xA20, v11;
	v7 =	vsel vm12, $0x810, v7;
	v0 =	vsel vm15, $0x270, v0  }
0x37: {  	v14 =	vsel vm13, $0xBA0, v14;
	v7 =	vsel vm13, $0x820, v7;
	v0 =	vsel vm6, $0x600, v0  }
0x38: {  	v8 =	vsel vm14, $0x8B0, v8;
	v7 =	vsel vm14, $0x830, v7;
	v0 =	vsel vm5, $0x610, v0  }
0x39: {  	v8 =	vsel vm10, $0x8C0, v8;
	v7 =	vsel vm10, $0x840, v7;
	v0 =	vsel vm4, $0x620, v0  }
0x3a: {  	v8 =	vsel vm9, $0x8D0, v8;
	v7 =	vsel vm9, $0x850, v7;
	v0 =	vsel vm3, $0x630, v0  }
0x3b: {  	v8 =	vsel vm8, $0x8E0, v8;
	v7 =	vsel vm8, $0x860, v7;
	v0 =	vsel vm2, $0x640, v0  }
0x3c: {  	v8 =	vsel vm15, $0x8F0, v8;
	v7 =	vsel vm15, $0x870, v7;
	v0 =	vsel vm0, $0x650, v0  }
0x3d: {  	v7 =	vsel vm6, $0xC00, v7;
	v4 =	vsel vm1, $0x660, v0;
	v0 =	vimm.s32 $0x7F0  }
0x3e: {  	v8 =	vsel vm6, $0xC80, v8;
	v7 =	vsel vm5, $0xC10, v7;
	v0 =	vsel vm11, $0x380, v0  }
0x3f: {  	v8 =	vsel vm5, $0xC90, v8;
	v7 =	vsel vm4, $0xC20, v7;
	v0 =	vsel vm12, $0x390, v0  }
0x40: {  	v8 =	vsel vm4, $0xCA0, v8;
	v7 =	vsel vm3, $0xC30, v7;
	v0 =	vsel vm13, $0x3A0, v0  }
0x41: {  	v8 =	vsel vm3, $0xCB0, v8;
	v7 =	vsel vm2, $0xC40, v7;
	v0 =	vsel vm14, $0x3B0, v0  }
0x42: {  	v8 =	vsel vm2, $0xCC0, v8;
	v9 =	vsel vm0, $0xC50, v7;
	v0 =	vsel vm10, $0x3C0, v0  }
0x43: {  	v10 =	vsel vm0, $0xCD0, v8;
	v8 =	vsel vm1, $0xC60, v9;
	v0 =	vsel vm9, $0x3D0, v0  }
0x44: {  	v9 =	vsel vm1, $0xCE0, v10;
	v10 =	vimm.s32 $0xDF0;
	v0 =	vsel vm8, $0x3E0, v0  }
0x45: {  	v17 =	vsel vm13, $0x1120, v17;
	v10 =	vsel vm11, $0x980, v10;
	v0 =	vsel vm15, $0x3F0, v0  }
0x46: {  	v20 =	vsel vm13, $0x12A0, v20;
	v10 =	vsel vm12, $0x990, v10;
	v0 =	vsel vm6, $0x780, v0  }
0x47: {  	v23 =	vsel vm13, $0x1820, v23;
	v10 =	vsel vm13, $0x9A0, v10;
	v0 =	vsel vm5, $0x790, v0  }
0x48: {  	v11 =	vsel vm14, $0xA30, v11;
	v10 =	vsel vm14, $0x9B0, v10;
	v0 =	vsel vm4, $0x7A0, v0  }
0x49: {  	v11 =	vsel vm10, $0xA40, v11;
	v10 =	vsel vm10, $0x9C0, v10;
	v0 =	vsel vm3, $0x7B0, v0  }
0x4a: {  	v11 =	vsel vm9, $0xA50, v11;
	v10 =	vsel vm9, $0x9D0, v10;
	v0 =	vsel vm2, $0x7C0, v0  }
0x4b: {  	v11 =	vsel vm8, $0xA60, v11;
	v10 =	vsel vm8, $0x9E0, v10;
	v0 =	vsel vm0, $0x7D0, v0  }
0x4c: {  	v10 =	vsel vm15, $0x9F0, v10;
	v7 =	vsel vm1, $0x7E0, v0;
	v0 =	vimm.s32 $0xD70  }
0x4d: {  	v11 =	vsel vm15, $0xA70, v11;
	v10 =	vsel vm6, $0xD80, v10;
	v0 =	vsel vm11, $0x900, v0  }
0x4e: {  	v11 =	vsel vm6, $0xE00, v11;
	v10 =	vsel vm5, $0xD90, v10;
	v0 =	vsel vm12, $0x910, v0  }
0x4f: {  	v11 =	vsel vm5, $0xE10, v11;
	v10 =	vsel vm4, $0xDA0, v10;
	v0 =	vsel vm13, $0x920, v0  }
0x50: {  	v11 =	vsel vm4, $0xE20, v11;
	v10 =	vsel vm3, $0xDB0, v10;
	v0 =	vsel vm14, $0x930, v0  }
0x51: {  	v11 =	vsel vm3, $0xE30, v11;
	v10 =	vsel vm2, $0xDC0, v10;
	v0 =	vsel vm10, $0x940, v0  }
0x52: {  	v11 =	vsel vm2, $0xE40, v11;
	v12 =	vsel vm0, $0xDD0, v10;
	v0 =	vsel vm9, $0x950, v0  }
0x53: {  	v13 =	vsel vm0, $0xE50, v11;
	v11 =	vsel vm1, $0xDE0, v12;
	v0 =	vsel vm8, $0x960, v0  }
0x54: {  	v12 =	vsel vm1, $0xE60, v13;
	v13 =	vimm.s32 $0xF70;
	v0 =	vsel vm15, $0x970, v0  }
0x55: {  	v26 =	vsel vm13, $0x19A0, v26;
	v13 =	vsel vm11, $0xB00, v13;
	v0 =	vsel vm6, $0xD00, v0  }
0x56: {  	v29 =	vsel vm13, $0x1B20, v29;
	v13 =	vsel vm12, $0xB10, v13;
	v0 =	vsel vm5, $0xD10, v0  }
0x57: {  	v32 =	vsel vm13, $0x20A0, v32;
	v13 =	vsel vm13, $0xB20, v13;
	v0 =	vsel vm4, $0xD20, v0  }
0x58: {  	v14 =	vsel vm14, $0xBB0, v14;
	v13 =	vsel vm14, $0xB30, v13;
	v0 =	vsel vm3, $0xD30, v0  }
0x59: {  	v14 =	vsel vm10, $0xBC0, v14;
	v13 =	vsel vm10, $0xB40, v13;
	v0 =	vsel vm2, $0xD40, v0  }
0x5a: {  	v14 =	vsel vm9, $0xBD0, v14;
	v13 =	vsel vm9, $0xB50, v13;
	v0 =	vsel vm0, $0xD50, v0  }
0x5b: {  	v13 =	vsel vm8, $0xB60, v13;
	v10 =	vsel vm1, $0xD60, v0;
	v0 =	vimm.s32 $0xEF0  }
0x5c: {  	v14 =	vsel vm8, $0xBE0, v14;
	v13 =	vsel vm15, $0xB70, v13;
	v0 =	vsel vm11, $0xA80, v0  }
0x5d: {  	v14 =	vsel vm15, $0xBF0, v14;
	v13 =	vsel vm6, $0xF00, v13;
	v0 =	vsel vm12, $0xA90, v0  }
0x5e: {  	v14 =	vsel vm6, $0xF80, v14;
	v13 =	vsel vm5, $0xF10, v13;
	v0 =	vsel vm13, $0xAA0, v0  }
0x5f: {  	v14 =	vsel vm5, $0xF90, v14;
	v13 =	vsel vm4, $0xF20, v13;
	v0 =	vsel vm14, $0xAB0, v0  }
0x60: {  	v14 =	vsel vm4, $0xFA0, v14;
	v13 =	vsel vm3, $0xF30, v13;
	v0 =	vsel vm10, $0xAC0, v0  }
0x61: {  	v14 =	vsel vm3, $0xFB0, v14;
	v13 =	vsel vm2, $0xF40, v13;
	v0 =	vsel vm9, $0xAD0, v0  }
0x62: {  	v14 =	vsel vm2, $0xFC0, v14;
	v15 =	vsel vm0, $0xF50, v13;
	v0 =	vsel vm8, $0xAE0, v0  }
0x63: {  	v16 =	vsel vm0, $0xFD0, v14;
	v14 =	vsel vm1, $0xF60, v15;
	v0 =	vsel vm15, $0xAF0, v0  }
0x64: {  	v15 =	vsel vm1, $0xFE0, v16;
	v16 =	vimm.s32 $0x14F0;
	v0 =	vsel vm6, $0xE80, v0  }
0x65: {  	v35 =	vsel vm13, $0x2220, v35;
	v16 =	vsel vm11, $0x1080, v16;
	v0 =	vsel vm5, $0xE90, v0  }
0x66: {  	v38 =	vsel vm13, $0x23A0, v38;
	v16 =	vsel vm12, $0x1090, v16;
	v0 =	vsel vm4, $0xEA0, v0  }
0x67: {  	v41 =	vsel vm13, $0x2920, v41;
	v16 =	vsel vm13, $0x10A0, v16;
	v0 =	vsel vm3, $0xEB0, v0  }
0x68: {  	v17 =	vsel vm14, $0x1130, v17;
	v16 =	vsel vm14, $0x10B0, v16;
	v0 =	vsel vm2, $0xEC0, v0  }
0x69: {  	v17 =	vsel vm10, $0x1140, v17;
	v16 =	vsel vm10, $0x10C0, v16;
	v0 =	vsel vm0, $0xED0, v0  }
0x6a: {  	v16 =	vsel vm9, $0x10D0, v16;
	v13 =	vsel vm1, $0xEE0, v0;
	v0 =	vimm.s32 $0x1470  }
0x6b: {  	v17 =	vsel vm9, $0x1150, v17;
	v16 =	vsel vm8, $0x10E0, v16;
	v0 =	vsel vm11, $0x1000, v0  }
0x6c: {  	v17 =	vsel vm8, $0x1160, v17;
	v16 =	vsel vm15, $0x10F0, v16;
	v0 =	vsel vm12, $0x1010, v0  }
0x6d: {  	v17 =	vsel vm15, $0x1170, v17;
	v16 =	vsel vm6, $0x1480, v16;
	v0 =	vsel vm13, $0x1020, v0  }
0x6e: {  	v17 =	vsel vm6, $0x1500, v17;
	v16 =	vsel vm5, $0x1490, v16;
	v0 =	vsel vm14, $0x1030, v0  }
0x6f: {  	v17 =	vsel vm5, $0x1510, v17;
	v16 =	vsel vm4, $0x14A0, v16;
	v0 =	vsel vm10, $0x1040, v0  }
0x70: {  	v17 =	vsel vm4, $0x1520, v17;
	v16 =	vsel vm3, $0x14B0, v16;
	v0 =	vsel vm9, $0x1050, v0  }
0x71: {  	v17 =	vsel vm3, $0x1530, v17;
	v16 =	vsel vm2, $0x14C0, v16;
	v0 =	vsel vm8, $0x1060, v0  }
0x72: {  	v17 =	vsel vm2, $0x1540, v17;
	v18 =	vsel vm0, $0x14D0, v16;
	v0 =	vsel vm15, $0x1070, v0  }
0x73: {  	v19 =	vsel vm0, $0x1550, v17;
	v17 =	vsel vm1, $0x14E0, v18;
	v0 =	vsel vm6, $0x1400, v0  }
0x74: {  	v18 =	vsel vm1, $0x1560, v19;
	v19 =	vimm.s32 $0x1670;
	v0 =	vsel vm5, $0x1410, v0  }
0x75: {  	v44 =	vsel vm13, $0x2AA0, v44;
	v19 =	vsel vm11, $0x1200, v19;
	v0 =	vsel vm4, $0x1420, v0  }
0x76: {  	v47 =	vsel vm13, $0x3020, v47;
	v19 =	vsel vm12, $0x1210, v19;
	v0 =	vsel vm3, $0x1430, v0  }
0x77: {  	v50 =	vsel vm13, $0x31A0, v50;
	v19 =	vsel vm13, $0x1220, v19;
	v0 =	vsel vm2, $0x1440, v0  }
0x78: {  	v20 =	vsel vm14, $0x12B0, v20;
	v19 =	vsel vm14, $0x1230, v19;
	v0 =	vsel vm0, $0x1450, v0  }
0x79: {  	v19 =	vsel vm10, $0x1240, v19;
	v16 =	vsel vm1, $0x1460, v0;
	v0 =	vimm.s32 $0x15F0  }
0x7a: {  	v20 =	vsel vm10, $0x12C0, v20;
	v19 =	vsel vm9, $0x1250, v19;
	v0 =	vsel vm11, $0x1180, v0  }
0x7b: {  	v20 =	vsel vm9, $0x12D0, v20;
	v19 =	vsel vm8, $0x1260, v19;
	v0 =	vsel vm12, $0x1190, v0  }
0x7c: {  	v20 =	vsel vm8, $0x12E0, v20;
	v19 =	vsel vm15, $0x1270, v19;
	v0 =	vsel vm13, $0x11A0, v0  }
0x7d: {  	v20 =	vsel vm15, $0x12F0, v20;
	v19 =	vsel vm6, $0x1600, v19;
	v0 =	vsel vm14, $0x11B0, v0  }
0x7e: {  	v20 =	vsel vm6, $0x1680, v20;
	v19 =	vsel vm5, $0x1610, v19;
	v0 =	vsel vm10, $0x11C0, v0  }
0x7f: {  	v20 =	vsel vm5, $0x1690, v20;
	v19 =	vsel vm4, $0x1620, v19;
	v0 =	vsel vm9, $0x11D0, v0  }
0x80: {  	v20 =	vsel vm4, $0x16A0, v20;
	v19 =	vsel vm3, $0x1630, v19;
	v0 =	vsel vm8, $0x11E0, v0  }
0x81: {  	v20 =	vsel vm3, $0x16B0, v20;
	v19 =	vsel vm2, $0x1640, v19;
	v0 =	vsel vm15, $0x11F0, v0  }
0x82: {  	v20 =	vsel vm2, $0x16C0, v20;
	v21 =	vsel vm0, $0x1650, v19;
	v0 =	vsel vm6, $0x1580, v0  }
0x83: {  	v22 =	vsel vm0, $0x16D0, v20;
	v20 =	vsel vm1, $0x1660, v21;
	v0 =	vsel vm5, $0x1590, v0  }
0x84: {  	v21 =	vsel vm1, $0x16E0, v22;
	v22 =	vimm.s32 $0x17F0;
	v0 =	vsel vm4, $0x15A0, v0  }
0x85: {  	v53 =	vsel vm13, $0x3320, v53;
	v22 =	vsel vm11, $0x1380, v22;
	v0 =	vsel vm3, $0x15B0, v0  }
0x86: {  	v3 =	vsel vm14, $0x1B0, v3;
	v22 =	vsel vm12, $0x1390, v22;
	v0 =	vsel vm2, $0x15C0, v0  }
0x87: {  	v23 =	vsel vm14, $0x1830, v23;
	v22 =	vsel vm13, $0x13A0, v22;
	v0 =	vsel vm0, $0x15D0, v0  }
0x88: {  	v22 =	vsel vm14, $0x13B0, v22;
	v19 =	vsel vm1, $0x15E0, v0;
	v0 =	vimm.s32 $0x1770  }
0x89: {  	v26 =	vsel vm14, $0x19B0, v26;
	v22 =	vsel vm10, $0x13C0, v22;
	v0 =	vsel vm11, $0x1300, v0  }
0x8a: {  	v23 =	vsel vm10, $0x1840, v23;
	v22 =	vsel vm9, $0x13D0, v22;
	v0 =	vsel vm12, $0x1310, v0  }
0x8b: {  	v23 =	vsel vm9, $0x1850, v23;
	v22 =	vsel vm8, $0x13E0, v22;
	v0 =	vsel vm13, $0x1320, v0  }
0x8c: {  	v23 =	vsel vm8, $0x1860, v23;
	v22 =	vsel vm15, $0x13F0, v22;
	v0 =	vsel vm14, $0x1330, v0  }
0x8d: {  	v23 =	vsel vm15, $0x1870, v23;
	v22 =	vsel vm6, $0x1780, v22;
	v0 =	vsel vm10, $0x1340, v0  }
0x8e: {  	v23 =	vsel vm6, $0x1C00, v23;
	v22 =	vsel vm5, $0x1790, v22;
	v0 =	vsel vm9, $0x1350, v0  }
0x8f: {  	v23 =	vsel vm5, $0x1C10, v23;
	v22 =	vsel vm4, $0x17A0, v22;
	v0 =	vsel vm8, $0x1360, v0  }
0x90: {  	v23 =	vsel vm4, $0x1C20, v23;
	v22 =	vsel vm3, $0x17B0, v22;
	v0 =	vsel vm15, $0x1370, v0  }
0x91: {  	v23 =	vsel vm3, $0x1C30, v23;
	v22 =	vsel vm2, $0x17C0, v22;
	v0 =	vsel vm6, $0x1700, v0  }
0x92: {  	v23 =	vsel vm2, $0x1C40, v23;
	v24 =	vsel vm0, $0x17D0, v22;
	v0 =	vsel vm5, $0x1710, v0  }
0x93: {  	v25 =	vsel vm0, $0x1C50, v23;
	v23 =	vsel vm1, $0x17E0, v24;
	v0 =	vsel vm4, $0x1720, v0  }
0x94: {  	v24 =	vsel vm1, $0x1C60, v25;
	v25 =	vimm.s32 $0x1D70;
	v0 =	vsel vm3, $0x1730, v0  }
0x95: {  	v29 =	vsel vm14, $0x1B30, v29;
	v25 =	vsel vm11, $0x1900, v25;
	v0 =	vsel vm2, $0x1740, v0  }
0x96: {  	v32 =	vsel vm14, $0x20B0, v32;
	v25 =	vsel vm12, $0x1910, v25;
	v0 =	vsel vm0, $0x1750, v0  }
0x97: {  	v25 =	vsel vm13, $0x1920, v25;
	v22 =	vsel vm1, $0x1760, v0;
	v0 =	vimm.s32 $0x1CF0  }
0x98: {  	v35 =	vsel vm14, $0x2230, v35;
	v25 =	vsel vm14, $0x1930, v25;
	v0 =	vsel vm11, $0x1880, v0  }
0x99: {  	v38 =	vsel vm14, $0x23B0, v38;
	v25 =	vsel vm10, $0x1940, v25;
	v0 =	vsel vm12, $0x1890, v0  }
0x9a: {  	v26 =	vsel vm10, $0x19C0, v26;
	v25 =	vsel vm9, $0x1950, v25;
	v0 =	vsel vm13, $0x18A0, v0  }
0x9b: {  	v26 =	vsel vm9, $0x19D0, v26;
	v25 =	vsel vm8, $0x1960, v25;
	v0 =	vsel vm14, $0x18B0, v0  }
0x9c: {  	v26 =	vsel vm8, $0x19E0, v26;
	v25 =	vsel vm15, $0x1970, v25;
	v0 =	vsel vm10, $0x18C0, v0  }
0x9d: {  	v26 =	vsel vm15, $0x19F0, v26;
	v25 =	vsel vm6, $0x1D00, v25;
	v0 =	vsel vm9, $0x18D0, v0  }
0x9e: {  	v26 =	vsel vm6, $0x1D80, v26;
	v25 =	vsel vm5, $0x1D10, v25;
	v0 =	vsel vm8, $0x18E0, v0  }
0x9f: {  	v26 =	vsel vm5, $0x1D90, v26;
	v25 =	vsel vm4, $0x1D20, v25;
	v0 =	vsel vm15, $0x18F0, v0  }
0xa0: {  	v26 =	vsel vm4, $0x1DA0, v26;
	v25 =	vsel vm3, $0x1D30, v25;
	v0 =	vsel vm6, $0x1C80, v0  }
0xa1: {  	v26 =	vsel vm3, $0x1DB0, v26;
	v25 =	vsel vm2, $0x1D40, v25;
	v0 =	vsel vm5, $0x1C90, v0  }
0xa2: {  	v26 =	vsel vm2, $0x1DC0, v26;
	v27 =	vsel vm0, $0x1D50, v25;
	v0 =	vsel vm4, $0x1CA0, v0  }
0xa3: {  	v28 =	vsel vm0, $0x1DD0, v26;
	v26 =	vsel vm1, $0x1D60, v27;
	v0 =	vsel vm3, $0x1CB0, v0  }
0xa4: {  	v27 =	vsel vm1, $0x1DE0, v28;
	v28 =	vimm.s32 $0x1EF0;
	v0 =	vsel vm2, $0x1CC0, v0  }
0xa5: {  	v41 =	vsel vm14, $0x2930, v41;
	v28 =	vsel vm11, $0x1A80, v28;
	v0 =	vsel vm0, $0x1CD0, v0  }
0xa6: {  	v28 =	vsel vm12, $0x1A90, v28;
	v25 =	vsel vm1, $0x1CE0, v0;
	v0 =	vimm.s32 $0x1E70  }
0xa7: {  	v44 =	vsel vm14, $0x2AB0, v44;
	v28 =	vsel vm13, $0x1AA0, v28;
	v0 =	vsel vm11, $0x1A00, v0  }
0xa8: {  	v47 =	vsel vm14, $0x3030, v47;
	v28 =	vsel vm14, $0x1AB0, v28;
	v0 =	vsel vm12, $0x1A10, v0  }
0xa9: {  	v50 =	vsel vm14, $0x31B0, v50;
	v28 =	vsel vm10, $0x1AC0, v28;
	v0 =	vsel vm13, $0x1A20, v0  }
0xaa: {  	v29 =	vsel vm10, $0x1B40, v29;
	v28 =	vsel vm9, $0x1AD0, v28;
	v0 =	vsel vm14, $0x1A30, v0  }
0xab: {  	v29 =	vsel vm9, $0x1B50, v29;
	v28 =	vsel vm8, $0x1AE0, v28;
	v0 =	vsel vm10, $0x1A40, v0  }
0xac: {  	v29 =	vsel vm8, $0x1B60, v29;
	v28 =	vsel vm15, $0x1AF0, v28;
	v0 =	vsel vm9, $0x1A50, v0  }
0xad: {  	v29 =	vsel vm15, $0x1B70, v29;
	v28 =	vsel vm6, $0x1E80, v28;
	v0 =	vsel vm8, $0x1A60, v0  }
0xae: {  	v29 =	vsel vm6, $0x1F00, v29;
	v28 =	vsel vm5, $0x1E90, v28;
	v0 =	vsel vm15, $0x1A70, v0  }
0xaf: {  	v29 =	vsel vm5, $0x1F10, v29;
	v28 =	vsel vm4, $0x1EA0, v28;
	v0 =	vsel vm6, $0x1E00, v0  }
0xb0: {  	v29 =	vsel vm4, $0x1F20, v29;
	v28 =	vsel vm3, $0x1EB0, v28;
	v0 =	vsel vm5, $0x1E10, v0  }
0xb1: {  	v29 =	vsel vm3, $0x1F30, v29;
	v28 =	vsel vm2, $0x1EC0, v28;
	v0 =	vsel vm4, $0x1E20, v0  }
0xb2: {  	v29 =	vsel vm2, $0x1F40, v29;
	v30 =	vsel vm0, $0x1ED0, v28;
	v0 =	vsel vm3, $0x1E30, v0  }
0xb3: {  	v31 =	vsel vm0, $0x1F50, v29;
	v29 =	vsel vm1, $0x1EE0, v30;
	v0 =	vsel vm2, $0x1E40, v0  }
0xb4: {  	v30 =	vsel vm1, $0x1F60, v31;
	v31 =	vimm.s32 $0x2470;
	v0 =	vsel vm0, $0x1E50, v0  }
0xb5: {  	v31 =	vsel vm11, $0x2000, v31;
	v28 =	vsel vm1, $0x1E60, v0;
	v0 =	vimm.s32 $0x1FF0  }
0xb6: {  	v53 =	vsel vm14, $0x3330, v53;
	v31 =	vsel vm12, $0x2010, v31;
	v0 =	vsel vm11, $0x1B80, v0  }
0xb7: {  	v3 =	vsel vm10, $0x1C0, v3;
	v31 =	vsel vm13, $0x2020, v31;
	v0 =	vsel vm12, $0x1B90, v0  }
0xb8: {  	v32 =	vsel vm10, $0x20C0, v32;
	v31 =	vsel vm14, $0x2030, v31;
	v0 =	vsel vm13, $0x1BA0, v0  }
0xb9: {  	v35 =	vsel vm10, $0x2240, v35;
	v31 =	vsel vm10, $0x2040, v31;
	v0 =	vsel vm14, $0x1BB0, v0  }
0xba: {  	v32 =	vsel vm9, $0x20D0, v32;
	v31 =	vsel vm9, $0x2050, v31;
	v0 =	vsel vm10, $0x1BC0, v0  }
0xbb: {  	v32 =	vsel vm8, $0x20E0, v32;
	v31 =	vsel vm8, $0x2060, v31;
	v0 =	vsel vm9, $0x1BD0, v0  }
0xbc: {  	v32 =	vsel vm15, $0x20F0, v32;
	v31 =	vsel vm15, $0x2070, v31;
	v0 =	vsel vm8, $0x1BE0, v0  }
0xbd: {  	v32 =	vsel vm6, $0x2480, v32;
	v31 =	vsel vm6, $0x2400, v31;
	v0 =	vsel vm15, $0x1BF0, v0  }
0xbe: {  	v32 =	vsel vm5, $0x2490, v32;
	v31 =	vsel vm5, $0x2410, v31;
	v0 =	vsel vm6, $0x1F80, v0  }
0xbf: {  	v32 =	vsel vm4, $0x24A0, v32;
	v31 =	vsel vm4, $0x2420, v31;
	v0 =	vsel vm5, $0x1F90, v0  }
0xc0: {  	v32 =	vsel vm3, $0x24B0, v32;
	v31 =	vsel vm3, $0x2430, v31;
	v0 =	vsel vm4, $0x1FA0, v0  }
0xc1: {  	v32 =	vsel vm2, $0x24C0, v32;
	v31 =	vsel vm2, $0x2440, v31;
	v0 =	vsel vm3, $0x1FB0, v0  }
0xc2: {  	v34 =	vsel vm0, $0x24D0, v32;
	v33 =	vsel vm0, $0x2450, v31;
	v0 =	vsel vm2, $0x1FC0, v0  }
0xc3: {  	v32 =	vsel vm1, $0x2460, v33;
	v33 =	vsel vm1, $0x24E0, v34;
	v0 =	vsel vm0, $0x1FD0, v0  }
0xc4: {  	v34 =	vsel vm11, $0x2180, v55;
	v31 =	vsel vm1, $0x1FE0, v0;
	v0 =	vimm.s32 $0x2570  }
0xc5: {  	v38 =	vsel vm10, $0x23C0, v38;
	v34 =	vsel vm12, $0x2190, v34;
	v0 =	vsel vm11, $0x2100, v0  }
0xc6: {  	v41 =	vsel vm10, $0x2940, v41;
	v34 =	vsel vm13, $0x21A0, v34;
	v0 =	vsel vm12, $0x2110, v0  }
0xc7: {  	v44 =	vsel vm10, $0x2AC0, v44;
	v34 =	vsel vm14, $0x21B0, v34;
	v0 =	vsel vm13, $0x2120, v0  }
0xc8: {  	v47 =	vsel vm10, $0x3040, v47;
	v34 =	vsel vm10, $0x21C0, v34;
	v0 =	vsel vm14, $0x2130, v0  }
0xc9: {  	v35 =	vsel vm9, $0x2250, v35;
	v34 =	vsel vm9, $0x21D0, v34;
	v0 =	vsel vm10, $0x2140, v0  }
0xca: {  	v35 =	vsel vm8, $0x2260, v35;
	v34 =	vsel vm8, $0x21E0, v34;
	v0 =	vsel vm9, $0x2150, v0  }
0xcb: {  	v35 =	vsel vm15, $0x2270, v35;
	v34 =	vsel vm15, $0x21F0, v34;
	v0 =	vsel vm8, $0x2160, v0  }
0xcc: {  	v35 =	vsel vm6, $0x2600, v35;
	v34 =	vsel vm6, $0x2580, v34;
	v0 =	vsel vm15, $0x2170, v0  }
0xcd: {  	v35 =	vsel vm5, $0x2610, v35;
	v34 =	vsel vm5, $0x2590, v34;
	v0 =	vsel vm6, $0x2500, v0  }
0xce: {  	v35 =	vsel vm4, $0x2620, v35;
	v34 =	vsel vm4, $0x25A0, v34;
	v0 =	vsel vm5, $0x2510, v0  }
0xcf: {  	v35 =	vsel vm3, $0x2630, v35;
	v34 =	vsel vm3, $0x25B0, v34;
	v0 =	vsel vm4, $0x2520, v0  }
0xd0: {  	v35 =	vsel vm2, $0x2640, v35;
	v34 =	vsel vm2, $0x25C0, v34;
	v0 =	vsel vm3, $0x2530, v0  }
0xd1: {  	v37 =	vsel vm0, $0x2650, v35;
	v36 =	vsel vm0, $0x25D0, v34;
	v0 =	vsel vm2, $0x2540, v0  }
0xd2: {  	v35 =	vsel vm1, $0x25E0, v36;
	v36 =	vsel vm1, $0x2660, v37;
	v0 =	vsel vm0, $0x2550, v0  }
0xd3: {  	v37 =	vsel vm11, $0x2300, v56;
	v34 =	vsel vm1, $0x2560, v0;
	v0 =	vimm.s32 $0x26F0  }
0xd4: {  	v50 =	vsel vm10, $0x31C0, v50;
	v37 =	vsel vm12, $0x2310, v37;
	v0 =	vsel vm11, $0x2280, v0  }
0xd5: {  	v53 =	vsel vm10, $0x3340, v53;
	v37 =	vsel vm13, $0x2320, v37;
	v0 =	vsel vm12, $0x2290, v0  }
0xd6: {  	v3 =	vsel vm9, $0x1D0, v3;
	v37 =	vsel vm14, $0x2330, v37;
	v0 =	vsel vm13, $0x22A0, v0  }
0xd7: {  	v38 =	vsel vm9, $0x23D0, v38;
	v37 =	vsel vm10, $0x2340, v37;
	v0 =	vsel vm14, $0x22B0, v0  }
0xd8: {  	v41 =	vsel vm9, $0x2950, v41;
	v37 =	vsel vm9, $0x2350, v37;
	v0 =	vsel vm10, $0x22C0, v0  }
0xd9: {  	v38 =	vsel vm8, $0x23E0, v38;
	v37 =	vsel vm8, $0x2360, v37;
	v0 =	vsel vm9, $0x22D0, v0  }
0xda: {  	v38 =	vsel vm15, $0x23F0, v38;
	v37 =	vsel vm15, $0x2370, v37;
	v0 =	vsel vm8, $0x22E0, v0  }
0xdb: {  	v38 =	vsel vm6, $0x2780, v38;
	v37 =	vsel vm6, $0x2700, v37;
	v0 =	vsel vm15, $0x22F0, v0  }
0xdc: {  	v38 =	vsel vm5, $0x2790, v38;
	v37 =	vsel vm5, $0x2710, v37;
	v0 =	vsel vm6, $0x2680, v0  }
0xdd: {  	v38 =	vsel vm4, $0x27A0, v38;
	v37 =	vsel vm4, $0x2720, v37;
	v0 =	vsel vm5, $0x2690, v0  }
0xde: {  	v38 =	vsel vm3, $0x27B0, v38;
	v37 =	vsel vm3, $0x2730, v37;
	v0 =	vsel vm4, $0x26A0, v0  }
0xdf: {  	v38 =	vsel vm2, $0x27C0, v38;
	v37 =	vsel vm2, $0x2740, v37;
	v0 =	vsel vm3, $0x26B0, v0  }
0xe0: {  	v40 =	vsel vm0, $0x27D0, v38;
	v39 =	vsel vm0, $0x2750, v37;
	v0 =	vsel vm2, $0x26C0, v0  }
0xe1: {  	v38 =	vsel vm1, $0x2760, v39;
	v39 =	vsel vm1, $0x27E0, v40;
	v0 =	vsel vm0, $0x26D0, v0  }
0xe2: {  	v40 =	vsel vm11, $0x2880, v57;
	v37 =	vsel vm1, $0x26E0, v0;
	v0 =	vimm.s32 $0x2C70  }
0xe3: {  	v44 =	vsel vm9, $0x2AD0, v44;
	v40 =	vsel vm12, $0x2890, v40;
	v0 =	vsel vm11, $0x2800, v0  }
0xe4: {  	v47 =	vsel vm9, $0x3050, v47;
	v40 =	vsel vm13, $0x28A0, v40;
	v0 =	vsel vm12, $0x2810, v0  }
0xe5: {  	v50 =	vsel vm9, $0x31D0, v50;
	v40 =	vsel vm14, $0x28B0, v40;
	v0 =	vsel vm13, $0x2820, v0  }
0xe6: {  	v53 =	vsel vm9, $0x3350, v53;
	v40 =	vsel vm10, $0x28C0, v40;
	v0 =	vsel vm14, $0x2830, v0  }
0xe7: {  	v3 =	vsel vm8, $0x1E0, v3;
	v40 =	vsel vm9, $0x28D0, v40;
	v0 =	vsel vm10, $0x2840, v0  }
0xe8: {  	v41 =	vsel vm8, $0x2960, v41;
	v40 =	vsel vm8, $0x28E0, v40;
	v0 =	vsel vm9, $0x2850, v0  }
0xe9: {  	v41 =	vsel vm15, $0x2970, v41;
	v40 =	vsel vm15, $0x28F0, v40;
	v0 =	vsel vm8, $0x2860, v0  }
0xea: {  	v41 =	vsel vm6, $0x2D00, v41;
	v40 =	vsel vm6, $0x2C80, v40;
	v0 =	vsel vm15, $0x2870, v0  }
0xeb: {  	v41 =	vsel vm5, $0x2D10, v41;
	v40 =	vsel vm5, $0x2C90, v40;
	v0 =	vsel vm6, $0x2C00, v0  }
0xec: {  	v41 =	vsel vm4, $0x2D20, v41;
	v40 =	vsel vm4, $0x2CA0, v40;
	v0 =	vsel vm5, $0x2C10, v0  }
0xed: {  	v41 =	vsel vm3, $0x2D30, v41;
	v40 =	vsel vm3, $0x2CB0, v40;
	v0 =	vsel vm4, $0x2C20, v0  }
0xee: {  	v41 =	vsel vm2, $0x2D40, v41;
	v40 =	vsel vm2, $0x2CC0, v40;
	v0 =	vsel vm3, $0x2C30, v0  }
0xef: {  	v43 =	vsel vm0, $0x2D50, v41;
	v42 =	vsel vm0, $0x2CD0, v40;
	v0 =	vsel vm2, $0x2C40, v0  }
0xf0: {  	v41 =	vsel vm1, $0x2CE0, v42;
	v42 =	vsel vm1, $0x2D60, v43;
	v0 =	vsel vm0, $0x2C50, v0  }
0xf1: {  	v43 =	vsel vm11, $0x2A00, v58;
	v40 =	vsel vm1, $0x2C60, v0;
	v0 =	vimm.s32 $0x2DF0  }
0xf2: {  	v44 =	vsel vm8, $0x2AE0, v44;
	v43 =	vsel vm12, $0x2A10, v43;
	v0 =	vsel vm11, $0x2980, v0  }
0xf3: {  	v47 =	vsel vm8, $0x3060, v47;
	v43 =	vsel vm13, $0x2A20, v43;
	v0 =	vsel vm12, $0x2990, v0  }
0xf4: {  	v50 =	vsel vm8, $0x31E0, v50;
	v43 =	vsel vm14, $0x2A30, v43;
	v0 =	vsel vm13, $0x29A0, v0  }
0xf5: {  	v53 =	vsel vm8, $0x3360, v53;
	v43 =	vsel vm10, $0x2A40, v43;
	v0 =	vsel vm14, $0x29B0, v0  }
0xf6: {  	v44 =	vsel vm15, $0x2AF0, v44;
	v43 =	vsel vm9, $0x2A50, v43;
	v0 =	vsel vm10, $0x29C0, v0  }
0xf7: {  	v47 =	vsel vm15, $0x3070, v47;
	v43 =	vsel vm8, $0x2A60, v43;
	v0 =	vsel vm9, $0x29D0, v0  }
0xf8: {  	v50 =	vsel vm15, $0x31F0, v50;
	v43 =	vsel vm15, $0x2A70, v43;
	v0 =	vsel vm8, $0x29E0, v0  }
0xf9: {  	v44 =	vsel vm6, $0x2E80, v44;
	v43 =	vsel vm6, $0x2E00, v43;
	v0 =	vsel vm15, $0x29F0, v0  }
0xfa: {  	v44 =	vsel vm5, $0x2E90, v44;
	v43 =	vsel vm5, $0x2E10, v43;
	v0 =	vsel vm6, $0x2D80, v0  }
0xfb: {  	v44 =	vsel vm4, $0x2EA0, v44;
	v43 =	vsel vm4, $0x2E20, v43;
	v0 =	vsel vm5, $0x2D90, v0  }
0xfc: {  	v44 =	vsel vm3, $0x2EB0, v44;
	v43 =	vsel vm3, $0x2E30, v43;
	v0 =	vsel vm4, $0x2DA0, v0  }
0xfd: {  	v44 =	vsel vm2, $0x2EC0, v44;
	v43 =	vsel vm2, $0x2E40, v43;
	v0 =	vsel vm3, $0x2DB0, v0  }
0xfe: {  	v46 =	vsel vm0, $0x2ED0, v44;
	v45 =	vsel vm0, $0x2E50, v43;
	v0 =	vsel vm2, $0x2DC0, v0  }
0xff: {  	v44 =	vsel vm1, $0x2E60, v45;
	v45 =	vsel vm1, $0x2EE0, v46;
	v0 =	vsel vm0, $0x2DD0, v0  }
0x100: {  	v46 =	vsel vm11, $0x2B80, v59;
	v43 =	vsel vm1, $0x2DE0, v0;
	v0 =	vimm.s32 $0x2F70  }
0x101: {  	v53 =	vsel vm15, $0x3370, v53;
	v46 =	vsel vm12, $0x2B90, v46;
	v0 =	vsel vm11, $0x2B00, v0  }
0x102: {  	v47 =	vsel vm6, $0x3400, v47;
	v46 =	vsel vm13, $0x2BA0, v46;
	v0 =	vsel vm12, $0x2B10, v0  }
0x103: {  	v50 =	vsel vm6, $0x3580, v50;
	v46 =	vsel vm14, $0x2BB0, v46;
	v0 =	vsel vm13, $0x2B20, v0  }
0x104: {  	v53 =	vsel vm6, $0x3700, v53;
	v46 =	vsel vm10, $0x2BC0, v46;
	v0 =	vsel vm14, $0x2B30, v0  }
0x105: {  	v1 =	vsel vm6, $0x480, v1;
	v46 =	vsel vm9, $0x2BD0, v46;
	v0 =	vsel vm10, $0x2B40, v0  }
0x106: {  	v47 =	vsel vm5, $0x3410, v47;
	v46 =	vsel vm8, $0x2BE0, v46;
	v0 =	vsel vm9, $0x2B50, v0  }
0x107: {  	v50 =	vsel vm5, $0x3590, v50;
	v46 =	vsel vm15, $0x2BF0, v46;
	v0 =	vsel vm8, $0x2B60, v0  }
0x108: {  	v53 =	vsel vm5, $0x3710, v53;
	v46 =	vsel vm6, $0x2F80, v46;
	v0 =	vsel vm15, $0x2B70, v0  }
0x109: {  	v1 =	vsel vm5, $0x490, v1;
	v46 =	vsel vm5, $0x2F90, v46;
	v0 =	vsel vm6, $0x2F00, v0  }
0x10a: {  	v47 =	vsel vm4, $0x3420, v47;
	v46 =	vsel vm4, $0x2FA0, v46;
	v0 =	vsel vm5, $0x2F10, v0  }
0x10b: {  	v47 =	vsel vm3, $0x3430, v47;
	v46 =	vsel vm3, $0x2FB0, v46;
	v0 =	vsel vm4, $0x2F20, v0  }
0x10c: {  	v47 =	vsel vm2, $0x3440, v47;
	v46 =	vsel vm2, $0x2FC0, v46;
	v0 =	vsel vm3, $0x2F30, v0  }
0x10d: {  	v49 =	vsel vm0, $0x3450, v47;
	v48 =	vsel vm0, $0x2FD0, v46;
	v0 =	vsel vm2, $0x2F40, v0  }
0x10e: {  	v47 =	vsel vm1, $0x2FE0, v48;
	v48 =	vsel vm1, $0x3460, v49;
	v0 =	vsel vm0, $0x2F50, v0  }
0x10f: {  	v49 =	vsel vm11, $0x3100, v60;
	v46 =	vsel vm1, $0x2F60, v0;
	v0 =	vimm.s32 $0x34F0  }
0x110: {  	v50 =	vsel vm4, $0x35A0, v50;
	v49 =	vsel vm12, $0x3110, v49;
	v0 =	vsel vm11, $0x3080, v0  }
0x111: {  	v53 =	vsel vm4, $0x3720, v53;
	v49 =	vsel vm13, $0x3120, v49;
	v0 =	vsel vm12, $0x3090, v0  }
0x112: {  	v1 =	vsel vm4, $0x4A0, v1;
	v49 =	vsel vm14, $0x3130, v49;
	v0 =	vsel vm13, $0x30A0, v0  }
0x113: {  	v50 =	vsel vm3, $0x35B0, v50;
	v49 =	vsel vm10, $0x3140, v49;
	v0 =	vsel vm14, $0x30B0, v0  }
0x114: {  	v53 =	vsel vm3, $0x3730, v53;
	v49 =	vsel vm9, $0x3150, v49;
	v0 =	vsel vm10, $0x30C0, v0  }
0x115: {  	v1 =	vsel vm3, $0x4B0, v1;
	v49 =	vsel vm8, $0x3160, v49;
	v0 =	vsel vm9, $0x30D0, v0  }
0x116: {  	v50 =	vsel vm2, $0x35C0, v50;
	v49 =	vsel vm15, $0x3170, v49;
	v0 =	vsel vm8, $0x30E0, v0  }
0x117: {  	v53 =	vsel vm2, $0x3740, v53;
	v49 =	vsel vm6, $0x3500, v49;
	v0 =	vsel vm15, $0x30F0, v0  }
0x118: {  	v1 =	vsel vm2, $0x4C0, v1;
	v49 =	vsel vm5, $0x3510, v49;
	v0 =	vsel vm6, $0x3480, v0  }
0x119: {  	v52 =	vsel vm0, $0x35D0, v50;
	v49 =	vsel vm4, $0x3520, v49;
	v0 =	vsel vm5, $0x3490, v0  }
0x11a: {  	v1 =	vsel vm0, $0x4D0, v1;
	v49 =	vsel vm3, $0x3530, v49;
	v0 =	vsel vm4, $0x34A0, v0  }
0x11b: {  	v1 =	vsel vm1, $0x4E0, v1;
	v49 =	vsel vm2, $0x3540, v49;
	v0 =	vsel vm3, $0x34B0, v0  }
0x11c: {  	v2 =	vsel vm15, $0x1F0, v3;
	v51 =	vsel vm0, $0x3550, v49;
	v0 =	vsel vm2, $0x34C0, v0  }
0x11d: {  	v50 =	vsel vm1, $0x3560, v51;
	v51 =	vsel vm1, $0x35E0, v52;
	v0 =	vsel vm0, $0x34D0, v0  }
0x11e: {  	v52 =	vsel vm11, $0x3280, v61;
	v49 =	vsel vm1, $0x34E0, v0;
	v0 =	vimm.s32 $0x3670  }
0x11f: {  	v2 =	vsel vm6, $0x580, v2;
	v52 =	vsel vm12, $0x3290, v52;
	v0 =	vsel vm11, $0x3200, v0  }
0x120: {  	v2 =	vsel vm5, $0x590, v2;
	v52 =	vsel vm13, $0x32A0, v52;
	v0 =	vsel vm12, $0x3210, v0  }
0x121: {  	v2 =	vsel vm4, $0x5A0, v2;
	v52 =	vsel vm14, $0x32B0, v52;
	v0 =	vsel vm13, $0x3220, v0  }
0x122: {  	v2 =	vsel vm3, $0x5B0, v2;
	v52 =	vsel vm10, $0x32C0, v52;
	v0 =	vsel vm14, $0x3230, v0  }
0x123: {  	v2 =	vsel vm2, $0x5C0, v2;
	v52 =	vsel vm9, $0x32D0, v52;
	v0 =	vsel vm10, $0x3240, v0  }
0x124: {  	v3 =	vsel vm0, $0x5D0, v2;
	v52 =	vsel vm8, $0x32E0, v52;
	v0 =	vsel vm9, $0x3250, v0  }
0x125: {  	v3 =	vsel vm1, $0x5E0, v3;
	v52 =	vsel vm15, $0x32F0, v52;
	v0 =	vsel vm8, $0x3260, v0  }
0x126: {  	v55 =	vsel vm0, $0x3750, v53;
	v52 =	vsel vm6, $0x3680, v52;
	v0 =	vsel vm15, $0x3270, v0  }
0x127: {  	v56 =	vimm.s32 $0x3CF0;
	v52 =	vsel vm5, $0x3690, v52;
	v0 =	vsel vm6, $0x3600, v0  }
0x128: {  	v56 =	vsel vm11, $0x3880, v56;
	v52 =	vsel vm4, $0x36A0, v52;
	v0 =	vsel vm5, $0x3610, v0  }
0x129: {  	v56 =	vsel vm12, $0x3890, v56;
	v52 =	vsel vm3, $0x36B0, v52;
	v0 =	vsel vm4, $0x3620, v0  }
0x12a: {  	v56 =	vsel vm13, $0x38A0, v56;
	v52 =	vsel vm2, $0x36C0, v52;
	v0 =	vsel vm3, $0x3630, v0  }
0x12b: {  	v56 =	vsel vm14, $0x38B0, v56;
	v54 =	vsel vm0, $0x36D0, v52;
	v0 =	vsel vm2, $0x3640, v0  }
0x12c: {  	v53 =	vsel vm1, $0x36E0, v54;
	v54 =	vsel vm1, $0x3760, v55;
	v0 =	vsel vm0, $0x3650, v0  }
0x12d: {  	v55 =	vsel vm11, $0x3800, v62;
	v52 =	vsel vm1, $0x3660, v0;
	v0 =	vimm.s32 $0x37F0  }
0x12e: {  	v56 =	vsel vm10, $0x38C0, v56;
	v55 =	vsel vm12, $0x3810, v55;
	v0 =	vsel vm11, $0x3380, v0  }
0x12f: {  	v56 =	vsel vm9, $0x38D0, v56;
	v55 =	vsel vm13, $0x3820, v55;
	v0 =	vsel vm12, $0x3390, v0  }
0x130: {  	v56 =	vsel vm8, $0x38E0, v56;
	v55 =	vsel vm14, $0x3830, v55;
	v0 =	vsel vm13, $0x33A0, v0  }
0x131: {  	v56 =	vsel vm15, $0x38F0, v56;
	v55 =	vsel vm10, $0x3840, v55;
	v0 =	vsel vm14, $0x33B0, v0  }
0x132: {  	v56 =	vsel vm6, $0x3C80, v56;
	v55 =	vsel vm9, $0x3850, v55;
	v0 =	vsel vm10, $0x33C0, v0  }
0x133: {  	v56 =	vsel vm5, $0x3C90, v56;
	v55 =	vsel vm8, $0x3860, v55;
	v0 =	vsel vm9, $0x33D0, v0  }
0x134: {  	v56 =	vsel vm4, $0x3CA0, v56;
	v55 =	vsel vm15, $0x3870, v55;
	v0 =	vsel vm8, $0x33E0, v0  }
0x135: {  	v56 =	vsel vm3, $0x3CB0, v56;
	v55 =	vsel vm6, $0x3C00, v55;
	v0 =	vsel vm15, $0x33F0, v0  }
0x136: {  	v56 =	vsel vm2, $0x3CC0, v56;
	v55 =	vsel vm5, $0x3C10, v55;
	v0 =	vsel vm6, $0x3780, v0  }
0x137: {  	v58 =	vsel vm0, $0x3CD0, v56;
	v55 =	vsel vm4, $0x3C20, v55;
	v0 =	vsel vm5, $0x3790, v0  }
0x138: {  	v59 =	vimm.s32 $0x3E70;
	v55 =	vsel vm3, $0x3C30, v55;
	v0 =	vsel vm4, $0x37A0, v0  }
0x139: {  	v59 =	vsel vm11, $0x3A00, v59;
	v55 =	vsel vm2, $0x3C40, v55;
	v0 =	vsel vm3, $0x37B0, v0  }
0x13a: {  	v59 =	vsel vm12, $0x3A10, v59;
	v57 =	vsel vm0, $0x3C50, v55;
	v0 =	vsel vm2, $0x37C0, v0  }
0x13b: {  	v56 =	vsel vm1, $0x3C60, v57;
	v57 =	vsel vm1, $0x3CE0, v58;
	v0 =	vsel vm0, $0x37D0, v0  }
0x13c: {  	v58 =	vsel vm11, $0x3980, v63;
	v55 =	vsel vm1, $0x37E0, v0;
	v0 =	vimm.s32 $0x3D70  }
0x13d: {  	v59 =	vsel vm13, $0x3A20, v59;
	v58 =	vsel vm12, $0x3990, v58;
	v0 =	vsel vm11, $0x3900, v0  }
0x13e: {  	v59 =	vsel vm14, $0x3A30, v59;
	v58 =	vsel vm13, $0x39A0, v58;
	v0 =	vsel vm12, $0x3910, v0  }
0x13f: {  	v59 =	vsel vm10, $0x3A40, v59;
	v58 =	vsel vm14, $0x39B0, v58;
	v0 =	vsel vm13, $0x3920, v0  }
0x140: {  	v59 =	vsel vm9, $0x3A50, v59;
	v58 =	vsel vm10, $0x39C0, v58;
	v0 =	vsel vm14, $0x3930, v0  }
0x141: {  	v59 =	vsel vm8, $0x3A60, v59;
	v58 =	vsel vm9, $0x39D0, v58;
	v0 =	vsel vm10, $0x3940, v0  }
0x142: {  	v59 =	vsel vm15, $0x3A70, v59;
	v58 =	vsel vm8, $0x39E0, v58;
	v0 =	vsel vm9, $0x3950, v0  }
0x143: {  	v59 =	vsel vm6, $0x3E00, v59;
	v58 =	vsel vm15, $0x39F0, v58;
	v0 =	vsel vm8, $0x3960, v0  }
0x144: {  	v59 =	vsel vm5, $0x3E10, v59;
	v58 =	vsel vm6, $0x3D80, v58;
	v0 =	vsel vm15, $0x3970, v0  }
0x145: {  	v59 =	vsel vm4, $0x3E20, v59;
	v58 =	vsel vm5, $0x3D90, v58;
	v0 =	vsel vm6, $0x3D00, v0  }
0x146: {  	v59 =	vsel vm3, $0x3E30, v59;
	v58 =	vsel vm4, $0x3DA0, v58;
	v0 =	vsel vm5, $0x3D10, v0  }
0x147: {  	v59 =	vsel vm2, $0x3E40, v59;
	v58 =	vsel vm3, $0x3DB0, v58;
	v0 =	vsel vm4, $0x3D20, v0  }
0x148: {  	v61 =	vsel vm0, $0x3E50, v59;
	v58 =	vsel vm2, $0x3DC0, v58;
	v0 =	vsel vm3, $0x3D30, v0  }
0x149: {  	v62 =	vimm.s32 $0x3FF0;
	v60 =	vsel vm0, $0x3DD0, v58;
	v0 =	vsel vm2, $0x3D40, v0  }
0x14a: {  	v59 =	vsel vm1, $0x3DE0, v60;
	v60 =	vsel vm1, $0x3E60, v61;
	v0 =	vsel vm0, $0x3D50, v0  }
0x14b: {  	v61 =	vimm.s32 $0x3F70;
	v58 =	vsel vm1, $0x3D60, v0;
	v0 =	vimm.s32 $0x3EF0  }
0x14c: {  	v62 =	vsel vm11, $0x3B80, v62;
	v61 =	vsel vm11, $0x3B00, v61;
	v0 =	vsel vm11, $0x3A80, v0  }
0x14d: {  	v62 =	vsel vm12, $0x3B90, v62;
	v61 =	vsel vm12, $0x3B10, v61;
	v0 =	vsel vm12, $0x3A90, v0  }
0x14e: {  	v62 =	vsel vm13, $0x3BA0, v62;
	v61 =	vsel vm13, $0x3B20, v61;
	v0 =	vsel vm13, $0x3AA0, v0  }
0x14f: {  	v62 =	vsel vm14, $0x3BB0, v62;
	v61 =	vsel vm14, $0x3B30, v61;
	v0 =	vsel vm14, $0x3AB0, v0  }
0x150: {  	s4 =	rddreg [dreg:$0x0];
	v62 =	vsel vm10, $0x3BC0, v62;
	v61 =	vsel vm10, $0x3B40, v61;
	v0 =	vsel vm10, $0x3AC0, v0  }
0x151: {  	s0 =	rddreg [dreg:$0x1];
	v62 =	vsel vm9, $0x3BD0, v62;
	v61 =	vsel vm9, $0x3B50, v61;
	v0 =	vsel vm9, $0x3AD0, v0  }
0x152: {  	s5 =	rddreg [dreg:$0x2];
	s3 =	srdreg.scid;
	v62 =	vsel vm8, $0x3BE0, v62;
	v61 =	vsel vm8, $0x3B60, v61;
	v0 =	vsel vm8, $0x3AE0, v0  }
0x153: {  	s1 =	rddreg [dreg:$0x3];
	s2 =	stileid.u32;
	s10 =	simm.s32 $0x200;
	v62 =	vsel vm15, $0x3BF0, v62;
	v61 =	vsel vm15, $0x3B70, v61;
	v0 =	vsel vm15, $0x3AF0, v0  }
0x154: {  	s11 =	simm.s32 $0x1000;
	s12 =	simm.s32 $0x20000;
	s13 =	simm.s32 $0x4200;
	v62 =	vsel vm6, $0x3F80, v62;
	v61 =	vsel vm6, $0x3F00, v61;
	v0 =	vsel vm6, $0x3E80, v0  }
0x155: {  	s14 =	simm.s32 $0x0;
	s6 =	sand.u32 $0x1, s3;
	s3 =	simm.s32 $0x0;
	v62 =	vsel vm5, $0x3F90, v62;
	v61 =	vsel vm5, $0x3F10, v61;
	v0 =	vsel vm5, $0x3E90, v0  }
0x156: {  	s7 =	sshll.u32 s2, $0xA;
	s8 =	sshll.u32 s6, $0x9;
	s6 =	ssub.s32 $0x2, s6;
	v62 =	vsel vm4, $0x3FA0, v62;
	v61 =	vsel vm4, $0x3F20, v61;
	v0 =	vsel vm4, $0x3EA0, v0  }
0x157: {  	[smem:$0x7FF] =	sst s3;
	s7 =	sor.u32 s8, s7;
	s31 =	sshrl.u32 s6, $0x1;
	v62 =	vsel vm3, $0x3FB0, v62;
	v61 =	vsel vm3, $0x3F30, v61;
	v0 =	vsel vm3, $0x3EB0, v0  }
0x158: {  	s8 =	simm.s32 $0x1;
	s9 =	sshrl.u32 s7, $0x3;
	s6 =	ssub.s32 s6, s31;
	v62 =	vsel vm2, $0x3FC0, v62;
	v61 =	vsel vm2, $0x3F40, v61;
	v0 =	vsel vm2, $0x3EC0, v0  }
0x159: {  	s5 =	sadd.s32 s5, s7;
	s7 =	simm.s32 $0x3;
	s4 =	sadd.s32 s4, s9;
	[tilespmem:$0x1FFE0] =	vst v1;
	v1 =	vsel vm0, $0x3FD0, v62;
	v63 =	vsel vm0, $0x3F50, v61;
	v0 =	vsel vm0, $0x3ED0, v0  }
0x15a: {  	s6 =	smax.u32 s6, $0x1;
	s9 =	simm.s32 $0x2;
	_ =	strace $0x80000047;
	v62 =	vsel vm1, $0x3F60, v63;
	v63 =	vsel vm1, $0x3FE0, v1;
	v61 =	vsel vm1, $0x3EE0, v0  }
.LBB2_1:
0x15b: {  	[tilespmem:s3], [sflag:$0x3] =	stream.linear.gather [hbm4b:s4+s3], $0x200, $0x38;
	[tilespmem:$0xC200] =	vst v63  }
0x15c: {  	_ =	swait.ge [sflag:s7], $0x200  }
0x15d: {  	[sflag:s7] =	ssyncset.done $0x0  }
0x15e: {  	s15 =	simm.s32 $0x0;
	[sflag:s7] =	ssyncadd.s32 $0xFFFFFE00  }
.LBB2_2:
0x15f: {  	s16 =	sshll.u32 s15, $0x4  }
0x160: {  	v0 =	vld [tilespmem:s16+$0x0];
	_ =	sdelay $0x4  }
0x161: {  	(v2sf) =	vpush v0, $0x0;
	_ =	sdelay $0xe  }
0x162: {  	s17 =	spop (v2sf)  }
0x163: {  	s18 =	sshll.u32 s17, $0x3  }
0x164: {  	s17 =	sand.u32 $0x70, s17;
	s18 =	sand.u32 $0xFFFFFC00, s18  }
0x165: {  	s17 =	sor.u32 s17, s18  }
0x166: {  	s17 =	sshrl.u32 s17, $0x3  }
0x167: {  	s19 =	simm.s32 $0x200;
	s18 =	sadd.s32 s0, s17  }
0x168: {  	[tilespmem:s19], [sflag:$0x1] =	stream.linear.gather [hbm4b:s18+s3], $0x10, $0x38;
	[tilespmem:$0xC200] =	vst v63  }
0x169: {  	s20 =	sadd.s32 $0x10, s18;
	s19 =	simm.s32 $0x280  }
0x16a: {  	[tilespmem:s19], [sflag:$0x1] =	stream.linear.gather [hbm4b:s20+s3], $0x10, $0x38;
	[tilespmem:$0xC200] =	vst v63  }
0x16b: {  	s22 =	simm.s32 $0x300;
	s24 =	simm.s32 $0x380;
	s21 =	sadd.s32 $0x20, s18  }
0x16c: {  	[tilespmem:s22], [sflag:$0x1] =	stream.linear.gather [hbm4b:s21+s3], $0x10, $0x38;
	[tilespmem:$0xC200] =	vst v63  }
0x16d: {  	s26 =	simm.s32 $0x400;
	s29 =	simm.s32 $0x480;
	s23 =	sadd.s32 $0x30, s18  }
0x16e: {  	[tilespmem:s24], [sflag:$0x1] =	stream.linear.gather [hbm4b:s23+s3], $0x10, $0x38;
	[tilespmem:$0xC200] =	vst v63  }
0x16f: {  	s31 =	simm.s32 $0x500;
	s17 =	simm.s32 $0x800;
	s25 =	sadd.s32 $0x40, s18  }
0x170: {  	[tilespmem:s26], [sflag:$0x1] =	stream.linear.gather [hbm4b:s25+s3], $0x10, $0x38;
	[tilespmem:$0xC200] =	vst v63  }
0x171: {  	s28 =	sadd.s32 $0x50, s18;
	s30 =	sadd.s32 $0x60, s18;
	s19 =	simm.s32 $0x4000  }
0x172: {  	[tilespmem:s29], [sflag:$0x1] =	stream.linear.gather [hbm4b:s28+s3], $0x10, $0x38;
	[tilespmem:$0xC200] =	vst v63  }
0x173: {  	s20 =	sadd.s32 $0x70, s18;
	s18 =	sadd.s32 $0xF4280, s18;
	s21 =	simm.s32 $0x580  }
0x174: {  	[tilespmem:s31], [sflag:$0x1] =	stream.linear.gather [hbm4b:s30+s3], $0x10, $0x38;
	[tilespmem:$0xC200] =	vst v63  }
.LBB2_3:
0x175: {  	[tilespmem:s21], [sflag:$0x1] =	stream.linear.gather [hbm4b:s20+s3], $0x10, $0x38;
	[tilespmem:$0xC200] =	vst v63  }
0x176: {  	s21 =	smov.u32 s17;
	s17 =	smov.u32 s19  }
0x177: {  	s22 =	sadd.s32 $0x2000, s19;
	s17 =	sshra.s32 s17, $0x2;
	s20 =	sadd.s32 $0x200, s21  }
0x178: {  	[tilespmem:s20], [sflag:$0x1] =	stream.linear.gather [hbm4b:s18+s3], $0x10, $0x38;
	[tilespmem:$0xC200] =	vst v63  }
0x179: {  	p0 =	sne.s32 s19, $0xE000;
	s19 =	sadd.s32 $0x10, s18;
	s20 =	sadd.s32 $0x280, s21  }
0x17a: {  	[tilespmem:s20], [sflag:$0x1] =	stream.linear.gather [hbm4b:s19+s3], $0x10, $0x38;
	[tilespmem:$0xC200] =	vst v63  }
0x17b: {  	s19 =	sadd.s32 $0x20, s18;
	s20 =	sadd.s32 $0x300, s21  }
0x17c: {  	[tilespmem:s20], [sflag:$0x1] =	stream.linear.gather [hbm4b:s19+s3], $0x10, $0x38;
	[tilespmem:$0xC200] =	vst v63  }
0x17d: {  	s19 =	sadd.s32 $0x30, s18;
	s20 =	sadd.s32 $0x380, s21  }
0x17e: {  	[tilespmem:s20], [sflag:$0x1] =	stream.linear.gather [hbm4b:s19+s3], $0x10, $0x38;
	[tilespmem:$0xC200] =	vst v63  }
0x17f: {  	s19 =	sadd.s32 $0x40, s18;
	s20 =	sadd.s32 $0x400, s21  }
0x180: {  	[tilespmem:s20], [sflag:$0x1] =	stream.linear.gather [hbm4b:s19+s3], $0x10, $0x38;
	[tilespmem:$0xC200] =	vst v63  }
.Ltmp0:
0x181: {  	s19 =	sadd.s32 $0x50, s18;
	s20 =	sadd.s32 $0x480, s21;
	(pc) =	sbr.rel @p0 .LBB2_3-.Ltmp0, $4  }
0x182: {  	[tilespmem:s20], [sflag:$0x1] =	stream.linear.gather [hbm4b:s19+s3], $0x10, $0x38;
	[tilespmem:$0xC200] =	vst v63  }
0x183: {  	s19 =	sadd.s32 $0x60, s18;
	s20 =	sadd.s32 $0x500, s21;
	s21 =	sadd.s32 $0x580, s21  }
0x184: {  	[tilespmem:s20], [sflag:$0x1] =	stream.linear.gather [hbm4b:s19+s3], $0x10, $0x38;
	[tilespmem:$0xC200] =	vst v63  }
0x185: {  	s20 =	sadd.s32 $0x70, s18;
	s18 =	sadd.s32 $0xF4280, s18;
	s19 =	smov.u32 s22  }
0x186: {  	[tilespmem:s21], [sflag:$0x1] =	stream.linear.gather [hbm4b:s20+s3], $0x10, $0x38;
	(v2sf) =	vpush v0, $0x1;
	[tilespmem:$0xC200] =	vst v63  }
0x187: {  	s19 =	sadd.s32 $0x200, s17  }
0x188: {  	[tilespmem:s19], [sflag:$0x1] =	stream.linear.gather [hbm4b:s18+s3], $0x10, $0x38;
	[tilespmem:$0xC200] =	vst v63  }
0x189: {  	s25 =	sadd.s32 $0x10, s18;
	s26 =	sadd.s32 $0x280, s17  }
0x18a: {  	[tilespmem:s26], [sflag:$0x1] =	stream.linear.gather [hbm4b:s25+s3], $0x10, $0x38;
	[tilespmem:$0xC200] =	vst v63  }
0x18b: {  	s28 =	sadd.s32 $0x20, s18;
	s29 =	sadd.s32 $0x300, s17  }
0x18c: {  	[tilespmem:s29], [sflag:$0x1] =	stream.linear.gather [hbm4b:s28+s3], $0x10, $0x38;
	[tilespmem:$0xC200] =	vst v63  }
0x18d: {  	s30 =	sadd.s32 $0x30, s18;
	s31 =	sadd.s32 $0x380, s17  }
0x18e: {  	[tilespmem:s31], [sflag:$0x1] =	stream.linear.gather [hbm4b:s30+s3], $0x10, $0x38;
	[tilespmem:$0xC200] =	vst v63  }
0x18f: {  	s20 =	sadd.s32 $0x40, s18;
	s21 =	sadd.s32 $0x400, s17  }
0x190: {  	[tilespmem:s21], [sflag:$0x1] =	stream.linear.gather [hbm4b:s20+s3], $0x10, $0x38;
	[tilespmem:$0xC200] =	vst v63  }
0x191: {  	s22 =	sadd.s32 $0x50, s18;
	s23 =	sadd.s32 $0x480, s17  }
0x192: {  	[tilespmem:s23], [sflag:$0x1] =	stream.linear.gather [hbm4b:s22+s3], $0x10, $0x38;
	[tilespmem:$0xC200] =	vst v63  }
0x193: {  	s24 =	sadd.s32 $0x60, s18;
	s25 =	sadd.s32 $0x500, s17  }
0x194: {  	[tilespmem:s25], [sflag:$0x1] =	stream.linear.gather [hbm4b:s24+s3], $0x10, $0x38;
	[tilespmem:$0xC200] =	vst v63  }
0x195: {  	s26 =	sadd.s32 $0x70, s18;
	s28 =	sadd.s32 $0x580, s17;
	s29 =	spop (v2sf)  }
0x196: {  	[tilespmem:s28], [sflag:$0x1] =	stream.linear.gather [hbm4b:s26+s3], $0x10, $0x38;
	[tilespmem:$0xC200] =	vst v63  }
0x197: {  	s30 =	sshll.u32 s29, $0x3  }
0x198: {  	s17 =	sand.u32 $0x70, s29;
	s18 =	sand.u32 $0xFFFFFC00, s30  }
0x199: {  	s17 =	sor.u32 s17, s18  }
0x19a: {  	s17 =	sshrl.u32 s17, $0x3  }
0x19b: {  	s31 =	simm.s32 $0x210;
	s18 =	sadd.s32 s0, s17  }
0x19c: {  	[tilespmem:s31], [sflag:$0x2] =	stream.linear.gather [hbm4b:s18+s3], $0x10, $0x38;
	[tilespmem:$0xC200] =	vst v63  }
0x19d: {  	s20 =	simm.s32 $0x290;
	s19 =	sadd.s32 $0x10, s18  }
0x19e: {  	[tilespmem:s20], [sflag:$0x2] =	stream.linear.gather [hbm4b:s19+s3], $0x10, $0x38;
	[tilespmem:$0xC200] =	vst v63  }
0x19f: {  	s22 =	simm.s32 $0x310;
	s24 =	simm.s32 $0x390;
	s21 =	sadd.s32 $0x20, s18  }
0x1a0: {  	[tilespmem:s22], [sflag:$0x2] =	stream.linear.gather [hbm4b:s21+s3], $0x10, $0x38;
	[tilespmem:$0xC200] =	vst v63  }
0x1a1: {  	s26 =	simm.s32 $0x410;
	s29 =	simm.s32 $0x490;
	s23 =	sadd.s32 $0x30, s18  }
0x1a2: {  	[tilespmem:s24], [sflag:$0x2] =	stream.linear.gather [hbm4b:s23+s3], $0x10, $0x38;
	[tilespmem:$0xC200] =	vst v63  }
0x1a3: {  	s17 =	simm.s32 $0x800;
	s25 =	sadd.s32 $0x40, s18;
	s28 =	sadd.s32 $0x50, s18  }
0x1a4: {  	[tilespmem:s26], [sflag:$0x2] =	stream.linear.gather [hbm4b:s25+s3], $0x10, $0x38;
	[tilespmem:$0xC200] =	vst v63  }
0x1a5: {  	s30 =	sadd.s32 $0x60, s18;
	s31 =	simm.s32 $0x510;
	s19 =	simm.s32 $0x4000  }
0x1a6: {  	[tilespmem:s29], [sflag:$0x2] =	stream.linear.gather [hbm4b:s28+s3], $0x10, $0x38;
	[tilespmem:$0xC200] =	vst v63  }
0x1a7: {  	s20 =	sadd.s32 $0x70, s18;
	s18 =	sadd.s32 $0xF4280, s18;
	s21 =	simm.s32 $0x590  }
0x1a8: {  	[tilespmem:s31], [sflag:$0x2] =	stream.linear.gather [hbm4b:s30+s3], $0x10, $0x38;
	[tilespmem:$0xC200] =	vst v63  }
.LBB2_5:
0x1a9: {  	[tilespmem:s21], [sflag:$0x2] =	stream.linear.gather [hbm4b:s20+s3], $0x10, $0x38;
	[tilespmem:$0xC200] =	vst v63  }
0x1aa: {  	s21 =	smov.u32 s17;
	s17 =	smov.u32 s19  }
0x1ab: {  	s22 =	sadd.s32 $0x2000, s19;
	s17 =	sshra.s32 s17, $0x2;
	s20 =	sadd.s32 $0x210, s21  }
0x1ac: {  	[tilespmem:s20], [sflag:$0x2] =	stream.linear.gather [hbm4b:s18+s3], $0x10, $0x38;
	[tilespmem:$0xC200] =	vst v63  }
0x1ad: {  	p0 =	sne.s32 s19, $0xE000;
	s19 =	sadd.s32 $0x10, s18;
	s20 =	sadd.s32 $0x290, s21  }
0x1ae: {  	[tilespmem:s20], [sflag:$0x2] =	stream.linear.gather [hbm4b:s19+s3], $0x10, $0x38;
	[tilespmem:$0xC200] =	vst v63  }
0x1af: {  	s19 =	sadd.s32 $0x20, s18;
	s20 =	sadd.s32 $0x310, s21  }
0x1b0: {  	[tilespmem:s20], [sflag:$0x2] =	stream.linear.gather [hbm4b:s19+s3], $0x10, $0x38;
	[tilespmem:$0xC200] =	vst v63  }
0x1b1: {  	s19 =	sadd.s32 $0x30, s18;
	s20 =	sadd.s32 $0x390, s21  }
0x1b2: {  	[tilespmem:s20], [sflag:$0x2] =	stream.linear.gather [hbm4b:s19+s3], $0x10, $0x38;
	[tilespmem:$0xC200] =	vst v63  }
0x1b3: {  	s19 =	sadd.s32 $0x40, s18;
	s20 =	sadd.s32 $0x410, s21  }
0x1b4: {  	[tilespmem:s20], [sflag:$0x2] =	stream.linear.gather [hbm4b:s19+s3], $0x10, $0x38;
	[tilespmem:$0xC200] =	vst v63  }
.Ltmp1:
0x1b5: {  	s19 =	sadd.s32 $0x50, s18;
	s20 =	sadd.s32 $0x490, s21;
	(pc) =	sbr.rel @p0 .LBB2_5-.Ltmp1, $4  }
0x1b6: {  	[tilespmem:s20], [sflag:$0x2] =	stream.linear.gather [hbm4b:s19+s3], $0x10, $0x38;
	[tilespmem:$0xC200] =	vst v63  }
0x1b7: {  	s19 =	sadd.s32 $0x60, s18;
	s20 =	sadd.s32 $0x510, s21;
	s21 =	sadd.s32 $0x590, s21  }
0x1b8: {  	[tilespmem:s20], [sflag:$0x2] =	stream.linear.gather [hbm4b:s19+s3], $0x10, $0x38;
	[tilespmem:$0xC200] =	vst v63  }
0x1b9: {  	s20 =	sadd.s32 $0x70, s18;
	s18 =	sadd.s32 $0xF4280, s18;
	s19 =	smov.u32 s22  }
0x1ba: {  	[tilespmem:s21], [sflag:$0x2] =	stream.linear.gather [hbm4b:s20+s3], $0x10, $0x38;
	(v2sf) =	vpush v0, $0x2;
	[tilespmem:$0xC200] =	vst v63  }
0x1bb: {  	s19 =	sadd.s32 $0x210, s17  }
0x1bc: {  	[tilespmem:s19], [sflag:$0x2] =	stream.linear.gather [hbm4b:s18+s3], $0x10, $0x38;
	[tilespmem:$0xC200] =	vst v63  }
0x1bd: {  	s25 =	sadd.s32 $0x10, s18;
	s26 =	sadd.s32 $0x290, s17  }
0x1be: {  	[tilespmem:s26], [sflag:$0x2] =	stream.linear.gather [hbm4b:s25+s3], $0x10, $0x38;
	[tilespmem:$0xC200] =	vst v63  }
0x1bf: {  	s28 =	sadd.s32 $0x20, s18;
	s29 =	sadd.s32 $0x310, s17  }
0x1c0: {  	[tilespmem:s29], [sflag:$0x2] =	stream.linear.gather [hbm4b:s28+s3], $0x10, $0x38;
	[tilespmem:$0xC200] =	vst v63  }
0x1c1: {  	s30 =	sadd.s32 $0x30, s18;
	s31 =	sadd.s32 $0x390, s17  }
0x1c2: {  	[tilespmem:s31], [sflag:$0x2] =	stream.linear.gather [hbm4b:s30+s3], $0x10, $0x38;
	[tilespmem:$0xC200] =	vst v63  }
0x1c3: {  	s20 =	sadd.s32 $0x40, s18;
	s21 =	sadd.s32 $0x410, s17  }
0x1c4: {  	[tilespmem:s21], [sflag:$0x2] =	stream.linear.gather [hbm4b:s20+s3], $0x10, $0x38;
	[tilespmem:$0xC200] =	vst v63  }
0x1c5: {  	s22 =	sadd.s32 $0x50, s18;
	s23 =	sadd.s32 $0x490, s17  }
0x1c6: {  	[tilespmem:s23], [sflag:$0x2] =	stream.linear.gather [hbm4b:s22+s3], $0x10, $0x38;
	[tilespmem:$0xC200] =	vst v63  }
0x1c7: {  	s24 =	sadd.s32 $0x60, s18;
	s25 =	sadd.s32 $0x510, s17  }
0x1c8: {  	[tilespmem:s25], [sflag:$0x2] =	stream.linear.gather [hbm4b:s24+s3], $0x10, $0x38;
	[tilespmem:$0xC200] =	vst v63  }
0x1c9: {  	s26 =	sadd.s32 $0x70, s18;
	s28 =	sadd.s32 $0x590, s17;
	s29 =	spop (v2sf)  }
0x1ca: {  	[tilespmem:s28], [sflag:$0x2] =	stream.linear.gather [hbm4b:s26+s3], $0x10, $0x38;
	[tilespmem:$0xC200] =	vst v63  }
0x1cb: {  	s30 =	sshll.u32 s29, $0x3  }
0x1cc: {  	s17 =	sand.u32 $0x70, s29;
	s18 =	sand.u32 $0xFFFFFC00, s30  }
0x1cd: {  	s17 =	sor.u32 s17, s18  }
0x1ce: {  	s17 =	sshrl.u32 s17, $0x3  }
0x1cf: {  	s31 =	simm.s32 $0x220;
	s18 =	sadd.s32 s0, s17  }
0x1d0: {  	[tilespmem:s31], [sflag:$0x1] =	stream.linear.gather [hbm4b:s18+s3], $0x10, $0x38;
	[tilespmem:$0xC200] =	vst v63  }
0x1d1: {  	s20 =	simm.s32 $0x2A0;
	s19 =	sadd.s32 $0x10, s18  }
0x1d2: {  	[tilespmem:s20], [sflag:$0x1] =	stream.linear.gather [hbm4b:s19+s3], $0x10, $0x38;
	[tilespmem:$0xC200] =	vst v63  }
0x1d3: {  	s22 =	simm.s32 $0x320;
	s24 =	simm.s32 $0x3A0;
	s21 =	sadd.s32 $0x20, s18  }
0x1d4: {  	[tilespmem:s22], [sflag:$0x1] =	stream.linear.gather [hbm4b:s21+s3], $0x10, $0x38;
	[tilespmem:$0xC200] =	vst v63  }
0x1d5: {  	s26 =	simm.s32 $0x420;
	s29 =	simm.s32 $0x4A0;
	s23 =	sadd.s32 $0x30, s18  }
0x1d6: {  	[tilespmem:s24], [sflag:$0x1] =	stream.linear.gather [hbm4b:s23+s3], $0x10, $0x38;
	[tilespmem:$0xC200] =	vst v63  }
0x1d7: {  	s17 =	simm.s32 $0x800;
	s25 =	sadd.s32 $0x40, s18;
	s28 =	sadd.s32 $0x50, s18  }
0x1d8: {  	[tilespmem:s26], [sflag:$0x1] =	stream.linear.gather [hbm4b:s25+s3], $0x10, $0x38;
	[tilespmem:$0xC200] =	vst v63  }
0x1d9: {  	s30 =	sadd.s32 $0x60, s18;
	s31 =	simm.s32 $0x520;
	s19 =	simm.s32 $0x4000  }
0x1da: {  	[tilespmem:s29], [sflag:$0x1] =	stream.linear.gather [hbm4b:s28+s3], $0x10, $0x38;
	[tilespmem:$0xC200] =	vst v63  }
0x1db: {  	s20 =	sadd.s32 $0x70, s18;
	s18 =	sadd.s32 $0xF4280, s18;
	s21 =	simm.s32 $0x5A0  }
0x1dc: {  	[tilespmem:s31], [sflag:$0x1] =	stream.linear.gather [hbm4b:s30+s3], $0x10, $0x38;
	[tilespmem:$0xC200] =	vst v63  }
.LBB2_7:
0x1dd: {  	[tilespmem:s21], [sflag:$0x1] =	stream.linear.gather [hbm4b:s20+s3], $0x10, $0x38;
	[tilespmem:$0xC200] =	vst v63  }
0x1de: {  	s21 =	smov.u32 s17;
	s17 =	smov.u32 s19  }
0x1df: {  	s22 =	sadd.s32 $0x2000, s19;
	s17 =	sshra.s32 s17, $0x2;
	s20 =	sadd.s32 $0x220, s21  }
0x1e0: {  	[tilespmem:s20], [sflag:$0x1] =	stream.linear.gather [hbm4b:s18+s3], $0x10, $0x38;
	[tilespmem:$0xC200] =	vst v63  }
0x1e1: {  	p0 =	sne.s32 s19, $0xE000;
	s19 =	sadd.s32 $0x10, s18;
	s20 =	sadd.s32 $0x2A0, s21  }
0x1e2: {  	[tilespmem:s20], [sflag:$0x1] =	stream.linear.gather [hbm4b:s19+s3], $0x10, $0x38;
	[tilespmem:$0xC200] =	vst v63  }
0x1e3: {  	s19 =	sadd.s32 $0x20, s18;
	s20 =	sadd.s32 $0x320, s21  }
0x1e4: {  	[tilespmem:s20], [sflag:$0x1] =	stream.linear.gather [hbm4b:s19+s3], $0x10, $0x38;
	[tilespmem:$0xC200] =	vst v63  }
0x1e5: {  	s19 =	sadd.s32 $0x30, s18;
	s20 =	sadd.s32 $0x3A0, s21  }
0x1e6: {  	[tilespmem:s20], [sflag:$0x1] =	stream.linear.gather [hbm4b:s19+s3], $0x10, $0x38;
	[tilespmem:$0xC200] =	vst v63  }
0x1e7: {  	s19 =	sadd.s32 $0x40, s18;
	s20 =	sadd.s32 $0x420, s21  }
0x1e8: {  	[tilespmem:s20], [sflag:$0x1] =	stream.linear.gather [hbm4b:s19+s3], $0x10, $0x38;
	[tilespmem:$0xC200] =	vst v63  }
.Ltmp2:
0x1e9: {  	s19 =	sadd.s32 $0x50, s18;
	s20 =	sadd.s32 $0x4A0, s21;
	(pc) =	sbr.rel @p0 .LBB2_7-.Ltmp2, $4  }
0x1ea: {  	[tilespmem:s20], [sflag:$0x1] =	stream.linear.gather [hbm4b:s19+s3], $0x10, $0x38;
	[tilespmem:$0xC200] =	vst v63  }
0x1eb: {  	s19 =	sadd.s32 $0x60, s18;
	s20 =	sadd.s32 $0x520, s21;
	s21 =	sadd.s32 $0x5A0, s21  }
0x1ec: {  	[tilespmem:s20], [sflag:$0x1] =	stream.linear.gather [hbm4b:s19+s3], $0x10, $0x38;
	[tilespmem:$0xC200] =	vst v63  }
0x1ed: {  	s20 =	sadd.s32 $0x70, s18;
	s18 =	sadd.s32 $0xF4280, s18;
	s19 =	smov.u32 s22  }
0x1ee: {  	[tilespmem:s21], [sflag:$0x1] =	stream.linear.gather [hbm4b:s20+s3], $0x10, $0x38;
	(v2sf) =	vpush v0, $0x3;
	[tilespmem:$0xC200] =	vst v63  }
0x1ef: {  	s19 =	sadd.s32 $0x220, s17  }
0x1f0: {  	[tilespmem:s19], [sflag:$0x1] =	stream.linear.gather [hbm4b:s18+s3], $0x10, $0x38;
	[tilespmem:$0xC200] =	vst v63  }
0x1f1: {  	s25 =	sadd.s32 $0x10, s18;
	s26 =	sadd.s32 $0x2A0, s17  }
0x1f2: {  	[tilespmem:s26], [sflag:$0x1] =	stream.linear.gather [hbm4b:s25+s3], $0x10, $0x38;
	[tilespmem:$0xC200] =	vst v63  }
0x1f3: {  	s28 =	sadd.s32 $0x20, s18;
	s29 =	sadd.s32 $0x320, s17  }
0x1f4: {  	[tilespmem:s29], [sflag:$0x1] =	stream.linear.gather [hbm4b:s28+s3], $0x10, $0x38;
	[tilespmem:$0xC200] =	vst v63  }
0x1f5: {  	s30 =	sadd.s32 $0x30, s18;
	s31 =	sadd.s32 $0x3A0, s17  }
0x1f6: {  	[tilespmem:s31], [sflag:$0x1] =	stream.linear.gather [hbm4b:s30+s3], $0x10, $0x38;
	[tilespmem:$0xC200] =	vst v63  }
0x1f7: {  	s20 =	sadd.s32 $0x40, s18;
	s21 =	sadd.s32 $0x420, s17  }
0x1f8: {  	[tilespmem:s21], [sflag:$0x1] =	stream.linear.gather [hbm4b:s20+s3], $0x10, $0x38;
	[tilespmem:$0xC200] =	vst v63  }
0x1f9: {  	s22 =	sadd.s32 $0x50, s18;
	s23 =	sadd.s32 $0x4A0, s17  }
0x1fa: {  	[tilespmem:s23], [sflag:$0x1] =	stream.linear.gather [hbm4b:s22+s3], $0x10, $0x38;
	[tilespmem:$0xC200] =	vst v63  }
0x1fb: {  	s24 =	sadd.s32 $0x60, s18;
	s25 =	sadd.s32 $0x520, s17  }
0x1fc: {  	[tilespmem:s25], [sflag:$0x1] =	stream.linear.gather [hbm4b:s24+s3], $0x10, $0x38;
	[tilespmem:$0xC200] =	vst v63  }
0x1fd: {  	s26 =	sadd.s32 $0x70, s18;
	s28 =	sadd.s32 $0x5A0, s17;
	s29 =	spop (v2sf)  }
0x1fe: {  	[tilespmem:s28], [sflag:$0x1] =	stream.linear.gather [hbm4b:s26+s3], $0x10, $0x38;
	[tilespmem:$0xC200] =	vst v63  }
0x1ff: {  	s30 =	sshll.u32 s29, $0x3  }
0x200: {  	s17 =	sand.u32 $0x70, s29;
	s18 =	sand.u32 $0xFFFFFC00, s30  }
0x201: {  	s17 =	sor.u32 s17, s18  }
0x202: {  	s17 =	sshrl.u32 s17, $0x3  }
0x203: {  	s31 =	simm.s32 $0x230;
	s18 =	sadd.s32 s0, s17  }
0x204: {  	[tilespmem:s31], [sflag:$0x2] =	stream.linear.gather [hbm4b:s18+s3], $0x10, $0x38;
	[tilespmem:$0xC200] =	vst v63  }
0x205: {  	s20 =	simm.s32 $0x2B0;
	s19 =	sadd.s32 $0x10, s18  }
0x206: {  	[tilespmem:s20], [sflag:$0x2] =	stream.linear.gather [hbm4b:s19+s3], $0x10, $0x38;
	[tilespmem:$0xC200] =	vst v63  }
0x207: {  	s22 =	simm.s32 $0x330;
	s24 =	simm.s32 $0x3B0;
	s21 =	sadd.s32 $0x20, s18  }
0x208: {  	[tilespmem:s22], [sflag:$0x2] =	stream.linear.gather [hbm4b:s21+s3], $0x10, $0x38;
	[tilespmem:$0xC200] =	vst v63  }
0x209: {  	s26 =	simm.s32 $0x430;
	s29 =	simm.s32 $0x4B0;
	s23 =	sadd.s32 $0x30, s18  }
0x20a: {  	[tilespmem:s24], [sflag:$0x2] =	stream.linear.gather [hbm4b:s23+s3], $0x10, $0x38;
	[tilespmem:$0xC200] =	vst v63  }
0x20b: {  	s17 =	simm.s32 $0x800;
	s25 =	sadd.s32 $0x40, s18;
	s28 =	sadd.s32 $0x50, s18  }
0x20c: {  	[tilespmem:s26], [sflag:$0x2] =	stream.linear.gather [hbm4b:s25+s3], $0x10, $0x38;
	[tilespmem:$0xC200] =	vst v63  }
0x20d: {  	s30 =	sadd.s32 $0x60, s18;
	s31 =	simm.s32 $0x530;
	s19 =	simm.s32 $0x4000  }
0x20e: {  	[tilespmem:s29], [sflag:$0x2] =	stream.linear.gather [hbm4b:s28+s3], $0x10, $0x38;
	[tilespmem:$0xC200] =	vst v63  }
0x20f: {  	s20 =	sadd.s32 $0x70, s18;
	s18 =	sadd.s32 $0xF4280, s18;
	s21 =	simm.s32 $0x5B0  }
0x210: {  	[tilespmem:s31], [sflag:$0x2] =	stream.linear.gather [hbm4b:s30+s3], $0x10, $0x38;
	[tilespmem:$0xC200] =	vst v63  }
.LBB2_9:
0x211: {  	[tilespmem:s21], [sflag:$0x2] =	stream.linear.gather [hbm4b:s20+s3], $0x10, $0x38;
	[tilespmem:$0xC200] =	vst v63  }
0x212: {  	s21 =	smov.u32 s17;
	s17 =	smov.u32 s19  }
0x213: {  	s22 =	sadd.s32 $0x2000, s19;
	s17 =	sshra.s32 s17, $0x2;
	s20 =	sadd.s32 $0x230, s21  }
0x214: {  	[tilespmem:s20], [sflag:$0x2] =	stream.linear.gather [hbm4b:s18+s3], $0x10, $0x38;
	[tilespmem:$0xC200] =	vst v63  }
0x215: {  	p0 =	sne.s32 s19, $0xE000;
	s19 =	sadd.s32 $0x10, s18;
	s20 =	sadd.s32 $0x2B0, s21  }
0x216: {  	[tilespmem:s20], [sflag:$0x2] =	stream.linear.gather [hbm4b:s19+s3], $0x10, $0x38;
	[tilespmem:$0xC200] =	vst v63  }
0x217: {  	s19 =	sadd.s32 $0x20, s18;
	s20 =	sadd.s32 $0x330, s21  }
0x218: {  	[tilespmem:s20], [sflag:$0x2] =	stream.linear.gather [hbm4b:s19+s3], $0x10, $0x38;
	[tilespmem:$0xC200] =	vst v63  }
0x219: {  	s19 =	sadd.s32 $0x30, s18;
	s20 =	sadd.s32 $0x3B0, s21  }
0x21a: {  	[tilespmem:s20], [sflag:$0x2] =	stream.linear.gather [hbm4b:s19+s3], $0x10, $0x38;
	[tilespmem:$0xC200] =	vst v63  }
0x21b: {  	s19 =	sadd.s32 $0x40, s18;
	s20 =	sadd.s32 $0x430, s21  }
0x21c: {  	[tilespmem:s20], [sflag:$0x2] =	stream.linear.gather [hbm4b:s19+s3], $0x10, $0x38;
	[tilespmem:$0xC200] =	vst v63  }
.Ltmp3:
0x21d: {  	s19 =	sadd.s32 $0x50, s18;
	s20 =	sadd.s32 $0x4B0, s21;
	(pc) =	sbr.rel @p0 .LBB2_9-.Ltmp3, $4  }
0x21e: {  	[tilespmem:s20], [sflag:$0x2] =	stream.linear.gather [hbm4b:s19+s3], $0x10, $0x38;
	[tilespmem:$0xC200] =	vst v63  }
0x21f: {  	s19 =	sadd.s32 $0x60, s18;
	s20 =	sadd.s32 $0x530, s21;
	s21 =	sadd.s32 $0x5B0, s21  }
0x220: {  	[tilespmem:s20], [sflag:$0x2] =	stream.linear.gather [hbm4b:s19+s3], $0x10, $0x38;
	[tilespmem:$0xC200] =	vst v63  }
0x221: {  	s20 =	sadd.s32 $0x70, s18;
	s18 =	sadd.s32 $0xF4280, s18;
	s19 =	smov.u32 s22  }
0x222: {  	[tilespmem:s21], [sflag:$0x2] =	stream.linear.gather [hbm4b:s20+s3], $0x10, $0x38;
	(v2sf) =	vpush v0, $0x4;
	[tilespmem:$0xC200] =	vst v63  }
0x223: {  	s19 =	sadd.s32 $0x230, s17  }
0x224: {  	[tilespmem:s19], [sflag:$0x2] =	stream.linear.gather [hbm4b:s18+s3], $0x10, $0x38;
	[tilespmem:$0xC200] =	vst v63  }
0x225: {  	s25 =	sadd.s32 $0x10, s18;
	s26 =	sadd.s32 $0x2B0, s17  }
0x226: {  	[tilespmem:s26], [sflag:$0x2] =	stream.linear.gather [hbm4b:s25+s3], $0x10, $0x38;
	[tilespmem:$0xC200] =	vst v63  }
0x227: {  	s28 =	sadd.s32 $0x20, s18;
	s29 =	sadd.s32 $0x330, s17  }
0x228: {  	[tilespmem:s29], [sflag:$0x2] =	stream.linear.gather [hbm4b:s28+s3], $0x10, $0x38;
	[tilespmem:$0xC200] =	vst v63  }
0x229: {  	s30 =	sadd.s32 $0x30, s18;
	s31 =	sadd.s32 $0x3B0, s17  }
0x22a: {  	[tilespmem:s31], [sflag:$0x2] =	stream.linear.gather [hbm4b:s30+s3], $0x10, $0x38;
	[tilespmem:$0xC200] =	vst v63  }
0x22b: {  	s20 =	sadd.s32 $0x40, s18;
	s21 =	sadd.s32 $0x430, s17  }
0x22c: {  	[tilespmem:s21], [sflag:$0x2] =	stream.linear.gather [hbm4b:s20+s3], $0x10, $0x38;
	[tilespmem:$0xC200] =	vst v63  }
0x22d: {  	s22 =	sadd.s32 $0x50, s18;
	s23 =	sadd.s32 $0x4B0, s17  }
0x22e: {  	[tilespmem:s23], [sflag:$0x2] =	stream.linear.gather [hbm4b:s22+s3], $0x10, $0x38;
	[tilespmem:$0xC200] =	vst v63  }
0x22f: {  	s24 =	sadd.s32 $0x60, s18;
	s25 =	sadd.s32 $0x530, s17  }
0x230: {  	[tilespmem:s25], [sflag:$0x2] =	stream.linear.gather [hbm4b:s24+s3], $0x10, $0x38;
	[tilespmem:$0xC200] =	vst v63  }
0x231: {  	s26 =	sadd.s32 $0x70, s18;
	s28 =	sadd.s32 $0x5B0, s17;
	s29 =	spop (v2sf)  }
0x232: {  	[tilespmem:s28], [sflag:$0x2] =	stream.linear.gather [hbm4b:s26+s3], $0x10, $0x38;
	[tilespmem:$0xC200] =	vst v63  }
0x233: {  	s30 =	sshll.u32 s29, $0x3  }
0x234: {  	s17 =	sand.u32 $0x70, s29;
	s18 =	sand.u32 $0xFFFFFC00, s30  }
0x235: {  	s17 =	sor.u32 s17, s18  }
0x236: {  	s17 =	sshrl.u32 s17, $0x3  }
0x237: {  	s31 =	simm.s32 $0x240;
	s18 =	sadd.s32 s0, s17  }
0x238: {  	[tilespmem:s31], [sflag:$0x1] =	stream.linear.gather [hbm4b:s18+s3], $0x10, $0x38;
	[tilespmem:$0xC200] =	vst v63  }
0x239: {  	s20 =	simm.s32 $0x2C0;
	s19 =	sadd.s32 $0x10, s18  }
0x23a: {  	[tilespmem:s20], [sflag:$0x1] =	stream.linear.gather [hbm4b:s19+s3], $0x10, $0x38;
	[tilespmem:$0xC200] =	vst v63  }
0x23b: {  	s22 =	simm.s32 $0x340;
	s24 =	simm.s32 $0x3C0;
	s21 =	sadd.s32 $0x20, s18  }
0x23c: {  	[tilespmem:s22], [sflag:$0x1] =	stream.linear.gather [hbm4b:s21+s3], $0x10, $0x38;
	[tilespmem:$0xC200] =	vst v63  }
0x23d: {  	s26 =	simm.s32 $0x440;
	s29 =	simm.s32 $0x4C0;
	s23 =	sadd.s32 $0x30, s18  }
0x23e: {  	[tilespmem:s24], [sflag:$0x1] =	stream.linear.gather [hbm4b:s23+s3], $0x10, $0x38;
	[tilespmem:$0xC200] =	vst v63  }
0x23f: {  	s17 =	simm.s32 $0x800;
	s25 =	sadd.s32 $0x40, s18;
	s28 =	sadd.s32 $0x50, s18  }
0x240: {  	[tilespmem:s26], [sflag:$0x1] =	stream.linear.gather [hbm4b:s25+s3], $0x10, $0x38;
	[tilespmem:$0xC200] =	vst v63  }
0x241: {  	s30 =	sadd.s32 $0x60, s18;
	s31 =	simm.s32 $0x540;
	s19 =	simm.s32 $0x4000  }
0x242: {  	[tilespmem:s29], [sflag:$0x1] =	stream.linear.gather [hbm4b:s28+s3], $0x10, $0x38;
	[tilespmem:$0xC200] =	vst v63  }
0x243: {  	s20 =	sadd.s32 $0x70, s18;
	s18 =	sadd.s32 $0xF4280, s18;
	s21 =	simm.s32 $0x5C0  }
0x244: {  	[tilespmem:s31], [sflag:$0x1] =	stream.linear.gather [hbm4b:s30+s3], $0x10, $0x38;
	[tilespmem:$0xC200] =	vst v63  }
.LBB2_11:
0x245: {  	[tilespmem:s21], [sflag:$0x1] =	stream.linear.gather [hbm4b:s20+s3], $0x10, $0x38;
	[tilespmem:$0xC200] =	vst v63  }
0x246: {  	s21 =	smov.u32 s17;
	s17 =	smov.u32 s19  }
0x247: {  	s22 =	sadd.s32 $0x2000, s19;
	s17 =	sshra.s32 s17, $0x2;
	s20 =	sadd.s32 $0x240, s21  }
0x248: {  	[tilespmem:s20], [sflag:$0x1] =	stream.linear.gather [hbm4b:s18+s3], $0x10, $0x38;
	[tilespmem:$0xC200] =	vst v63  }
0x249: {  	p0 =	sne.s32 s19, $0xE000;
	s19 =	sadd.s32 $0x10, s18;
	s20 =	sadd.s32 $0x2C0, s21  }
0x24a: {  	[tilespmem:s20], [sflag:$0x1] =	stream.linear.gather [hbm4b:s19+s3], $0x10, $0x38;
	[tilespmem:$0xC200] =	vst v63  }
0x24b: {  	s19 =	sadd.s32 $0x20, s18;
	s20 =	sadd.s32 $0x340, s21  }
0x24c: {  	[tilespmem:s20], [sflag:$0x1] =	stream.linear.gather [hbm4b:s19+s3], $0x10, $0x38;
	[tilespmem:$0xC200] =	vst v63  }
0x24d: {  	s19 =	sadd.s32 $0x30, s18;
	s20 =	sadd.s32 $0x3C0, s21  }
0x24e: {  	[tilespmem:s20], [sflag:$0x1] =	stream.linear.gather [hbm4b:s19+s3], $0x10, $0x38;
	[tilespmem:$0xC200] =	vst v63  }
0x24f: {  	s19 =	sadd.s32 $0x40, s18;
	s20 =	sadd.s32 $0x440, s21  }
0x250: {  	[tilespmem:s20], [sflag:$0x1] =	stream.linear.gather [hbm4b:s19+s3], $0x10, $0x38;
	[tilespmem:$0xC200] =	vst v63  }
.Ltmp4:
0x251: {  	s19 =	sadd.s32 $0x50, s18;
	s20 =	sadd.s32 $0x4C0, s21;
	(pc) =	sbr.rel @p0 .LBB2_11-.Ltmp4, $4  }
0x252: {  	[tilespmem:s20], [sflag:$0x1] =	stream.linear.gather [hbm4b:s19+s3], $0x10, $0x38;
	[tilespmem:$0xC200] =	vst v63  }
0x253: {  	s19 =	sadd.s32 $0x60, s18;
	s20 =	sadd.s32 $0x540, s21;
	s21 =	sadd.s32 $0x5C0, s21  }
0x254: {  	[tilespmem:s20], [sflag:$0x1] =	stream.linear.gather [hbm4b:s19+s3], $0x10, $0x38;
	[tilespmem:$0xC200] =	vst v63  }
0x255: {  	s20 =	sadd.s32 $0x70, s18;
	s18 =	sadd.s32 $0xF4280, s18;
	s19 =	smov.u32 s22  }
0x256: {  	[tilespmem:s21], [sflag:$0x1] =	stream.linear.gather [hbm4b:s20+s3], $0x10, $0x38;
	(v2sf) =	vpush v0, $0x5;
	[tilespmem:$0xC200] =	vst v63  }
0x257: {  	s19 =	sadd.s32 $0x240, s17  }
0x258: {  	[tilespmem:s19], [sflag:$0x1] =	stream.linear.gather [hbm4b:s18+s3], $0x10, $0x38;
	[tilespmem:$0xC200] =	vst v63  }
0x259: {  	s25 =	sadd.s32 $0x10, s18;
	s26 =	sadd.s32 $0x2C0, s17  }
0x25a: {  	[tilespmem:s26], [sflag:$0x1] =	stream.linear.gather [hbm4b:s25+s3], $0x10, $0x38;
	[tilespmem:$0xC200] =	vst v63  }
0x25b: {  	s28 =	sadd.s32 $0x20, s18;
	s29 =	sadd.s32 $0x340, s17  }
0x25c: {  	[tilespmem:s29], [sflag:$0x1] =	stream.linear.gather [hbm4b:s28+s3], $0x10, $0x38;
	[tilespmem:$0xC200] =	vst v63  }
0x25d: {  	s30 =	sadd.s32 $0x30, s18;
	s31 =	sadd.s32 $0x3C0, s17  }
0x25e: {  	[tilespmem:s31], [sflag:$0x1] =	stream.linear.gather [hbm4b:s30+s3], $0x10, $0x38;
	[tilespmem:$0xC200] =	vst v63  }
0x25f: {  	s20 =	sadd.s32 $0x40, s18;
	s21 =	sadd.s32 $0x440, s17  }
0x260: {  	[tilespmem:s21], [sflag:$0x1] =	stream.linear.gather [hbm4b:s20+s3], $0x10, $0x38;
	[tilespmem:$0xC200] =	vst v63  }
0x261: {  	s22 =	sadd.s32 $0x50, s18;
	s23 =	sadd.s32 $0x4C0, s17  }
0x262: {  	[tilespmem:s23], [sflag:$0x1] =	stream.linear.gather [hbm4b:s22+s3], $0x10, $0x38;
	[tilespmem:$0xC200] =	vst v63  }
0x263: {  	s24 =	sadd.s32 $0x60, s18;
	s25 =	sadd.s32 $0x540, s17  }
0x264: {  	[tilespmem:s25], [sflag:$0x1] =	stream.linear.gather [hbm4b:s24+s3], $0x10, $0x38;
	[tilespmem:$0xC200] =	vst v63  }
0x265: {  	s26 =	sadd.s32 $0x70, s18;
	s28 =	sadd.s32 $0x5C0, s17;
	s29 =	spop (v2sf)  }
0x266: {  	[tilespmem:s28], [sflag:$0x1] =	stream.linear.gather [hbm4b:s26+s3], $0x10, $0x38;
	[tilespmem:$0xC200] =	vst v63  }
0x267: {  	s30 =	sshll.u32 s29, $0x3  }
0x268: {  	s17 =	sand.u32 $0x70, s29;
	s18 =	sand.u32 $0xFFFFFC00, s30  }
0x269: {  	s17 =	sor.u32 s17, s18  }
0x26a: {  	s17 =	sshrl.u32 s17, $0x3  }
0x26b: {  	s31 =	simm.s32 $0x250;
	s18 =	sadd.s32 s0, s17  }
0x26c: {  	[tilespmem:s31], [sflag:$0x2] =	stream.linear.gather [hbm4b:s18+s3], $0x10, $0x38;
	[tilespmem:$0xC200] =	vst v63  }
0x26d: {  	s20 =	simm.s32 $0x2D0;
	s19 =	sadd.s32 $0x10, s18  }
0x26e: {  	[tilespmem:s20], [sflag:$0x2] =	stream.linear.gather [hbm4b:s19+s3], $0x10, $0x38;
	[tilespmem:$0xC200] =	vst v63  }
0x26f: {  	s22 =	simm.s32 $0x350;
	s24 =	simm.s32 $0x3D0;
	s21 =	sadd.s32 $0x20, s18  }
0x270: {  	[tilespmem:s22], [sflag:$0x2] =	stream.linear.gather [hbm4b:s21+s3], $0x10, $0x38;
	[tilespmem:$0xC200] =	vst v63  }
0x271: {  	s26 =	simm.s32 $0x450;
	s29 =	simm.s32 $0x4D0;
	s23 =	sadd.s32 $0x30, s18  }
0x272: {  	[tilespmem:s24], [sflag:$0x2] =	stream.linear.gather [hbm4b:s23+s3], $0x10, $0x38;
	[tilespmem:$0xC200] =	vst v63  }
0x273: {  	s17 =	simm.s32 $0x800;
	s25 =	sadd.s32 $0x40, s18;
	s28 =	sadd.s32 $0x50, s18  }
0x274: {  	[tilespmem:s26], [sflag:$0x2] =	stream.linear.gather [hbm4b:s25+s3], $0x10, $0x38;
	[tilespmem:$0xC200] =	vst v63  }
0x275: {  	s30 =	sadd.s32 $0x60, s18;
	s31 =	simm.s32 $0x550;
	s19 =	simm.s32 $0x4000  }
0x276: {  	[tilespmem:s29], [sflag:$0x2] =	stream.linear.gather [hbm4b:s28+s3], $0x10, $0x38;
	[tilespmem:$0xC200] =	vst v63  }
0x277: {  	s20 =	sadd.s32 $0x70, s18;
	s18 =	sadd.s32 $0xF4280, s18;
	s21 =	simm.s32 $0x5D0  }
0x278: {  	[tilespmem:s31], [sflag:$0x2] =	stream.linear.gather [hbm4b:s30+s3], $0x10, $0x38;
	[tilespmem:$0xC200] =	vst v63  }
.LBB2_13:
0x279: {  	[tilespmem:s21], [sflag:$0x2] =	stream.linear.gather [hbm4b:s20+s3], $0x10, $0x38;
	[tilespmem:$0xC200] =	vst v63  }
0x27a: {  	s21 =	smov.u32 s17;
	s17 =	smov.u32 s19  }
0x27b: {  	s22 =	sadd.s32 $0x2000, s19;
	s17 =	sshra.s32 s17, $0x2;
	s20 =	sadd.s32 $0x250, s21  }
0x27c: {  	[tilespmem:s20], [sflag:$0x2] =	stream.linear.gather [hbm4b:s18+s3], $0x10, $0x38;
	[tilespmem:$0xC200] =	vst v63  }
0x27d: {  	p0 =	sne.s32 s19, $0xE000;
	s19 =	sadd.s32 $0x10, s18;
	s20 =	sadd.s32 $0x2D0, s21  }
0x27e: {  	[tilespmem:s20], [sflag:$0x2] =	stream.linear.gather [hbm4b:s19+s3], $0x10, $0x38;
	[tilespmem:$0xC200] =	vst v63  }
0x27f: {  	s19 =	sadd.s32 $0x20, s18;
	s20 =	sadd.s32 $0x350, s21  }
0x280: {  	[tilespmem:s20], [sflag:$0x2] =	stream.linear.gather [hbm4b:s19+s3], $0x10, $0x38;
	[tilespmem:$0xC200] =	vst v63  }
0x281: {  	s19 =	sadd.s32 $0x30, s18;
	s20 =	sadd.s32 $0x3D0, s21  }
0x282: {  	[tilespmem:s20], [sflag:$0x2] =	stream.linear.gather [hbm4b:s19+s3], $0x10, $0x38;
	[tilespmem:$0xC200] =	vst v63  }
0x283: {  	s19 =	sadd.s32 $0x40, s18;
	s20 =	sadd.s32 $0x450, s21  }
0x284: {  	[tilespmem:s20], [sflag:$0x2] =	stream.linear.gather [hbm4b:s19+s3], $0x10, $0x38;
	[tilespmem:$0xC200] =	vst v63  }
.Ltmp5:
0x285: {  	s19 =	sadd.s32 $0x50, s18;
	s20 =	sadd.s32 $0x4D0, s21;
	(pc) =	sbr.rel @p0 .LBB2_13-.Ltmp5, $4  }
0x286: {  	[tilespmem:s20], [sflag:$0x2] =	stream.linear.gather [hbm4b:s19+s3], $0x10, $0x38;
	[tilespmem:$0xC200] =	vst v63  }
0x287: {  	s19 =	sadd.s32 $0x60, s18;
	s20 =	sadd.s32 $0x550, s21;
	s21 =	sadd.s32 $0x5D0, s21  }
0x288: {  	[tilespmem:s20], [sflag:$0x2] =	stream.linear.gather [hbm4b:s19+s3], $0x10, $0x38;
	[tilespmem:$0xC200] =	vst v63  }
0x289: {  	s20 =	sadd.s32 $0x70, s18;
	s18 =	sadd.s32 $0xF4280, s18;
	s19 =	smov.u32 s22  }
0x28a: {  	[tilespmem:s21], [sflag:$0x2] =	stream.linear.gather [hbm4b:s20+s3], $0x10, $0x38;
	(v2sf) =	vpush v0, $0x6;
	[tilespmem:$0xC200] =	vst v63  }
0x28b: {  	s19 =	sadd.s32 $0x250, s17  }
0x28c: {  	[tilespmem:s19], [sflag:$0x2] =	stream.linear.gather [hbm4b:s18+s3], $0x10, $0x38;
	[tilespmem:$0xC200] =	vst v63  }
0x28d: {  	s25 =	sadd.s32 $0x10, s18;
	s26 =	sadd.s32 $0x2D0, s17  }
0x28e: {  	[tilespmem:s26], [sflag:$0x2] =	stream.linear.gather [hbm4b:s25+s3], $0x10, $0x38;
	[tilespmem:$0xC200] =	vst v63  }
0x28f: {  	s28 =	sadd.s32 $0x20, s18;
	s29 =	sadd.s32 $0x350, s17  }
0x290: {  	[tilespmem:s29], [sflag:$0x2] =	stream.linear.gather [hbm4b:s28+s3], $0x10, $0x38;
	[tilespmem:$0xC200] =	vst v63  }
0x291: {  	s30 =	sadd.s32 $0x30, s18;
	s31 =	sadd.s32 $0x3D0, s17  }
0x292: {  	[tilespmem:s31], [sflag:$0x2] =	stream.linear.gather [hbm4b:s30+s3], $0x10, $0x38;
	[tilespmem:$0xC200] =	vst v63  }
0x293: {  	s20 =	sadd.s32 $0x40, s18;
	s21 =	sadd.s32 $0x450, s17  }
0x294: {  	[tilespmem:s21], [sflag:$0x2] =	stream.linear.gather [hbm4b:s20+s3], $0x10, $0x38;
	[tilespmem:$0xC200] =	vst v63  }
0x295: {  	s22 =	sadd.s32 $0x50, s18;
	s23 =	sadd.s32 $0x4D0, s17  }
0x296: {  	[tilespmem:s23], [sflag:$0x2] =	stream.linear.gather [hbm4b:s22+s3], $0x10, $0x38;
	[tilespmem:$0xC200] =	vst v63  }
0x297: {  	s24 =	sadd.s32 $0x60, s18;
	s25 =	sadd.s32 $0x550, s17  }
0x298: {  	[tilespmem:s25], [sflag:$0x2] =	stream.linear.gather [hbm4b:s24+s3], $0x10, $0x38;
	[tilespmem:$0xC200] =	vst v63  }
0x299: {  	s26 =	sadd.s32 $0x70, s18;
	s28 =	sadd.s32 $0x5D0, s17;
	s29 =	spop (v2sf)  }
0x29a: {  	[tilespmem:s28], [sflag:$0x2] =	stream.linear.gather [hbm4b:s26+s3], $0x10, $0x38;
	[tilespmem:$0xC200] =	vst v63  }
0x29b: {  	s30 =	sshll.u32 s29, $0x3  }
0x29c: {  	s17 =	sand.u32 $0x70, s29;
	s18 =	sand.u32 $0xFFFFFC00, s30  }
0x29d: {  	s17 =	sor.u32 s17, s18  }
0x29e: {  	s17 =	sshrl.u32 s17, $0x3  }
0x29f: {  	s31 =	simm.s32 $0x260;
	s18 =	sadd.s32 s0, s17  }
0x2a0: {  	[tilespmem:s31], [sflag:$0x1] =	stream.linear.gather [hbm4b:s18+s3], $0x10, $0x38;
	[tilespmem:$0xC200] =	vst v63  }
0x2a1: {  	s20 =	simm.s32 $0x2E0;
	s19 =	sadd.s32 $0x10, s18  }
0x2a2: {  	[tilespmem:s20], [sflag:$0x1] =	stream.linear.gather [hbm4b:s19+s3], $0x10, $0x38;
	[tilespmem:$0xC200] =	vst v63  }
0x2a3: {  	s22 =	simm.s32 $0x360;
	s24 =	simm.s32 $0x3E0;
	s21 =	sadd.s32 $0x20, s18  }
0x2a4: {  	[tilespmem:s22], [sflag:$0x1] =	stream.linear.gather [hbm4b:s21+s3], $0x10, $0x38;
	[tilespmem:$0xC200] =	vst v63  }
0x2a5: {  	s26 =	simm.s32 $0x460;
	s29 =	simm.s32 $0x4E0;
	s23 =	sadd.s32 $0x30, s18  }
0x2a6: {  	[tilespmem:s24], [sflag:$0x1] =	stream.linear.gather [hbm4b:s23+s3], $0x10, $0x38;
	[tilespmem:$0xC200] =	vst v63  }
0x2a7: {  	s17 =	simm.s32 $0x800;
	s25 =	sadd.s32 $0x40, s18;
	s28 =	sadd.s32 $0x50, s18  }
0x2a8: {  	[tilespmem:s26], [sflag:$0x1] =	stream.linear.gather [hbm4b:s25+s3], $0x10, $0x38;
	[tilespmem:$0xC200] =	vst v63  }
0x2a9: {  	s30 =	sadd.s32 $0x60, s18;
	s31 =	simm.s32 $0x560;
	s19 =	simm.s32 $0x4000  }
0x2aa: {  	[tilespmem:s29], [sflag:$0x1] =	stream.linear.gather [hbm4b:s28+s3], $0x10, $0x38;
	[tilespmem:$0xC200] =	vst v63  }
0x2ab: {  	s20 =	sadd.s32 $0x70, s18;
	s18 =	sadd.s32 $0xF4280, s18;
	s21 =	simm.s32 $0x5E0  }
0x2ac: {  	[tilespmem:s31], [sflag:$0x1] =	stream.linear.gather [hbm4b:s30+s3], $0x10, $0x38;
	[tilespmem:$0xC200] =	vst v63  }
.LBB2_15:
0x2ad: {  	[tilespmem:s21], [sflag:$0x1] =	stream.linear.gather [hbm4b:s20+s3], $0x10, $0x38;
	[tilespmem:$0xC200] =	vst v63  }
0x2ae: {  	s21 =	smov.u32 s17;
	s17 =	smov.u32 s19  }
0x2af: {  	s22 =	sadd.s32 $0x2000, s19;
	s17 =	sshra.s32 s17, $0x2;
	s20 =	sadd.s32 $0x260, s21  }
0x2b0: {  	[tilespmem:s20], [sflag:$0x1] =	stream.linear.gather [hbm4b:s18+s3], $0x10, $0x38;
	[tilespmem:$0xC200] =	vst v63  }
0x2b1: {  	p0 =	sne.s32 s19, $0xE000;
	s19 =	sadd.s32 $0x10, s18;
	s20 =	sadd.s32 $0x2E0, s21  }
0x2b2: {  	[tilespmem:s20], [sflag:$0x1] =	stream.linear.gather [hbm4b:s19+s3], $0x10, $0x38;
	[tilespmem:$0xC200] =	vst v63  }
0x2b3: {  	s19 =	sadd.s32 $0x20, s18;
	s20 =	sadd.s32 $0x360, s21  }
0x2b4: {  	[tilespmem:s20], [sflag:$0x1] =	stream.linear.gather [hbm4b:s19+s3], $0x10, $0x38;
	[tilespmem:$0xC200] =	vst v63  }
0x2b5: {  	s19 =	sadd.s32 $0x30, s18;
	s20 =	sadd.s32 $0x3E0, s21  }
0x2b6: {  	[tilespmem:s20], [sflag:$0x1] =	stream.linear.gather [hbm4b:s19+s3], $0x10, $0x38;
	[tilespmem:$0xC200] =	vst v63  }
0x2b7: {  	s19 =	sadd.s32 $0x40, s18;
	s20 =	sadd.s32 $0x460, s21  }
0x2b8: {  	[tilespmem:s20], [sflag:$0x1] =	stream.linear.gather [hbm4b:s19+s3], $0x10, $0x38;
	[tilespmem:$0xC200] =	vst v63  }
.Ltmp6:
0x2b9: {  	s19 =	sadd.s32 $0x50, s18;
	s20 =	sadd.s32 $0x4E0, s21;
	(pc) =	sbr.rel @p0 .LBB2_15-.Ltmp6, $4  }
0x2ba: {  	[tilespmem:s20], [sflag:$0x1] =	stream.linear.gather [hbm4b:s19+s3], $0x10, $0x38;
	[tilespmem:$0xC200] =	vst v63  }
0x2bb: {  	s19 =	sadd.s32 $0x60, s18;
	s20 =	sadd.s32 $0x560, s21;
	s21 =	sadd.s32 $0x5E0, s21  }
0x2bc: {  	[tilespmem:s20], [sflag:$0x1] =	stream.linear.gather [hbm4b:s19+s3], $0x10, $0x38;
	[tilespmem:$0xC200] =	vst v63  }
0x2bd: {  	s20 =	sadd.s32 $0x70, s18;
	s18 =	sadd.s32 $0xF4280, s18;
	s19 =	smov.u32 s22  }
0x2be: {  	[tilespmem:s21], [sflag:$0x1] =	stream.linear.gather [hbm4b:s20+s3], $0x10, $0x38;
	(v2sf) =	vpush v0, $0x7;
	[tilespmem:$0xC200] =	vst v63  }
0x2bf: {  	s19 =	sadd.s32 $0x260, s17  }
0x2c0: {  	[tilespmem:s19], [sflag:$0x1] =	stream.linear.gather [hbm4b:s18+s3], $0x10, $0x38;
	[tilespmem:$0xC200] =	vst v63  }
0x2c1: {  	s25 =	sadd.s32 $0x10, s18;
	s26 =	sadd.s32 $0x2E0, s17  }
0x2c2: {  	[tilespmem:s26], [sflag:$0x1] =	stream.linear.gather [hbm4b:s25+s3], $0x10, $0x38;
	[tilespmem:$0xC200] =	vst v63  }
0x2c3: {  	s28 =	sadd.s32 $0x20, s18;
	s29 =	sadd.s32 $0x360, s17  }
0x2c4: {  	[tilespmem:s29], [sflag:$0x1] =	stream.linear.gather [hbm4b:s28+s3], $0x10, $0x38;
	[tilespmem:$0xC200] =	vst v63  }
0x2c5: {  	s30 =	sadd.s32 $0x30, s18;
	s31 =	sadd.s32 $0x3E0, s17  }
0x2c6: {  	[tilespmem:s31], [sflag:$0x1] =	stream.linear.gather [hbm4b:s30+s3], $0x10, $0x38;
	[tilespmem:$0xC200] =	vst v63  }
0x2c7: {  	s20 =	sadd.s32 $0x40, s18;
	s21 =	sadd.s32 $0x460, s17  }
0x2c8: {  	[tilespmem:s21], [sflag:$0x1] =	stream.linear.gather [hbm4b:s20+s3], $0x10, $0x38;
	[tilespmem:$0xC200] =	vst v63  }
0x2c9: {  	s22 =	sadd.s32 $0x50, s18;
	s23 =	sadd.s32 $0x4E0, s17  }
0x2ca: {  	[tilespmem:s23], [sflag:$0x1] =	stream.linear.gather [hbm4b:s22+s3], $0x10, $0x38;
	[tilespmem:$0xC200] =	vst v63  }
0x2cb: {  	s24 =	sadd.s32 $0x60, s18;
	s25 =	sadd.s32 $0x560, s17  }
0x2cc: {  	[tilespmem:s25], [sflag:$0x1] =	stream.linear.gather [hbm4b:s24+s3], $0x10, $0x38;
	[tilespmem:$0xC200] =	vst v63  }
0x2cd: {  	s26 =	sadd.s32 $0x70, s18;
	s28 =	sadd.s32 $0x5E0, s17;
	s29 =	spop (v2sf)  }
0x2ce: {  	[tilespmem:s28], [sflag:$0x1] =	stream.linear.gather [hbm4b:s26+s3], $0x10, $0x38;
	[tilespmem:$0xC200] =	vst v63  }
0x2cf: {  	s30 =	sshll.u32 s29, $0x3  }
0x2d0: {  	s17 =	sand.u32 $0x70, s29;
	s18 =	sand.u32 $0xFFFFFC00, s30  }
0x2d1: {  	s17 =	sor.u32 s17, s18  }
0x2d2: {  	s17 =	sshrl.u32 s17, $0x3  }
0x2d3: {  	s31 =	simm.s32 $0x270;
	s18 =	sadd.s32 s0, s17  }
0x2d4: {  	[tilespmem:s31], [sflag:$0x2] =	stream.linear.gather [hbm4b:s18+s3], $0x10, $0x38;
	[tilespmem:$0xC200] =	vst v63  }
0x2d5: {  	s20 =	simm.s32 $0x2F0;
	s19 =	sadd.s32 $0x10, s18  }
0x2d6: {  	[tilespmem:s20], [sflag:$0x2] =	stream.linear.gather [hbm4b:s19+s3], $0x10, $0x38;
	[tilespmem:$0xC200] =	vst v63  }
0x2d7: {  	s22 =	simm.s32 $0x370;
	s24 =	simm.s32 $0x3F0;
	s21 =	sadd.s32 $0x20, s18  }
0x2d8: {  	[tilespmem:s22], [sflag:$0x2] =	stream.linear.gather [hbm4b:s21+s3], $0x10, $0x38;
	[tilespmem:$0xC200] =	vst v63  }
0x2d9: {  	s26 =	simm.s32 $0x470;
	s29 =	simm.s32 $0x4F0;
	s23 =	sadd.s32 $0x30, s18  }
0x2da: {  	[tilespmem:s24], [sflag:$0x2] =	stream.linear.gather [hbm4b:s23+s3], $0x10, $0x38;
	[tilespmem:$0xC200] =	vst v63  }
0x2db: {  	s17 =	simm.s32 $0x800;
	s25 =	sadd.s32 $0x40, s18;
	s28 =	sadd.s32 $0x50, s18  }
0x2dc: {  	[tilespmem:s26], [sflag:$0x2] =	stream.linear.gather [hbm4b:s25+s3], $0x10, $0x38;
	[tilespmem:$0xC200] =	vst v63  }
0x2dd: {  	s30 =	sadd.s32 $0x60, s18;
	s31 =	simm.s32 $0x570;
	s19 =	simm.s32 $0x4000  }
0x2de: {  	[tilespmem:s29], [sflag:$0x2] =	stream.linear.gather [hbm4b:s28+s3], $0x10, $0x38;
	[tilespmem:$0xC200] =	vst v63  }
0x2df: {  	s20 =	sadd.s32 $0x70, s18;
	s18 =	sadd.s32 $0xF4280, s18;
	s21 =	simm.s32 $0x5F0  }
0x2e0: {  	[tilespmem:s31], [sflag:$0x2] =	stream.linear.gather [hbm4b:s30+s3], $0x10, $0x38;
	[tilespmem:$0xC200] =	vst v63  }
.LBB2_17:
0x2e1: {  	[tilespmem:s21], [sflag:$0x2] =	stream.linear.gather [hbm4b:s20+s3], $0x10, $0x38;
	[tilespmem:$0xC200] =	vst v63  }
0x2e2: {  	s21 =	smov.u32 s17;
	s17 =	smov.u32 s19  }
0x2e3: {  	s22 =	sadd.s32 $0x2000, s19;
	s17 =	sshra.s32 s17, $0x2;
	s20 =	sadd.s32 $0x270, s21  }
0x2e4: {  	[tilespmem:s20], [sflag:$0x2] =	stream.linear.gather [hbm4b:s18+s3], $0x10, $0x38;
	[tilespmem:$0xC200] =	vst v63  }
0x2e5: {  	p0 =	sne.s32 s19, $0xE000;
	s19 =	sadd.s32 $0x10, s18;
	s20 =	sadd.s32 $0x2F0, s21  }
0x2e6: {  	[tilespmem:s20], [sflag:$0x2] =	stream.linear.gather [hbm4b:s19+s3], $0x10, $0x38;
	[tilespmem:$0xC200] =	vst v63  }
0x2e7: {  	s19 =	sadd.s32 $0x20, s18;
	s20 =	sadd.s32 $0x370, s21  }
0x2e8: {  	[tilespmem:s20], [sflag:$0x2] =	stream.linear.gather [hbm4b:s19+s3], $0x10, $0x38;
	[tilespmem:$0xC200] =	vst v63  }
0x2e9: {  	s19 =	sadd.s32 $0x30, s18;
	s20 =	sadd.s32 $0x3F0, s21  }
0x2ea: {  	[tilespmem:s20], [sflag:$0x2] =	stream.linear.gather [hbm4b:s19+s3], $0x10, $0x38;
	[tilespmem:$0xC200] =	vst v63  }
0x2eb: {  	s19 =	sadd.s32 $0x40, s18;
	s20 =	sadd.s32 $0x470, s21  }
0x2ec: {  	[tilespmem:s20], [sflag:$0x2] =	stream.linear.gather [hbm4b:s19+s3], $0x10, $0x38;
	[tilespmem:$0xC200] =	vst v63  }
.Ltmp7:
0x2ed: {  	s19 =	sadd.s32 $0x50, s18;
	s20 =	sadd.s32 $0x4F0, s21;
	(pc) =	sbr.rel @p0 .LBB2_17-.Ltmp7, $4  }
0x2ee: {  	[tilespmem:s20], [sflag:$0x2] =	stream.linear.gather [hbm4b:s19+s3], $0x10, $0x38;
	[tilespmem:$0xC200] =	vst v63  }
0x2ef: {  	s19 =	sadd.s32 $0x60, s18;
	s20 =	sadd.s32 $0x570, s21;
	s21 =	sadd.s32 $0x5F0, s21  }
0x2f0: {  	[tilespmem:s20], [sflag:$0x2] =	stream.linear.gather [hbm4b:s19+s3], $0x10, $0x38;
	[tilespmem:$0xC200] =	vst v63  }
0x2f1: {  	s20 =	sadd.s32 $0x70, s18;
	s18 =	sadd.s32 $0xF4280, s18;
	s19 =	smov.u32 s22  }
0x2f2: {  	[tilespmem:s21], [sflag:$0x2] =	stream.linear.gather [hbm4b:s20+s3], $0x10, $0x38;
	(v2sf) =	vpush v0, $0x8;
	[tilespmem:$0xC200] =	vst v63  }
0x2f3: {  	s19 =	sadd.s32 $0x270, s17  }
0x2f4: {  	[tilespmem:s19], [sflag:$0x2] =	stream.linear.gather [hbm4b:s18+s3], $0x10, $0x38;
	[tilespmem:$0xC200] =	vst v63  }
0x2f5: {  	s25 =	sadd.s32 $0x10, s18;
	s26 =	sadd.s32 $0x2F0, s17  }
0x2f6: {  	[tilespmem:s26], [sflag:$0x2] =	stream.linear.gather [hbm4b:s25+s3], $0x10, $0x38;
	[tilespmem:$0xC200] =	vst v63  }
0x2f7: {  	s28 =	sadd.s32 $0x20, s18;
	s29 =	sadd.s32 $0x370, s17  }
0x2f8: {  	[tilespmem:s29], [sflag:$0x2] =	stream.linear.gather [hbm4b:s28+s3], $0x10, $0x38;
	[tilespmem:$0xC200] =	vst v63  }
0x2f9: {  	s30 =	sadd.s32 $0x30, s18;
	s31 =	sadd.s32 $0x3F0, s17  }
0x2fa: {  	[tilespmem:s31], [sflag:$0x2] =	stream.linear.gather [hbm4b:s30+s3], $0x10, $0x38;
	[tilespmem:$0xC200] =	vst v63  }
0x2fb: {  	s20 =	sadd.s32 $0x40, s18;
	s21 =	sadd.s32 $0x470, s17  }
0x2fc: {  	[tilespmem:s21], [sflag:$0x2] =	stream.linear.gather [hbm4b:s20+s3], $0x10, $0x38;
	[tilespmem:$0xC200] =	vst v63  }
0x2fd: {  	s22 =	sadd.s32 $0x50, s18;
	s23 =	sadd.s32 $0x4F0, s17  }
0x2fe: {  	[tilespmem:s23], [sflag:$0x2] =	stream.linear.gather [hbm4b:s22+s3], $0x10, $0x38;
	[tilespmem:$0xC200] =	vst v63  }
0x2ff: {  	s24 =	sadd.s32 $0x60, s18;
	s25 =	sadd.s32 $0x570, s17  }
0x300: {  	[tilespmem:s25], [sflag:$0x2] =	stream.linear.gather [hbm4b:s24+s3], $0x10, $0x38;
	[tilespmem:$0xC200] =	vst v63  }
0x301: {  	s26 =	sadd.s32 $0x70, s18;
	s28 =	sadd.s32 $0x5F0, s17;
	s29 =	spop (v2sf)  }
0x302: {  	[tilespmem:s28], [sflag:$0x2] =	stream.linear.gather [hbm4b:s26+s3], $0x10, $0x38;
	[tilespmem:$0xC200] =	vst v63  }
0x303: {  	s30 =	sshll.u32 s29, $0x3  }
0x304: {  	s17 =	sand.u32 $0x70, s29;
	s18 =	sand.u32 $0xFFFFFC00, s30  }
0x305: {  	s17 =	sor.u32 s17, s18  }
0x306: {  	s17 =	sshrl.u32 s17, $0x3  }
0x307: {  	s31 =	simm.s32 $0x600;
	s18 =	sadd.s32 s0, s17  }
0x308: {  	[tilespmem:s31], [sflag:$0x1] =	stream.linear.gather [hbm4b:s18+s3], $0x10, $0x38;
	[tilespmem:$0xC200] =	vst v63  }
0x309: {  	s20 =	simm.s32 $0x680;
	s19 =	sadd.s32 $0x10, s18  }
0x30a: {  	[tilespmem:s20], [sflag:$0x1] =	stream.linear.gather [hbm4b:s19+s3], $0x10, $0x38;
	[tilespmem:$0xC200] =	vst v63  }
0x30b: {  	s22 =	simm.s32 $0x700;
	s24 =	simm.s32 $0x780;
	s21 =	sadd.s32 $0x20, s18  }
0x30c: {  	[tilespmem:s22], [sflag:$0x1] =	stream.linear.gather [hbm4b:s21+s3], $0x10, $0x38;
	[tilespmem:$0xC200] =	vst v63  }
0x30d: {  	s26 =	simm.s32 $0x800;
	s29 =	simm.s32 $0x880;
	s23 =	sadd.s32 $0x30, s18  }
0x30e: {  	[tilespmem:s24], [sflag:$0x1] =	stream.linear.gather [hbm4b:s23+s3], $0x10, $0x38;
	[tilespmem:$0xC200] =	vst v63  }
0x30f: {  	s17 =	simm.s32 $0x800;
	s25 =	sadd.s32 $0x40, s18;
	s28 =	sadd.s32 $0x50, s18  }
0x310: {  	[tilespmem:s26], [sflag:$0x1] =	stream.linear.gather [hbm4b:s25+s3], $0x10, $0x38;
	[tilespmem:$0xC200] =	vst v63  }
0x311: {  	s30 =	sadd.s32 $0x60, s18;
	s31 =	simm.s32 $0x900;
	s19 =	simm.s32 $0x4000  }
0x312: {  	[tilespmem:s29], [sflag:$0x1] =	stream.linear.gather [hbm4b:s28+s3], $0x10, $0x38;
	[tilespmem:$0xC200] =	vst v63  }
0x313: {  	s20 =	sadd.s32 $0x70, s18;
	s18 =	sadd.s32 $0xF4280, s18;
	s21 =	simm.s32 $0x980  }
0x314: {  	[tilespmem:s31], [sflag:$0x1] =	stream.linear.gather [hbm4b:s30+s3], $0x10, $0x38;
	[tilespmem:$0xC200] =	vst v63  }
.LBB2_19:
0x315: {  	[tilespmem:s21], [sflag:$0x1] =	stream.linear.gather [hbm4b:s20+s3], $0x10, $0x38;
	[tilespmem:$0xC200] =	vst v63  }
0x316: {  	s21 =	smov.u32 s17;
	s17 =	smov.u32 s19  }
0x317: {  	s22 =	sadd.s32 $0x2000, s19;
	s17 =	sshra.s32 s17, $0x2;
	s20 =	sadd.s32 $0x600, s21  }
0x318: {  	[tilespmem:s20], [sflag:$0x1] =	stream.linear.gather [hbm4b:s18+s3], $0x10, $0x38;
	[tilespmem:$0xC200] =	vst v63  }
0x319: {  	p0 =	sne.s32 s19, $0xE000;
	s19 =	sadd.s32 $0x10, s18;
	s20 =	sadd.s32 $0x680, s21  }
0x31a: {  	[tilespmem:s20], [sflag:$0x1] =	stream.linear.gather [hbm4b:s19+s3], $0x10, $0x38;
	[tilespmem:$0xC200] =	vst v63  }
0x31b: {  	s19 =	sadd.s32 $0x20, s18;
	s20 =	sadd.s32 $0x700, s21  }
0x31c: {  	[tilespmem:s20], [sflag:$0x1] =	stream.linear.gather [hbm4b:s19+s3], $0x10, $0x38;
	[tilespmem:$0xC200] =	vst v63  }
0x31d: {  	s19 =	sadd.s32 $0x30, s18;
	s20 =	sadd.s32 $0x780, s21  }
0x31e: {  	[tilespmem:s20], [sflag:$0x1] =	stream.linear.gather [hbm4b:s19+s3], $0x10, $0x38;
	[tilespmem:$0xC200] =	vst v63  }
0x31f: {  	s19 =	sadd.s32 $0x40, s18;
	s20 =	sadd.s32 $0x800, s21  }
0x320: {  	[tilespmem:s20], [sflag:$0x1] =	stream.linear.gather [hbm4b:s19+s3], $0x10, $0x38;
	[tilespmem:$0xC200] =	vst v63  }
.Ltmp8:
0x321: {  	s19 =	sadd.s32 $0x50, s18;
	s20 =	sadd.s32 $0x880, s21;
	(pc) =	sbr.rel @p0 .LBB2_19-.Ltmp8, $4  }
0x322: {  	[tilespmem:s20], [sflag:$0x1] =	stream.linear.gather [hbm4b:s19+s3], $0x10, $0x38;
	[tilespmem:$0xC200] =	vst v63  }
0x323: {  	s19 =	sadd.s32 $0x60, s18;
	s20 =	sadd.s32 $0x900, s21;
	s21 =	sadd.s32 $0x980, s21  }
0x324: {  	[tilespmem:s20], [sflag:$0x1] =	stream.linear.gather [hbm4b:s19+s3], $0x10, $0x38;
	[tilespmem:$0xC200] =	vst v63  }
0x325: {  	s20 =	sadd.s32 $0x70, s18;
	s18 =	sadd.s32 $0xF4280, s18;
	s19 =	smov.u32 s22  }
0x326: {  	[tilespmem:s21], [sflag:$0x1] =	stream.linear.gather [hbm4b:s20+s3], $0x10, $0x38;
	(v2sf) =	vpush v0, $0x9;
	[tilespmem:$0xC200] =	vst v63  }
0x327: {  	s19 =	sadd.s32 $0x600, s17  }
0x328: {  	[tilespmem:s19], [sflag:$0x1] =	stream.linear.gather [hbm4b:s18+s3], $0x10, $0x38;
	[tilespmem:$0xC200] =	vst v63  }
0x329: {  	s25 =	sadd.s32 $0x10, s18;
	s26 =	sadd.s32 $0x680, s17  }
0x32a: {  	[tilespmem:s26], [sflag:$0x1] =	stream.linear.gather [hbm4b:s25+s3], $0x10, $0x38;
	[tilespmem:$0xC200] =	vst v63  }
0x32b: {  	s28 =	sadd.s32 $0x20, s18;
	s29 =	sadd.s32 $0x700, s17  }
0x32c: {  	[tilespmem:s29], [sflag:$0x1] =	stream.linear.gather [hbm4b:s28+s3], $0x10, $0x38;
	[tilespmem:$0xC200] =	vst v63  }
0x32d: {  	s30 =	sadd.s32 $0x30, s18;
	s31 =	sadd.s32 $0x780, s17  }
0x32e: {  	[tilespmem:s31], [sflag:$0x1] =	stream.linear.gather [hbm4b:s30+s3], $0x10, $0x38;
	[tilespmem:$0xC200] =	vst v63  }
0x32f: {  	s20 =	sadd.s32 $0x40, s18;
	s21 =	sadd.s32 $0x800, s17  }
0x330: {  	[tilespmem:s21], [sflag:$0x1] =	stream.linear.gather [hbm4b:s20+s3], $0x10, $0x38;
	[tilespmem:$0xC200] =	vst v63  }
0x331: {  	s22 =	sadd.s32 $0x50, s18;
	s23 =	sadd.s32 $0x880, s17  }
0x332: {  	[tilespmem:s23], [sflag:$0x1] =	stream.linear.gather [hbm4b:s22+s3], $0x10, $0x38;
	[tilespmem:$0xC200] =	vst v63  }
0x333: {  	s24 =	sadd.s32 $0x60, s18;
	s25 =	sadd.s32 $0x900, s17  }
0x334: {  	[tilespmem:s25], [sflag:$0x1] =	stream.linear.gather [hbm4b:s24+s3], $0x10, $0x38;
	[tilespmem:$0xC200] =	vst v63  }
0x335: {  	s26 =	sadd.s32 $0x70, s18;
	s28 =	sadd.s32 $0x980, s17;
	s29 =	spop (v2sf)  }
0x336: {  	[tilespmem:s28], [sflag:$0x1] =	stream.linear.gather [hbm4b:s26+s3], $0x10, $0x38;
	[tilespmem:$0xC200] =	vst v63  }
0x337: {  	s30 =	sshll.u32 s29, $0x3  }
0x338: {  	s17 =	sand.u32 $0x70, s29;
	s18 =	sand.u32 $0xFFFFFC00, s30  }
0x339: {  	s17 =	sor.u32 s17, s18  }
0x33a: {  	s17 =	sshrl.u32 s17, $0x3  }
0x33b: {  	s31 =	simm.s32 $0x610;
	s18 =	sadd.s32 s0, s17  }
0x33c: {  	[tilespmem:s31], [sflag:$0x2] =	stream.linear.gather [hbm4b:s18+s3], $0x10, $0x38;
	[tilespmem:$0xC200] =	vst v63  }
0x33d: {  	s20 =	simm.s32 $0x690;
	s19 =	sadd.s32 $0x10, s18  }
0x33e: {  	[tilespmem:s20], [sflag:$0x2] =	stream.linear.gather [hbm4b:s19+s3], $0x10, $0x38;
	[tilespmem:$0xC200] =	vst v63  }
0x33f: {  	s22 =	simm.s32 $0x710;
	s24 =	simm.s32 $0x790;
	s21 =	sadd.s32 $0x20, s18  }
0x340: {  	[tilespmem:s22], [sflag:$0x2] =	stream.linear.gather [hbm4b:s21+s3], $0x10, $0x38;
	[tilespmem:$0xC200] =	vst v63  }
0x341: {  	s26 =	simm.s32 $0x810;
	s29 =	simm.s32 $0x890;
	s23 =	sadd.s32 $0x30, s18  }
0x342: {  	[tilespmem:s24], [sflag:$0x2] =	stream.linear.gather [hbm4b:s23+s3], $0x10, $0x38;
	[tilespmem:$0xC200] =	vst v63  }
0x343: {  	s17 =	simm.s32 $0x800;
	s25 =	sadd.s32 $0x40, s18;
	s28 =	sadd.s32 $0x50, s18  }
0x344: {  	[tilespmem:s26], [sflag:$0x2] =	stream.linear.gather [hbm4b:s25+s3], $0x10, $0x38;
	[tilespmem:$0xC200] =	vst v63  }
0x345: {  	s30 =	sadd.s32 $0x60, s18;
	s31 =	simm.s32 $0x910;
	s19 =	simm.s32 $0x4000  }
0x346: {  	[tilespmem:s29], [sflag:$0x2] =	stream.linear.gather [hbm4b:s28+s3], $0x10, $0x38;
	[tilespmem:$0xC200] =	vst v63  }
0x347: {  	s20 =	sadd.s32 $0x70, s18;
	s18 =	sadd.s32 $0xF4280, s18;
	s21 =	simm.s32 $0x990  }
0x348: {  	[tilespmem:s31], [sflag:$0x2] =	stream.linear.gather [hbm4b:s30+s3], $0x10, $0x38;
	[tilespmem:$0xC200] =	vst v63  }
.LBB2_21:
0x349: {  	[tilespmem:s21], [sflag:$0x2] =	stream.linear.gather [hbm4b:s20+s3], $0x10, $0x38;
	[tilespmem:$0xC200] =	vst v63  }
0x34a: {  	s21 =	smov.u32 s17;
	s17 =	smov.u32 s19  }
0x34b: {  	s22 =	sadd.s32 $0x2000, s19;
	s17 =	sshra.s32 s17, $0x2;
	s20 =	sadd.s32 $0x610, s21  }
0x34c: {  	[tilespmem:s20], [sflag:$0x2] =	stream.linear.gather [hbm4b:s18+s3], $0x10, $0x38;
	[tilespmem:$0xC200] =	vst v63  }
0x34d: {  	p0 =	sne.s32 s19, $0xE000;
	s19 =	sadd.s32 $0x10, s18;
	s20 =	sadd.s32 $0x690, s21  }
0x34e: {  	[tilespmem:s20], [sflag:$0x2] =	stream.linear.gather [hbm4b:s19+s3], $0x10, $0x38;
	[tilespmem:$0xC200] =	vst v63  }
0x34f: {  	s19 =	sadd.s32 $0x20, s18;
	s20 =	sadd.s32 $0x710, s21  }
0x350: {  	[tilespmem:s20], [sflag:$0x2] =	stream.linear.gather [hbm4b:s19+s3], $0x10, $0x38;
	[tilespmem:$0xC200] =	vst v63  }
0x351: {  	s19 =	sadd.s32 $0x30, s18;
	s20 =	sadd.s32 $0x790, s21  }
0x352: {  	[tilespmem:s20], [sflag:$0x2] =	stream.linear.gather [hbm4b:s19+s3], $0x10, $0x38;
	[tilespmem:$0xC200] =	vst v63  }
0x353: {  	s19 =	sadd.s32 $0x40, s18;
	s20 =	sadd.s32 $0x810, s21  }
0x354: {  	[tilespmem:s20], [sflag:$0x2] =	stream.linear.gather [hbm4b:s19+s3], $0x10, $0x38;
	[tilespmem:$0xC200] =	vst v63  }
.Ltmp9:
0x355: {  	s19 =	sadd.s32 $0x50, s18;
	s20 =	sadd.s32 $0x890, s21;
	(pc) =	sbr.rel @p0 .LBB2_21-.Ltmp9, $4  }
0x356: {  	[tilespmem:s20], [sflag:$0x2] =	stream.linear.gather [hbm4b:s19+s3], $0x10, $0x38;
	[tilespmem:$0xC200] =	vst v63  }
0x357: {  	s19 =	sadd.s32 $0x60, s18;
	s20 =	sadd.s32 $0x910, s21;
	s21 =	sadd.s32 $0x990, s21  }
0x358: {  	[tilespmem:s20], [sflag:$0x2] =	stream.linear.gather [hbm4b:s19+s3], $0x10, $0x38;
	[tilespmem:$0xC200] =	vst v63  }
0x359: {  	s20 =	sadd.s32 $0x70, s18;
	s18 =	sadd.s32 $0xF4280, s18;
	s19 =	smov.u32 s22  }
0x35a: {  	[tilespmem:s21], [sflag:$0x2] =	stream.linear.gather [hbm4b:s20+s3], $0x10, $0x38;
	(v2sf) =	vpush v0, $0xA;
	[tilespmem:$0xC200] =	vst v63  }
0x35b: {  	s19 =	sadd.s32 $0x610, s17  }
0x35c: {  	[tilespmem:s19], [sflag:$0x2] =	stream.linear.gather [hbm4b:s18+s3], $0x10, $0x38;
	[tilespmem:$0xC200] =	vst v63  }
0x35d: {  	s25 =	sadd.s32 $0x10, s18;
	s26 =	sadd.s32 $0x690, s17  }
0x35e: {  	[tilespmem:s26], [sflag:$0x2] =	stream.linear.gather [hbm4b:s25+s3], $0x10, $0x38;
	[tilespmem:$0xC200] =	vst v63  }
0x35f: {  	s28 =	sadd.s32 $0x20, s18;
	s29 =	sadd.s32 $0x710, s17  }
0x360: {  	[tilespmem:s29], [sflag:$0x2] =	stream.linear.gather [hbm4b:s28+s3], $0x10, $0x38;
	[tilespmem:$0xC200] =	vst v63  }
0x361: {  	s30 =	sadd.s32 $0x30, s18;
	s31 =	sadd.s32 $0x790, s17  }
0x362: {  	[tilespmem:s31], [sflag:$0x2] =	stream.linear.gather [hbm4b:s30+s3], $0x10, $0x38;
	[tilespmem:$0xC200] =	vst v63  }
0x363: {  	s20 =	sadd.s32 $0x40, s18;
	s21 =	sadd.s32 $0x810, s17  }
0x364: {  	[tilespmem:s21], [sflag:$0x2] =	stream.linear.gather [hbm4b:s20+s3], $0x10, $0x38;
	[tilespmem:$0xC200] =	vst v63  }
0x365: {  	s22 =	sadd.s32 $0x50, s18;
	s23 =	sadd.s32 $0x890, s17  }
0x366: {  	[tilespmem:s23], [sflag:$0x2] =	stream.linear.gather [hbm4b:s22+s3], $0x10, $0x38;
	[tilespmem:$0xC200] =	vst v63  }
0x367: {  	s24 =	sadd.s32 $0x60, s18;
	s25 =	sadd.s32 $0x910, s17  }
0x368: {  	[tilespmem:s25], [sflag:$0x2] =	stream.linear.gather [hbm4b:s24+s3], $0x10, $0x38;
	[tilespmem:$0xC200] =	vst v63  }
0x369: {  	s26 =	sadd.s32 $0x70, s18;
	s28 =	sadd.s32 $0x990, s17;
	s29 =	spop (v2sf)  }
0x36a: {  	[tilespmem:s28], [sflag:$0x2] =	stream.linear.gather [hbm4b:s26+s3], $0x10, $0x38;
	[tilespmem:$0xC200] =	vst v63  }
0x36b: {  	s30 =	sshll.u32 s29, $0x3  }
0x36c: {  	s17 =	sand.u32 $0x70, s29;
	s18 =	sand.u32 $0xFFFFFC00, s30  }
0x36d: {  	s17 =	sor.u32 s17, s18  }
0x36e: {  	s17 =	sshrl.u32 s17, $0x3  }
0x36f: {  	s31 =	simm.s32 $0x620;
	s18 =	sadd.s32 s0, s17  }
0x370: {  	[tilespmem:s31], [sflag:$0x1] =	stream.linear.gather [hbm4b:s18+s3], $0x10, $0x38;
	[tilespmem:$0xC200] =	vst v63  }
0x371: {  	s20 =	simm.s32 $0x6A0;
	s19 =	sadd.s32 $0x10, s18  }
0x372: {  	[tilespmem:s20], [sflag:$0x1] =	stream.linear.gather [hbm4b:s19+s3], $0x10, $0x38;
	[tilespmem:$0xC200] =	vst v63  }
0x373: {  	s22 =	simm.s32 $0x720;
	s24 =	simm.s32 $0x7A0;
	s21 =	sadd.s32 $0x20, s18  }
0x374: {  	[tilespmem:s22], [sflag:$0x1] =	stream.linear.gather [hbm4b:s21+s3], $0x10, $0x38;
	[tilespmem:$0xC200] =	vst v63  }
0x375: {  	s26 =	simm.s32 $0x820;
	s29 =	simm.s32 $0x8A0;
	s23 =	sadd.s32 $0x30, s18  }
0x376: {  	[tilespmem:s24], [sflag:$0x1] =	stream.linear.gather [hbm4b:s23+s3], $0x10, $0x38;
	[tilespmem:$0xC200] =	vst v63  }
0x377: {  	s17 =	simm.s32 $0x800;
	s25 =	sadd.s32 $0x40, s18;
	s28 =	sadd.s32 $0x50, s18  }
0x378: {  	[tilespmem:s26], [sflag:$0x1] =	stream.linear.gather [hbm4b:s25+s3], $0x10, $0x38;
	[tilespmem:$0xC200] =	vst v63  }
0x379: {  	s30 =	sadd.s32 $0x60, s18;
	s31 =	simm.s32 $0x920;
	s19 =	simm.s32 $0x4000  }
0x37a: {  	[tilespmem:s29], [sflag:$0x1] =	stream.linear.gather [hbm4b:s28+s3], $0x10, $0x38;
	[tilespmem:$0xC200] =	vst v63  }
0x37b: {  	s20 =	sadd.s32 $0x70, s18;
	s18 =	sadd.s32 $0xF4280, s18;
	s21 =	simm.s32 $0x9A0  }
0x37c: {  	[tilespmem:s31], [sflag:$0x1] =	stream.linear.gather [hbm4b:s30+s3], $0x10, $0x38;
	[tilespmem:$0xC200] =	vst v63  }
.LBB2_23:
0x37d: {  	[tilespmem:s21], [sflag:$0x1] =	stream.linear.gather [hbm4b:s20+s3], $0x10, $0x38;
	[tilespmem:$0xC200] =	vst v63  }
0x37e: {  	s21 =	smov.u32 s17;
	s17 =	smov.u32 s19  }
0x37f: {  	s22 =	sadd.s32 $0x2000, s19;
	s17 =	sshra.s32 s17, $0x2;
	s20 =	sadd.s32 $0x620, s21  }
0x380: {  	[tilespmem:s20], [sflag:$0x1] =	stream.linear.gather [hbm4b:s18+s3], $0x10, $0x38;
	[tilespmem:$0xC200] =	vst v63  }
0x381: {  	p0 =	sne.s32 s19, $0xE000;
	s19 =	sadd.s32 $0x10, s18;
	s20 =	sadd.s32 $0x6A0, s21  }
0x382: {  	[tilespmem:s20], [sflag:$0x1] =	stream.linear.gather [hbm4b:s19+s3], $0x10, $0x38;
	[tilespmem:$0xC200] =	vst v63  }
0x383: {  	s19 =	sadd.s32 $0x20, s18;
	s20 =	sadd.s32 $0x720, s21  }
0x384: {  	[tilespmem:s20], [sflag:$0x1] =	stream.linear.gather [hbm4b:s19+s3], $0x10, $0x38;
	[tilespmem:$0xC200] =	vst v63  }
0x385: {  	s19 =	sadd.s32 $0x30, s18;
	s20 =	sadd.s32 $0x7A0, s21  }
0x386: {  	[tilespmem:s20], [sflag:$0x1] =	stream.linear.gather [hbm4b:s19+s3], $0x10, $0x38;
	[tilespmem:$0xC200] =	vst v63  }
0x387: {  	s19 =	sadd.s32 $0x40, s18;
	s20 =	sadd.s32 $0x820, s21  }
0x388: {  	[tilespmem:s20], [sflag:$0x1] =	stream.linear.gather [hbm4b:s19+s3], $0x10, $0x38;
	[tilespmem:$0xC200] =	vst v63  }
.Ltmp10:
0x389: {  	s19 =	sadd.s32 $0x50, s18;
	s20 =	sadd.s32 $0x8A0, s21;
	(pc) =	sbr.rel @p0 .LBB2_23-.Ltmp10, $4  }
0x38a: {  	[tilespmem:s20], [sflag:$0x1] =	stream.linear.gather [hbm4b:s19+s3], $0x10, $0x38;
	[tilespmem:$0xC200] =	vst v63  }
0x38b: {  	s19 =	sadd.s32 $0x60, s18;
	s20 =	sadd.s32 $0x920, s21;
	s21 =	sadd.s32 $0x9A0, s21  }
0x38c: {  	[tilespmem:s20], [sflag:$0x1] =	stream.linear.gather [hbm4b:s19+s3], $0x10, $0x38;
	[tilespmem:$0xC200] =	vst v63  }
0x38d: {  	s20 =	sadd.s32 $0x70, s18;
	s18 =	sadd.s32 $0xF4280, s18;
	s19 =	smov.u32 s22  }
0x38e: {  	[tilespmem:s21], [sflag:$0x1] =	stream.linear.gather [hbm4b:s20+s3], $0x10, $0x38;
	(v2sf) =	vpush v0, $0xB;
	[tilespmem:$0xC200] =	vst v63  }
0x38f: {  	s19 =	sadd.s32 $0x620, s17  }
0x390: {  	[tilespmem:s19], [sflag:$0x1] =	stream.linear.gather [hbm4b:s18+s3], $0x10, $0x38;
	[tilespmem:$0xC200] =	vst v63  }
0x391: {  	s25 =	sadd.s32 $0x10, s18;
	s26 =	sadd.s32 $0x6A0, s17  }
0x392: {  	[tilespmem:s26], [sflag:$0x1] =	stream.linear.gather [hbm4b:s25+s3], $0x10, $0x38;
	[tilespmem:$0xC200] =	vst v63  }
0x393: {  	s28 =	sadd.s32 $0x20, s18;
	s29 =	sadd.s32 $0x720, s17  }
0x394: {  	[tilespmem:s29], [sflag:$0x1] =	stream.linear.gather [hbm4b:s28+s3], $0x10, $0x38;
	[tilespmem:$0xC200] =	vst v63  }
0x395: {  	s30 =	sadd.s32 $0x30, s18;
	s31 =	sadd.s32 $0x7A0, s17  }
0x396: {  	[tilespmem:s31], [sflag:$0x1] =	stream.linear.gather [hbm4b:s30+s3], $0x10, $0x38;
	[tilespmem:$0xC200] =	vst v63  }
0x397: {  	s20 =	sadd.s32 $0x40, s18;
	s21 =	sadd.s32 $0x820, s17  }
0x398: {  	[tilespmem:s21], [sflag:$0x1] =	stream.linear.gather [hbm4b:s20+s3], $0x10, $0x38;
	[tilespmem:$0xC200] =	vst v63  }
0x399: {  	s22 =	sadd.s32 $0x50, s18;
	s23 =	sadd.s32 $0x8A0, s17  }
0x39a: {  	[tilespmem:s23], [sflag:$0x1] =	stream.linear.gather [hbm4b:s22+s3], $0x10, $0x38;
	[tilespmem:$0xC200] =	vst v63  }
0x39b: {  	s24 =	sadd.s32 $0x60, s18;
	s25 =	sadd.s32 $0x920, s17  }
0x39c: {  	[tilespmem:s25], [sflag:$0x1] =	stream.linear.gather [hbm4b:s24+s3], $0x10, $0x38;
	[tilespmem:$0xC200] =	vst v63  }
0x39d: {  	s26 =	sadd.s32 $0x70, s18;
	s28 =	sadd.s32 $0x9A0, s17;
	s29 =	spop (v2sf)  }
0x39e: {  	[tilespmem:s28], [sflag:$0x1] =	stream.linear.gather [hbm4b:s26+s3], $0x10, $0x38;
	[tilespmem:$0xC200] =	vst v63  }
0x39f: {  	s30 =	sshll.u32 s29, $0x3  }
0x3a0: {  	s17 =	sand.u32 $0x70, s29;
	s18 =	sand.u32 $0xFFFFFC00, s30  }
0x3a1: {  	s17 =	sor.u32 s17, s18  }
0x3a2: {  	s17 =	sshrl.u32 s17, $0x3  }
0x3a3: {  	s31 =	simm.s32 $0x630;
	s18 =	sadd.s32 s0, s17  }
0x3a4: {  	[tilespmem:s31], [sflag:$0x2] =	stream.linear.gather [hbm4b:s18+s3], $0x10, $0x38;
	[tilespmem:$0xC200] =	vst v63  }
0x3a5: {  	s20 =	simm.s32 $0x6B0;
	s19 =	sadd.s32 $0x10, s18  }
0x3a6: {  	[tilespmem:s20], [sflag:$0x2] =	stream.linear.gather [hbm4b:s19+s3], $0x10, $0x38;
	[tilespmem:$0xC200] =	vst v63  }
0x3a7: {  	s22 =	simm.s32 $0x730;
	s24 =	simm.s32 $0x7B0;
	s21 =	sadd.s32 $0x20, s18  }
0x3a8: {  	[tilespmem:s22], [sflag:$0x2] =	stream.linear.gather [hbm4b:s21+s3], $0x10, $0x38;
	[tilespmem:$0xC200] =	vst v63  }
0x3a9: {  	s26 =	simm.s32 $0x830;
	s29 =	simm.s32 $0x8B0;
	s23 =	sadd.s32 $0x30, s18  }
0x3aa: {  	[tilespmem:s24], [sflag:$0x2] =	stream.linear.gather [hbm4b:s23+s3], $0x10, $0x38;
	[tilespmem:$0xC200] =	vst v63  }
0x3ab: {  	s17 =	simm.s32 $0x800;
	s25 =	sadd.s32 $0x40, s18;
	s28 =	sadd.s32 $0x50, s18  }
0x3ac: {  	[tilespmem:s26], [sflag:$0x2] =	stream.linear.gather [hbm4b:s25+s3], $0x10, $0x38;
	[tilespmem:$0xC200] =	vst v63  }
0x3ad: {  	s30 =	sadd.s32 $0x60, s18;
	s31 =	simm.s32 $0x930;
	s19 =	simm.s32 $0x4000  }
0x3ae: {  	[tilespmem:s29], [sflag:$0x2] =	stream.linear.gather [hbm4b:s28+s3], $0x10, $0x38;
	[tilespmem:$0xC200] =	vst v63  }
0x3af: {  	s20 =	sadd.s32 $0x70, s18;
	s18 =	sadd.s32 $0xF4280, s18;
	s21 =	simm.s32 $0x9B0  }
0x3b0: {  	[tilespmem:s31], [sflag:$0x2] =	stream.linear.gather [hbm4b:s30+s3], $0x10, $0x38;
	[tilespmem:$0xC200] =	vst v63  }
.LBB2_25:
0x3b1: {  	[tilespmem:s21], [sflag:$0x2] =	stream.linear.gather [hbm4b:s20+s3], $0x10, $0x38;
	[tilespmem:$0xC200] =	vst v63  }
0x3b2: {  	s21 =	smov.u32 s17;
	s17 =	smov.u32 s19  }
0x3b3: {  	s22 =	sadd.s32 $0x2000, s19;
	s17 =	sshra.s32 s17, $0x2;
	s20 =	sadd.s32 $0x630, s21  }
0x3b4: {  	[tilespmem:s20], [sflag:$0x2] =	stream.linear.gather [hbm4b:s18+s3], $0x10, $0x38;
	[tilespmem:$0xC200] =	vst v63  }
0x3b5: {  	p0 =	sne.s32 s19, $0xE000;
	s19 =	sadd.s32 $0x10, s18;
	s20 =	sadd.s32 $0x6B0, s21  }
0x3b6: {  	[tilespmem:s20], [sflag:$0x2] =	stream.linear.gather [hbm4b:s19+s3], $0x10, $0x38;
	[tilespmem:$0xC200] =	vst v63  }
0x3b7: {  	s19 =	sadd.s32 $0x20, s18;
	s20 =	sadd.s32 $0x730, s21  }
0x3b8: {  	[tilespmem:s20], [sflag:$0x2] =	stream.linear.gather [hbm4b:s19+s3], $0x10, $0x38;
	[tilespmem:$0xC200] =	vst v63  }
0x3b9: {  	s19 =	sadd.s32 $0x30, s18;
	s20 =	sadd.s32 $0x7B0, s21  }
0x3ba: {  	[tilespmem:s20], [sflag:$0x2] =	stream.linear.gather [hbm4b:s19+s3], $0x10, $0x38;
	[tilespmem:$0xC200] =	vst v63  }
0x3bb: {  	s19 =	sadd.s32 $0x40, s18;
	s20 =	sadd.s32 $0x830, s21  }
0x3bc: {  	[tilespmem:s20], [sflag:$0x2] =	stream.linear.gather [hbm4b:s19+s3], $0x10, $0x38;
	[tilespmem:$0xC200] =	vst v63  }
.Ltmp11:
0x3bd: {  	s19 =	sadd.s32 $0x50, s18;
	s20 =	sadd.s32 $0x8B0, s21;
	(pc) =	sbr.rel @p0 .LBB2_25-.Ltmp11, $4  }
0x3be: {  	[tilespmem:s20], [sflag:$0x2] =	stream.linear.gather [hbm4b:s19+s3], $0x10, $0x38;
	[tilespmem:$0xC200] =	vst v63  }
0x3bf: {  	s19 =	sadd.s32 $0x60, s18;
	s20 =	sadd.s32 $0x930, s21;
	s21 =	sadd.s32 $0x9B0, s21  }
0x3c0: {  	[tilespmem:s20], [sflag:$0x2] =	stream.linear.gather [hbm4b:s19+s3], $0x10, $0x38;
	[tilespmem:$0xC200] =	vst v63  }
0x3c1: {  	s20 =	sadd.s32 $0x70, s18;
	s18 =	sadd.s32 $0xF4280, s18;
	s19 =	smov.u32 s22  }
0x3c2: {  	[tilespmem:s21], [sflag:$0x2] =	stream.linear.gather [hbm4b:s20+s3], $0x10, $0x38;
	(v2sf) =	vpush v0, $0xC;
	[tilespmem:$0xC200] =	vst v63  }
0x3c3: {  	s19 =	sadd.s32 $0x630, s17  }
0x3c4: {  	[tilespmem:s19], [sflag:$0x2] =	stream.linear.gather [hbm4b:s18+s3], $0x10, $0x38;
	[tilespmem:$0xC200] =	vst v63  }
0x3c5: {  	s25 =	sadd.s32 $0x10, s18;
	s26 =	sadd.s32 $0x6B0, s17  }
0x3c6: {  	[tilespmem:s26], [sflag:$0x2] =	stream.linear.gather [hbm4b:s25+s3], $0x10, $0x38;
	[tilespmem:$0xC200] =	vst v63  }
0x3c7: {  	s28 =	sadd.s32 $0x20, s18;
	s29 =	sadd.s32 $0x730, s17  }
0x3c8: {  	[tilespmem:s29], [sflag:$0x2] =	stream.linear.gather [hbm4b:s28+s3], $0x10, $0x38;
	[tilespmem:$0xC200] =	vst v63  }
0x3c9: {  	s30 =	sadd.s32 $0x30, s18;
	s31 =	sadd.s32 $0x7B0, s17  }
0x3ca: {  	[tilespmem:s31], [sflag:$0x2] =	stream.linear.gather [hbm4b:s30+s3], $0x10, $0x38;
	[tilespmem:$0xC200] =	vst v63  }
0x3cb: {  	s20 =	sadd.s32 $0x40, s18;
	s21 =	sadd.s32 $0x830, s17  }
0x3cc: {  	[tilespmem:s21], [sflag:$0x2] =	stream.linear.gather [hbm4b:s20+s3], $0x10, $0x38;
	[tilespmem:$0xC200] =	vst v63  }
0x3cd: {  	s22 =	sadd.s32 $0x50, s18;
	s23 =	sadd.s32 $0x8B0, s17  }
0x3ce: {  	[tilespmem:s23], [sflag:$0x2] =	stream.linear.gather [hbm4b:s22+s3], $0x10, $0x38;
	[tilespmem:$0xC200] =	vst v63  }
0x3cf: {  	s24 =	sadd.s32 $0x60, s18;
	s25 =	sadd.s32 $0x930, s17  }
0x3d0: {  	[tilespmem:s25], [sflag:$0x2] =	stream.linear.gather [hbm4b:s24+s3], $0x10, $0x38;
	[tilespmem:$0xC200] =	vst v63  }
0x3d1: {  	s26 =	sadd.s32 $0x70, s18;
	s28 =	sadd.s32 $0x9B0, s17;
	s29 =	spop (v2sf)  }
0x3d2: {  	[tilespmem:s28], [sflag:$0x2] =	stream.linear.gather [hbm4b:s26+s3], $0x10, $0x38;
	[tilespmem:$0xC200] =	vst v63  }
0x3d3: {  	s30 =	sshll.u32 s29, $0x3  }
0x3d4: {  	s17 =	sand.u32 $0x70, s29;
	s18 =	sand.u32 $0xFFFFFC00, s30  }
0x3d5: {  	s17 =	sor.u32 s17, s18  }
0x3d6: {  	s17 =	sshrl.u32 s17, $0x3  }
0x3d7: {  	s31 =	simm.s32 $0x640;
	s18 =	sadd.s32 s0, s17  }
0x3d8: {  	[tilespmem:s31], [sflag:$0x1] =	stream.linear.gather [hbm4b:s18+s3], $0x10, $0x38;
	[tilespmem:$0xC200] =	vst v63  }
0x3d9: {  	s20 =	simm.s32 $0x6C0;
	s19 =	sadd.s32 $0x10, s18  }
0x3da: {  	[tilespmem:s20], [sflag:$0x1] =	stream.linear.gather [hbm4b:s19+s3], $0x10, $0x38;
	[tilespmem:$0xC200] =	vst v63  }
0x3db: {  	s22 =	simm.s32 $0x740;
	s24 =	simm.s32 $0x7C0;
	s21 =	sadd.s32 $0x20, s18  }
0x3dc: {  	[tilespmem:s22], [sflag:$0x1] =	stream.linear.gather [hbm4b:s21+s3], $0x10, $0x38;
	[tilespmem:$0xC200] =	vst v63  }
0x3dd: {  	s26 =	simm.s32 $0x840;
	s29 =	simm.s32 $0x8C0;
	s23 =	sadd.s32 $0x30, s18  }
0x3de: {  	[tilespmem:s24], [sflag:$0x1] =	stream.linear.gather [hbm4b:s23+s3], $0x10, $0x38;
	[tilespmem:$0xC200] =	vst v63  }
0x3df: {  	s17 =	simm.s32 $0x800;
	s25 =	sadd.s32 $0x40, s18;
	s28 =	sadd.s32 $0x50, s18  }
0x3e0: {  	[tilespmem:s26], [sflag:$0x1] =	stream.linear.gather [hbm4b:s25+s3], $0x10, $0x38;
	[tilespmem:$0xC200] =	vst v63  }
0x3e1: {  	s30 =	sadd.s32 $0x60, s18;
	s31 =	simm.s32 $0x940;
	s19 =	simm.s32 $0x4000  }
0x3e2: {  	[tilespmem:s29], [sflag:$0x1] =	stream.linear.gather [hbm4b:s28+s3], $0x10, $0x38;
	[tilespmem:$0xC200] =	vst v63  }
0x3e3: {  	s20 =	sadd.s32 $0x70, s18;
	s18 =	sadd.s32 $0xF4280, s18;
	s21 =	simm.s32 $0x9C0  }
0x3e4: {  	[tilespmem:s31], [sflag:$0x1] =	stream.linear.gather [hbm4b:s30+s3], $0x10, $0x38;
	[tilespmem:$0xC200] =	vst v63  }
.LBB2_27:
0x3e5: {  	[tilespmem:s21], [sflag:$0x1] =	stream.linear.gather [hbm4b:s20+s3], $0x10, $0x38;
	[tilespmem:$0xC200] =	vst v63  }
0x3e6: {  	s21 =	smov.u32 s17;
	s17 =	smov.u32 s19  }
0x3e7: {  	s22 =	sadd.s32 $0x2000, s19;
	s17 =	sshra.s32 s17, $0x2;
	s20 =	sadd.s32 $0x640, s21  }
0x3e8: {  	[tilespmem:s20], [sflag:$0x1] =	stream.linear.gather [hbm4b:s18+s3], $0x10, $0x38;
	[tilespmem:$0xC200] =	vst v63  }
0x3e9: {  	p0 =	sne.s32 s19, $0xE000;
	s19 =	sadd.s32 $0x10, s18;
	s20 =	sadd.s32 $0x6C0, s21  }
0x3ea: {  	[tilespmem:s20], [sflag:$0x1] =	stream.linear.gather [hbm4b:s19+s3], $0x10, $0x38;
	[tilespmem:$0xC200] =	vst v63  }
0x3eb: {  	s19 =	sadd.s32 $0x20, s18;
	s20 =	sadd.s32 $0x740, s21  }
0x3ec: {  	[tilespmem:s20], [sflag:$0x1] =	stream.linear.gather [hbm4b:s19+s3], $0x10, $0x38;
	[tilespmem:$0xC200] =	vst v63  }
0x3ed: {  	s19 =	sadd.s32 $0x30, s18;
	s20 =	sadd.s32 $0x7C0, s21  }
0x3ee: {  	[tilespmem:s20], [sflag:$0x1] =	stream.linear.gather [hbm4b:s19+s3], $0x10, $0x38;
	[tilespmem:$0xC200] =	vst v63  }
0x3ef: {  	s19 =	sadd.s32 $0x40, s18;
	s20 =	sadd.s32 $0x840, s21  }
0x3f0: {  	[tilespmem:s20], [sflag:$0x1] =	stream.linear.gather [hbm4b:s19+s3], $0x10, $0x38;
	[tilespmem:$0xC200] =	vst v63  }
.Ltmp12:
0x3f1: {  	s19 =	sadd.s32 $0x50, s18;
	s20 =	sadd.s32 $0x8C0, s21;
	(pc) =	sbr.rel @p0 .LBB2_27-.Ltmp12, $4  }
0x3f2: {  	[tilespmem:s20], [sflag:$0x1] =	stream.linear.gather [hbm4b:s19+s3], $0x10, $0x38;
	[tilespmem:$0xC200] =	vst v63  }
0x3f3: {  	s19 =	sadd.s32 $0x60, s18;
	s20 =	sadd.s32 $0x940, s21;
	s21 =	sadd.s32 $0x9C0, s21  }
0x3f4: {  	[tilespmem:s20], [sflag:$0x1] =	stream.linear.gather [hbm4b:s19+s3], $0x10, $0x38;
	[tilespmem:$0xC200] =	vst v63  }
0x3f5: {  	s20 =	sadd.s32 $0x70, s18;
	s18 =	sadd.s32 $0xF4280, s18;
	s19 =	smov.u32 s22  }
0x3f6: {  	[tilespmem:s21], [sflag:$0x1] =	stream.linear.gather [hbm4b:s20+s3], $0x10, $0x38;
	(v2sf) =	vpush v0, $0xD;
	[tilespmem:$0xC200] =	vst v63  }
0x3f7: {  	s19 =	sadd.s32 $0x640, s17  }
0x3f8: {  	[tilespmem:s19], [sflag:$0x1] =	stream.linear.gather [hbm4b:s18+s3], $0x10, $0x38;
	[tilespmem:$0xC200] =	vst v63  }
0x3f9: {  	s25 =	sadd.s32 $0x10, s18;
	s26 =	sadd.s32 $0x6C0, s17  }
0x3fa: {  	[tilespmem:s26], [sflag:$0x1] =	stream.linear.gather [hbm4b:s25+s3], $0x10, $0x38;
	[tilespmem:$0xC200] =	vst v63  }
0x3fb: {  	s28 =	sadd.s32 $0x20, s18;
	s29 =	sadd.s32 $0x740, s17  }
0x3fc: {  	[tilespmem:s29], [sflag:$0x1] =	stream.linear.gather [hbm4b:s28+s3], $0x10, $0x38;
	[tilespmem:$0xC200] =	vst v63  }
0x3fd: {  	s30 =	sadd.s32 $0x30, s18;
	s31 =	sadd.s32 $0x7C0, s17  }
0x3fe: {  	[tilespmem:s31], [sflag:$0x1] =	stream.linear.gather [hbm4b:s30+s3], $0x10, $0x38;
	[tilespmem:$0xC200] =	vst v63  }
0x3ff: {  	s20 =	sadd.s32 $0x40, s18;
	s21 =	sadd.s32 $0x840, s17  }
0x400: {  	[tilespmem:s21], [sflag:$0x1] =	stream.linear.gather [hbm4b:s20+s3], $0x10, $0x38;
	[tilespmem:$0xC200] =	vst v63  }
0x401: {  	s22 =	sadd.s32 $0x50, s18;
	s23 =	sadd.s32 $0x8C0, s17  }
0x402: {  	[tilespmem:s23], [sflag:$0x1] =	stream.linear.gather [hbm4b:s22+s3], $0x10, $0x38;
	[tilespmem:$0xC200] =	vst v63  }
0x403: {  	s24 =	sadd.s32 $0x60, s18;
	s25 =	sadd.s32 $0x940, s17  }
0x404: {  	[tilespmem:s25], [sflag:$0x1] =	stream.linear.gather [hbm4b:s24+s3], $0x10, $0x38;
	[tilespmem:$0xC200] =	vst v63  }
0x405: {  	s26 =	sadd.s32 $0x70, s18;
	s28 =	sadd.s32 $0x9C0, s17;
	s29 =	spop (v2sf)  }
0x406: {  	[tilespmem:s28], [sflag:$0x1] =	stream.linear.gather [hbm4b:s26+s3], $0x10, $0x38;
	[tilespmem:$0xC200] =	vst v63  }
0x407: {  	s30 =	sshll.u32 s29, $0x3  }
0x408: {  	s17 =	sand.u32 $0x70, s29;
	s18 =	sand.u32 $0xFFFFFC00, s30  }
0x409: {  	s17 =	sor.u32 s17, s18  }
0x40a: {  	s17 =	sshrl.u32 s17, $0x3  }
0x40b: {  	s31 =	simm.s32 $0x650;
	s18 =	sadd.s32 s0, s17  }
0x40c: {  	[tilespmem:s31], [sflag:$0x2] =	stream.linear.gather [hbm4b:s18+s3], $0x10, $0x38;
	[tilespmem:$0xC200] =	vst v63  }
0x40d: {  	s20 =	simm.s32 $0x6D0;
	s19 =	sadd.s32 $0x10, s18  }
0x40e: {  	[tilespmem:s20], [sflag:$0x2] =	stream.linear.gather [hbm4b:s19+s3], $0x10, $0x38;
	[tilespmem:$0xC200] =	vst v63  }
0x40f: {  	s22 =	simm.s32 $0x750;
	s24 =	simm.s32 $0x7D0;
	s21 =	sadd.s32 $0x20, s18  }
0x410: {  	[tilespmem:s22], [sflag:$0x2] =	stream.linear.gather [hbm4b:s21+s3], $0x10, $0x38;
	[tilespmem:$0xC200] =	vst v63  }
0x411: {  	s26 =	simm.s32 $0x850;
	s29 =	simm.s32 $0x8D0;
	s23 =	sadd.s32 $0x30, s18  }
0x412: {  	[tilespmem:s24], [sflag:$0x2] =	stream.linear.gather [hbm4b:s23+s3], $0x10, $0x38;
	[tilespmem:$0xC200] =	vst v63  }
0x413: {  	s17 =	simm.s32 $0x800;
	s25 =	sadd.s32 $0x40, s18;
	s28 =	sadd.s32 $0x50, s18  }
0x414: {  	[tilespmem:s26], [sflag:$0x2] =	stream.linear.gather [hbm4b:s25+s3], $0x10, $0x38;
	[tilespmem:$0xC200] =	vst v63  }
0x415: {  	s30 =	sadd.s32 $0x60, s18;
	s31 =	simm.s32 $0x950;
	s19 =	simm.s32 $0x4000  }
0x416: {  	[tilespmem:s29], [sflag:$0x2] =	stream.linear.gather [hbm4b:s28+s3], $0x10, $0x38;
	[tilespmem:$0xC200] =	vst v63  }
0x417: {  	s20 =	sadd.s32 $0x70, s18;
	s18 =	sadd.s32 $0xF4280, s18;
	s21 =	simm.s32 $0x9D0  }
0x418: {  	[tilespmem:s31], [sflag:$0x2] =	stream.linear.gather [hbm4b:s30+s3], $0x10, $0x38;
	[tilespmem:$0xC200] =	vst v63  }
.LBB2_29:
0x419: {  	[tilespmem:s21], [sflag:$0x2] =	stream.linear.gather [hbm4b:s20+s3], $0x10, $0x38;
	[tilespmem:$0xC200] =	vst v63  }
0x41a: {  	s21 =	smov.u32 s17;
	s17 =	smov.u32 s19  }
0x41b: {  	s22 =	sadd.s32 $0x2000, s19;
	s17 =	sshra.s32 s17, $0x2;
	s20 =	sadd.s32 $0x650, s21  }
0x41c: {  	[tilespmem:s20], [sflag:$0x2] =	stream.linear.gather [hbm4b:s18+s3], $0x10, $0x38;
	[tilespmem:$0xC200] =	vst v63  }
0x41d: {  	p0 =	sne.s32 s19, $0xE000;
	s19 =	sadd.s32 $0x10, s18;
	s20 =	sadd.s32 $0x6D0, s21  }
0x41e: {  	[tilespmem:s20], [sflag:$0x2] =	stream.linear.gather [hbm4b:s19+s3], $0x10, $0x38;
	[tilespmem:$0xC200] =	vst v63  }
0x41f: {  	s19 =	sadd.s32 $0x20, s18;
	s20 =	sadd.s32 $0x750, s21  }
0x420: {  	[tilespmem:s20], [sflag:$0x2] =	stream.linear.gather [hbm4b:s19+s3], $0x10, $0x38;
	[tilespmem:$0xC200] =	vst v63  }
0x421: {  	s19 =	sadd.s32 $0x30, s18;
	s20 =	sadd.s32 $0x7D0, s21  }
0x422: {  	[tilespmem:s20], [sflag:$0x2] =	stream.linear.gather [hbm4b:s19+s3], $0x10, $0x38;
	[tilespmem:$0xC200] =	vst v63  }
0x423: {  	s19 =	sadd.s32 $0x40, s18;
	s20 =	sadd.s32 $0x850, s21  }
0x424: {  	[tilespmem:s20], [sflag:$0x2] =	stream.linear.gather [hbm4b:s19+s3], $0x10, $0x38;
	[tilespmem:$0xC200] =	vst v63  }
.Ltmp13:
0x425: {  	s19 =	sadd.s32 $0x50, s18;
	s20 =	sadd.s32 $0x8D0, s21;
	(pc) =	sbr.rel @p0 .LBB2_29-.Ltmp13, $4  }
0x426: {  	[tilespmem:s20], [sflag:$0x2] =	stream.linear.gather [hbm4b:s19+s3], $0x10, $0x38;
	[tilespmem:$0xC200] =	vst v63  }
0x427: {  	s19 =	sadd.s32 $0x60, s18;
	s20 =	sadd.s32 $0x950, s21;
	s21 =	sadd.s32 $0x9D0, s21  }
0x428: {  	[tilespmem:s20], [sflag:$0x2] =	stream.linear.gather [hbm4b:s19+s3], $0x10, $0x38;
	[tilespmem:$0xC200] =	vst v63  }
0x429: {  	s20 =	sadd.s32 $0x70, s18;
	s18 =	sadd.s32 $0xF4280, s18;
	s19 =	smov.u32 s22  }
0x42a: {  	[tilespmem:s21], [sflag:$0x2] =	stream.linear.gather [hbm4b:s20+s3], $0x10, $0x38;
	(v2sf) =	vpush v0, $0xE;
	[tilespmem:$0xC200] =	vst v63  }
0x42b: {  	s19 =	sadd.s32 $0x650, s17  }
0x42c: {  	[tilespmem:s19], [sflag:$0x2] =	stream.linear.gather [hbm4b:s18+s3], $0x10, $0x38;
	[tilespmem:$0xC200] =	vst v63  }
0x42d: {  	s25 =	sadd.s32 $0x10, s18;
	s26 =	sadd.s32 $0x6D0, s17  }
0x42e: {  	[tilespmem:s26], [sflag:$0x2] =	stream.linear.gather [hbm4b:s25+s3], $0x10, $0x38;
	[tilespmem:$0xC200] =	vst v63  }
0x42f: {  	s28 =	sadd.s32 $0x20, s18;
	s29 =	sadd.s32 $0x750, s17  }
0x430: {  	[tilespmem:s29], [sflag:$0x2] =	stream.linear.gather [hbm4b:s28+s3], $0x10, $0x38;
	[tilespmem:$0xC200] =	vst v63  }
0x431: {  	s30 =	sadd.s32 $0x30, s18;
	s31 =	sadd.s32 $0x7D0, s17  }
0x432: {  	[tilespmem:s31], [sflag:$0x2] =	stream.linear.gather [hbm4b:s30+s3], $0x10, $0x38;
	[tilespmem:$0xC200] =	vst v63  }
0x433: {  	s20 =	sadd.s32 $0x40, s18;
	s21 =	sadd.s32 $0x850, s17  }
0x434: {  	[tilespmem:s21], [sflag:$0x2] =	stream.linear.gather [hbm4b:s20+s3], $0x10, $0x38;
	[tilespmem:$0xC200] =	vst v63  }
0x435: {  	s22 =	sadd.s32 $0x50, s18;
	s23 =	sadd.s32 $0x8D0, s17  }
0x436: {  	[tilespmem:s23], [sflag:$0x2] =	stream.linear.gather [hbm4b:s22+s3], $0x10, $0x38;
	[tilespmem:$0xC200] =	vst v63  }
0x437: {  	s24 =	sadd.s32 $0x60, s18;
	s25 =	sadd.s32 $0x950, s17  }
0x438: {  	[tilespmem:s25], [sflag:$0x2] =	stream.linear.gather [hbm4b:s24+s3], $0x10, $0x38;
	[tilespmem:$0xC200] =	vst v63  }
0x439: {  	s26 =	sadd.s32 $0x70, s18;
	s28 =	sadd.s32 $0x9D0, s17;
	s29 =	spop (v2sf)  }
0x43a: {  	[tilespmem:s28], [sflag:$0x2] =	stream.linear.gather [hbm4b:s26+s3], $0x10, $0x38;
	[tilespmem:$0xC200] =	vst v63  }
0x43b: {  	s30 =	sshll.u32 s29, $0x3  }
0x43c: {  	s17 =	sand.u32 $0x70, s29;
	s18 =	sand.u32 $0xFFFFFC00, s30  }
0x43d: {  	s17 =	sor.u32 s17, s18  }
0x43e: {  	s17 =	sshrl.u32 s17, $0x3  }
0x43f: {  	s31 =	simm.s32 $0x660;
	s18 =	sadd.s32 s0, s17  }
0x440: {  	[tilespmem:s31], [sflag:$0x1] =	stream.linear.gather [hbm4b:s18+s3], $0x10, $0x38;
	[tilespmem:$0xC200] =	vst v63  }
0x441: {  	s20 =	simm.s32 $0x6E0;
	s19 =	sadd.s32 $0x10, s18  }
0x442: {  	[tilespmem:s20], [sflag:$0x1] =	stream.linear.gather [hbm4b:s19+s3], $0x10, $0x38;
	[tilespmem:$0xC200] =	vst v63  }
0x443: {  	s22 =	simm.s32 $0x760;
	s24 =	simm.s32 $0x7E0;
	s21 =	sadd.s32 $0x20, s18  }
0x444: {  	[tilespmem:s22], [sflag:$0x1] =	stream.linear.gather [hbm4b:s21+s3], $0x10, $0x38;
	[tilespmem:$0xC200] =	vst v63  }
0x445: {  	s26 =	simm.s32 $0x860;
	s29 =	simm.s32 $0x8E0;
	s23 =	sadd.s32 $0x30, s18  }
0x446: {  	[tilespmem:s24], [sflag:$0x1] =	stream.linear.gather [hbm4b:s23+s3], $0x10, $0x38;
	[tilespmem:$0xC200] =	vst v63  }
0x447: {  	s17 =	simm.s32 $0x800;
	s25 =	sadd.s32 $0x40, s18;
	s28 =	sadd.s32 $0x50, s18  }
0x448: {  	[tilespmem:s26], [sflag:$0x1] =	stream.linear.gather [hbm4b:s25+s3], $0x10, $0x38;
	[tilespmem:$0xC200] =	vst v63  }
0x449: {  	s30 =	sadd.s32 $0x60, s18;
	s31 =	simm.s32 $0x960;
	s19 =	simm.s32 $0x4000  }
0x44a: {  	[tilespmem:s29], [sflag:$0x1] =	stream.linear.gather [hbm4b:s28+s3], $0x10, $0x38;
	[tilespmem:$0xC200] =	vst v63  }
0x44b: {  	s20 =	sadd.s32 $0x70, s18;
	s18 =	sadd.s32 $0xF4280, s18;
	s21 =	simm.s32 $0x9E0  }
0x44c: {  	[tilespmem:s31], [sflag:$0x1] =	stream.linear.gather [hbm4b:s30+s3], $0x10, $0x38;
	[tilespmem:$0xC200] =	vst v63  }
.LBB2_31:
0x44d: {  	[tilespmem:s21], [sflag:$0x1] =	stream.linear.gather [hbm4b:s20+s3], $0x10, $0x38;
	[tilespmem:$0xC200] =	vst v63  }
0x44e: {  	s21 =	smov.u32 s17;
	s17 =	smov.u32 s19  }
0x44f: {  	s22 =	sadd.s32 $0x2000, s19;
	s17 =	sshra.s32 s17, $0x2;
	s20 =	sadd.s32 $0x660, s21  }
0x450: {  	[tilespmem:s20], [sflag:$0x1] =	stream.linear.gather [hbm4b:s18+s3], $0x10, $0x38;
	[tilespmem:$0xC200] =	vst v63  }
0x451: {  	p0 =	sne.s32 s19, $0xE000;
	s19 =	sadd.s32 $0x10, s18;
	s20 =	sadd.s32 $0x6E0, s21  }
0x452: {  	[tilespmem:s20], [sflag:$0x1] =	stream.linear.gather [hbm4b:s19+s3], $0x10, $0x38;
	[tilespmem:$0xC200] =	vst v63  }
0x453: {  	s19 =	sadd.s32 $0x20, s18;
	s20 =	sadd.s32 $0x760, s21  }
0x454: {  	[tilespmem:s20], [sflag:$0x1] =	stream.linear.gather [hbm4b:s19+s3], $0x10, $0x38;
	[tilespmem:$0xC200] =	vst v63  }
0x455: {  	s19 =	sadd.s32 $0x30, s18;
	s20 =	sadd.s32 $0x7E0, s21  }
0x456: {  	[tilespmem:s20], [sflag:$0x1] =	stream.linear.gather [hbm4b:s19+s3], $0x10, $0x38;
	[tilespmem:$0xC200] =	vst v63  }
0x457: {  	s19 =	sadd.s32 $0x40, s18;
	s20 =	sadd.s32 $0x860, s21  }
0x458: {  	[tilespmem:s20], [sflag:$0x1] =	stream.linear.gather [hbm4b:s19+s3], $0x10, $0x38;
	[tilespmem:$0xC200] =	vst v63  }
.Ltmp14:
0x459: {  	s19 =	sadd.s32 $0x50, s18;
	s20 =	sadd.s32 $0x8E0, s21;
	(pc) =	sbr.rel @p0 .LBB2_31-.Ltmp14, $4  }
0x45a: {  	[tilespmem:s20], [sflag:$0x1] =	stream.linear.gather [hbm4b:s19+s3], $0x10, $0x38;
	[tilespmem:$0xC200] =	vst v63  }
0x45b: {  	s19 =	sadd.s32 $0x60, s18;
	s20 =	sadd.s32 $0x960, s21;
	s21 =	sadd.s32 $0x9E0, s21  }
0x45c: {  	[tilespmem:s20], [sflag:$0x1] =	stream.linear.gather [hbm4b:s19+s3], $0x10, $0x38;
	[tilespmem:$0xC200] =	vst v63  }
0x45d: {  	s20 =	sadd.s32 $0x70, s18;
	s18 =	sadd.s32 $0xF4280, s18;
	s19 =	smov.u32 s22  }
0x45e: {  	[tilespmem:s21], [sflag:$0x1] =	stream.linear.gather [hbm4b:s20+s3], $0x10, $0x38;
	(v2sf) =	vpush v0, $0xF;
	[tilespmem:$0xC200] =	vst v63  }
0x45f: {  	s19 =	sadd.s32 $0x660, s17  }
0x460: {  	[tilespmem:s19], [sflag:$0x1] =	stream.linear.gather [hbm4b:s18+s3], $0x10, $0x38;
	[tilespmem:$0xC200] =	vst v63  }
0x461: {  	s25 =	sadd.s32 $0x10, s18;
	s26 =	sadd.s32 $0x6E0, s17  }
0x462: {  	[tilespmem:s26], [sflag:$0x1] =	stream.linear.gather [hbm4b:s25+s3], $0x10, $0x38;
	[tilespmem:$0xC200] =	vst v63  }
0x463: {  	s28 =	sadd.s32 $0x20, s18;
	s29 =	sadd.s32 $0x760, s17  }
0x464: {  	[tilespmem:s29], [sflag:$0x1] =	stream.linear.gather [hbm4b:s28+s3], $0x10, $0x38;
	[tilespmem:$0xC200] =	vst v63  }
0x465: {  	s30 =	sadd.s32 $0x30, s18;
	s31 =	sadd.s32 $0x7E0, s17  }
0x466: {  	[tilespmem:s31], [sflag:$0x1] =	stream.linear.gather [hbm4b:s30+s3], $0x10, $0x38;
	[tilespmem:$0xC200] =	vst v63  }
0x467: {  	s20 =	sadd.s32 $0x40, s18;
	s21 =	sadd.s32 $0x860, s17  }
0x468: {  	[tilespmem:s21], [sflag:$0x1] =	stream.linear.gather [hbm4b:s20+s3], $0x10, $0x38;
	[tilespmem:$0xC200] =	vst v63  }
0x469: {  	s22 =	sadd.s32 $0x50, s18;
	s23 =	sadd.s32 $0x8E0, s17  }
0x46a: {  	[tilespmem:s23], [sflag:$0x1] =	stream.linear.gather [hbm4b:s22+s3], $0x10, $0x38;
	[tilespmem:$0xC200] =	vst v63  }
0x46b: {  	s24 =	sadd.s32 $0x60, s18;
	s25 =	sadd.s32 $0x960, s17  }
0x46c: {  	[tilespmem:s25], [sflag:$0x1] =	stream.linear.gather [hbm4b:s24+s3], $0x10, $0x38;
	[tilespmem:$0xC200] =	vst v63  }
0x46d: {  	s26 =	sadd.s32 $0x70, s18;
	s28 =	sadd.s32 $0x9E0, s17;
	s29 =	spop (v2sf)  }
0x46e: {  	[tilespmem:s28], [sflag:$0x1] =	stream.linear.gather [hbm4b:s26+s3], $0x10, $0x38;
	[tilespmem:$0xC200] =	vst v63  }
0x46f: {  	s30 =	sshll.u32 s29, $0x3  }
0x470: {  	s17 =	sand.u32 $0x70, s29;
	s18 =	sand.u32 $0xFFFFFC00, s30  }
0x471: {  	s17 =	sor.u32 s17, s18  }
0x472: {  	s17 =	sshrl.u32 s17, $0x3  }
0x473: {  	s31 =	simm.s32 $0x670;
	s18 =	sadd.s32 s0, s17  }
0x474: {  	[tilespmem:s31], [sflag:$0x2] =	stream.linear.gather [hbm4b:s18+s3], $0x10, $0x38;
	[tilespmem:$0xC200] =	vst v63  }
0x475: {  	s20 =	simm.s32 $0x6F0;
	s19 =	sadd.s32 $0x10, s18  }
0x476: {  	[tilespmem:s20], [sflag:$0x2] =	stream.linear.gather [hbm4b:s19+s3], $0x10, $0x38;
	[tilespmem:$0xC200] =	vst v63  }
0x477: {  	s22 =	simm.s32 $0x770;
	s24 =	simm.s32 $0x7F0;
	s21 =	sadd.s32 $0x20, s18  }
0x478: {  	[tilespmem:s22], [sflag:$0x2] =	stream.linear.gather [hbm4b:s21+s3], $0x10, $0x38;
	[tilespmem:$0xC200] =	vst v63  }
0x479: {  	s26 =	simm.s32 $0x870;
	s29 =	simm.s32 $0x8F0;
	s23 =	sadd.s32 $0x30, s18  }
0x47a: {  	[tilespmem:s24], [sflag:$0x2] =	stream.linear.gather [hbm4b:s23+s3], $0x10, $0x38;
	[tilespmem:$0xC200] =	vst v63  }
0x47b: {  	s17 =	simm.s32 $0x800;
	s25 =	sadd.s32 $0x40, s18;
	s28 =	sadd.s32 $0x50, s18  }
0x47c: {  	[tilespmem:s26], [sflag:$0x2] =	stream.linear.gather [hbm4b:s25+s3], $0x10, $0x38;
	[tilespmem:$0xC200] =	vst v63  }
0x47d: {  	s30 =	sadd.s32 $0x60, s18;
	s31 =	simm.s32 $0x970;
	s19 =	simm.s32 $0x4000  }
0x47e: {  	[tilespmem:s29], [sflag:$0x2] =	stream.linear.gather [hbm4b:s28+s3], $0x10, $0x38;
	[tilespmem:$0xC200] =	vst v63  }
0x47f: {  	s20 =	sadd.s32 $0x70, s18;
	s18 =	sadd.s32 $0xF4280, s18;
	s21 =	simm.s32 $0x9F0  }
0x480: {  	[tilespmem:s31], [sflag:$0x2] =	stream.linear.gather [hbm4b:s30+s3], $0x10, $0x38;
	[tilespmem:$0xC200] =	vst v63  }
.LBB2_33:
0x481: {  	[tilespmem:s21], [sflag:$0x2] =	stream.linear.gather [hbm4b:s20+s3], $0x10, $0x38;
	[tilespmem:$0xC200] =	vst v63  }
0x482: {  	s21 =	smov.u32 s17;
	s17 =	smov.u32 s19  }
0x483: {  	s22 =	sadd.s32 $0x2000, s19;
	s17 =	sshra.s32 s17, $0x2;
	s20 =	sadd.s32 $0x670, s21  }
0x484: {  	[tilespmem:s20], [sflag:$0x2] =	stream.linear.gather [hbm4b:s18+s3], $0x10, $0x38;
	[tilespmem:$0xC200] =	vst v63  }
0x485: {  	p0 =	sne.s32 s19, $0xE000;
	s19 =	sadd.s32 $0x10, s18;
	s20 =	sadd.s32 $0x6F0, s21  }
0x486: {  	[tilespmem:s20], [sflag:$0x2] =	stream.linear.gather [hbm4b:s19+s3], $0x10, $0x38;
	[tilespmem:$0xC200] =	vst v63  }
0x487: {  	s19 =	sadd.s32 $0x20, s18;
	s20 =	sadd.s32 $0x770, s21  }
0x488: {  	[tilespmem:s20], [sflag:$0x2] =	stream.linear.gather [hbm4b:s19+s3], $0x10, $0x38;
	[tilespmem:$0xC200] =	vst v63  }
0x489: {  	s19 =	sadd.s32 $0x30, s18;
	s20 =	sadd.s32 $0x7F0, s21  }
0x48a: {  	[tilespmem:s20], [sflag:$0x2] =	stream.linear.gather [hbm4b:s19+s3], $0x10, $0x38;
	[tilespmem:$0xC200] =	vst v63  }
0x48b: {  	s19 =	sadd.s32 $0x40, s18;
	s20 =	sadd.s32 $0x870, s21  }
0x48c: {  	[tilespmem:s20], [sflag:$0x2] =	stream.linear.gather [hbm4b:s19+s3], $0x10, $0x38;
	[tilespmem:$0xC200] =	vst v63  }
.Ltmp15:
0x48d: {  	s19 =	sadd.s32 $0x50, s18;
	s20 =	sadd.s32 $0x8F0, s21;
	(pc) =	sbr.rel @p0 .LBB2_33-.Ltmp15, $4  }
0x48e: {  	[tilespmem:s20], [sflag:$0x2] =	stream.linear.gather [hbm4b:s19+s3], $0x10, $0x38;
	[tilespmem:$0xC200] =	vst v63  }
0x48f: {  	s19 =	sadd.s32 $0x60, s18;
	s20 =	sadd.s32 $0x970, s21;
	s21 =	sadd.s32 $0x9F0, s21  }
0x490: {  	[tilespmem:s20], [sflag:$0x2] =	stream.linear.gather [hbm4b:s19+s3], $0x10, $0x38;
	[tilespmem:$0xC200] =	vst v63  }
0x491: {  	s20 =	sadd.s32 $0x70, s18;
	s18 =	sadd.s32 $0xF4280, s18;
	s19 =	smov.u32 s22  }
0x492: {  	[tilespmem:s21], [sflag:$0x2] =	stream.linear.gather [hbm4b:s20+s3], $0x10, $0x38;
	[tilespmem:$0xC200] =	vst v63  }
0x493: {  	s19 =	sadd.s32 $0x670, s17  }
0x494: {  	[tilespmem:s19], [sflag:$0x2] =	stream.linear.gather [hbm4b:s18+s3], $0x10, $0x38;
	[tilespmem:$0xC200] =	vst v63  }
0x495: {  	s23 =	sadd.s32 $0x10, s18;
	s24 =	sadd.s32 $0x6F0, s17  }
0x496: {  	[tilespmem:s24], [sflag:$0x2] =	stream.linear.gather [hbm4b:s23+s3], $0x10, $0x38;
	[tilespmem:$0xC200] =	vst v63  }
0x497: {  	s25 =	sadd.s32 $0x20, s18;
	s26 =	sadd.s32 $0x770, s17  }
0x498: {  	[tilespmem:s26], [sflag:$0x2] =	stream.linear.gather [hbm4b:s25+s3], $0x10, $0x38;
	[tilespmem:$0xC200] =	vst v63  }
0x499: {  	s28 =	sadd.s32 $0x30, s18;
	s29 =	sadd.s32 $0x7F0, s17  }
0x49a: {  	[tilespmem:s29], [sflag:$0x2] =	stream.linear.gather [hbm4b:s28+s3], $0x10, $0x38;
	[tilespmem:$0xC200] =	vst v63  }
0x49b: {  	s30 =	sadd.s32 $0x40, s18;
	s31 =	sadd.s32 $0x870, s17  }
0x49c: {  	[tilespmem:s31], [sflag:$0x2] =	stream.linear.gather [hbm4b:s30+s3], $0x10, $0x38;
	[tilespmem:$0xC200] =	vst v63  }
0x49d: {  	s21 =	sadd.s32 $0x50, s18;
	s22 =	sadd.s32 $0x8F0, s17  }
0x49e: {  	[tilespmem:s22], [sflag:$0x2] =	stream.linear.gather [hbm4b:s21+s3], $0x10, $0x38;
	[tilespmem:$0xC200] =	vst v63  }
0x49f: {  	s23 =	sadd.s32 $0x60, s18;
	s24 =	sadd.s32 $0x970, s17  }
0x4a0: {  	[tilespmem:s24], [sflag:$0x2] =	stream.linear.gather [hbm4b:s23+s3], $0x10, $0x38;
	[tilespmem:$0xC200] =	vst v63  }
0x4a1: {  	s25 =	sadd.s32 $0x70, s18;
	s26 =	sadd.s32 $0x9F0, s17  }
0x4a2: {  	[tilespmem:s26], [sflag:$0x2] =	stream.linear.gather [hbm4b:s25+s3], $0x10, $0x38;
	[tilespmem:$0xC200] =	vst v63  }
0x4a3: {  	_ =	swait.ge [sflag:s8], $0x2000  }
0x4a4: {  	[sflag:s8] =	ssyncset.done $0x0  }
0x4a5: {  	[sflag:s8] =	ssyncadd.s32 $0xFFFFE000  }
0x4a6: {  	_ =	swait.ge [sflag:s9], $0x2000  }
0x4a7: {  	[sflag:s9] =	ssyncset.done $0x0  }
0x4a8: {  	[sflag:s9] =	ssyncadd.s32 $0xFFFFE000  }
0x4a9: {  	v0 =	vld [tilespmem:s16+$0x0]  }
0x4aa: {  	v1 =	vld [tilespmem:$0x1FFD0];
	_ =	sdelay $0x3  }
0x4ab: {  	v0 =	vand.u32 $0xF, v0  }
0x4ac: {  	v1 =	vor.u32 v1, v0  }
0x4ad: {  	v2 =	vld [tilespmem:$0x1FFE0];
	_ =	sdelay $0x3  }
0x4ae: {  	v1 =	vld.idx.msk [tilespmem:v1+s10+$0x0], $0xffff  }
0x4af: {  	v2 =	vor.u32 v2, v0  }
0x4b0: {  	s28 =	sshll.u32 s15, $0x7  }
0x4b1: {  	s29 =	sand.u32 $0x70, s16;
	s30 =	sand.u32 $0xC00, s28  }
0x4b2: {  	s17 =	sor.u32 s29, s30  }
0x4b3: {  	[tilespmem:s17+$0x4200] =	vst v1  }
0x4b4: {  	v1 =	vld.idx.msk [tilespmem:v2+s10+$0x0], $0xffff  }
0x4b5: {  	v2 =	vld [tilespmem:$0x1FFF0];
	_ =	sdelay $0x4  }
0x4b6: {  	v2 =	vor.u32 v2, v0;
	_ =	sdelay $0x3  }
0x4b7: {  	[tilespmem:s17+$0x4280] =	vst v1  }
0x4b8: {  	v1 =	vld.idx.msk [tilespmem:v2+s10+$0x0], $0xffff  }
0x4b9: {  	v2 =	vor.u32 v3, v0;
	_ =	sdelay $0x3  }
0x4ba: {  	[tilespmem:s17+$0x4300] =	vst v1  }
0x4bb: {  	v1 =	vld.idx.msk [tilespmem:v2+s10+$0x0], $0xffff  }
0x4bc: {  	v2 =	vor.u32 v4, v0;
	_ =	sdelay $0x3  }
0x4bd: {  	[tilespmem:s17+$0x4380] =	vst v1  }
0x4be: {  	v1 =	vld.idx.msk [tilespmem:v2+s10+$0x0], $0xffff  }
0x4bf: {  	v2 =	vor.u32 v5, v0;
	_ =	sdelay $0x3  }
0x4c0: {  	[tilespmem:s17+$0x4400] =	vst v1  }
0x4c1: {  	v1 =	vld.idx.msk [tilespmem:v2+s10+$0x0], $0xffff  }
0x4c2: {  	v2 =	vor.u32 v6, v0;
	_ =	sdelay $0x3  }
0x4c3: {  	[tilespmem:s17+$0x4480] =	vst v1  }
0x4c4: {  	v1 =	vld.idx.msk [tilespmem:v2+s10+$0x0], $0xffff  }
0x4c5: {  	v2 =	vor.u32 v7, v0;
	_ =	sdelay $0x3  }
0x4c6: {  	[tilespmem:s17+$0x4500] =	vst v1  }
0x4c7: {  	v1 =	vld.idx.msk [tilespmem:v2+s10+$0x0], $0xffff  }
0x4c8: {  	v2 =	vor.u32 v8, v0;
	_ =	sdelay $0x1  }
0x4c9: {  	s31 =	sor.u32 s28, s16  }
0x4ca: {  	s16 =	sor.u32 $0x380, s31  }
0x4cb: {  	[tilespmem:s16+$0x4200] =	vst v1  }
0x4cc: {  	v1 =	vld.idx.msk [tilespmem:v2+s10+$0x0], $0xffff  }
0x4cd: {  	v2 =	vor.u32 v9, v0;
	_ =	sdelay $0x3  }
0x4ce: {  	[tilespmem:s17+$0x5200] =	vst v1  }
0x4cf: {  	v1 =	vld.idx.msk [tilespmem:v2+s10+$0x0], $0xffff  }
0x4d0: {  	v2 =	vor.u32 v10, v0;
	_ =	sdelay $0x3  }
0x4d1: {  	[tilespmem:s17+$0x5280] =	vst v1  }
0x4d2: {  	v1 =	vld.idx.msk [tilespmem:v2+s10+$0x0], $0xffff  }
0x4d3: {  	v2 =	vor.u32 v11, v0;
	_ =	sdelay $0x3  }
0x4d4: {  	[tilespmem:s17+$0x5300] =	vst v1  }
0x4d5: {  	v1 =	vld.idx.msk [tilespmem:v2+s10+$0x0], $0xffff  }
0x4d6: {  	v2 =	vor.u32 v12, v0;
	_ =	sdelay $0x3  }
0x4d7: {  	[tilespmem:s17+$0x5380] =	vst v1  }
0x4d8: {  	v1 =	vld.idx.msk [tilespmem:v2+s10+$0x0], $0xffff  }
0x4d9: {  	v2 =	vor.u32 v13, v0;
	_ =	sdelay $0x3  }
0x4da: {  	[tilespmem:s17+$0x5400] =	vst v1  }
0x4db: {  	v1 =	vld.idx.msk [tilespmem:v2+s10+$0x0], $0xffff  }
0x4dc: {  	v2 =	vor.u32 v14, v0;
	_ =	sdelay $0x3  }
0x4dd: {  	[tilespmem:s17+$0x5480] =	vst v1  }
0x4de: {  	v1 =	vld.idx.msk [tilespmem:v2+s10+$0x0], $0xffff  }
0x4df: {  	v2 =	vor.u32 v15, v0;
	_ =	sdelay $0x3  }
0x4e0: {  	[tilespmem:s17+$0x5500] =	vst v1  }
0x4e1: {  	v1 =	vld.idx.msk [tilespmem:v2+s10+$0x0], $0xffff  }
0x4e2: {  	v2 =	vor.u32 v16, v0;
	_ =	sdelay $0x3  }
0x4e3: {  	[tilespmem:s17+$0x5580] =	vst v1  }
0x4e4: {  	v1 =	vld.idx.msk [tilespmem:v2+s10+$0x0], $0xffff  }
0x4e5: {  	v2 =	vor.u32 v17, v0;
	_ =	sdelay $0x3  }
0x4e6: {  	[tilespmem:s17+$0x6200] =	vst v1  }
0x4e7: {  	v1 =	vld.idx.msk [tilespmem:v2+s10+$0x0], $0xffff  }
0x4e8: {  	v2 =	vor.u32 v18, v0;
	_ =	sdelay $0x3  }
0x4e9: {  	[tilespmem:s17+$0x6280] =	vst v1  }
0x4ea: {  	v1 =	vld.idx.msk [tilespmem:v2+s10+$0x0], $0xffff  }
0x4eb: {  	v2 =	vor.u32 v19, v0;
	_ =	sdelay $0x3  }
0x4ec: {  	[tilespmem:s17+$0x6300] =	vst v1  }
0x4ed: {  	v1 =	vld.idx.msk [tilespmem:v2+s10+$0x0], $0xffff  }
0x4ee: {  	v2 =	vor.u32 v20, v0;
	_ =	sdelay $0x3  }
0x4ef: {  	[tilespmem:s17+$0x6380] =	vst v1  }
0x4f0: {  	v1 =	vld.idx.msk [tilespmem:v2+s10+$0x0], $0xffff  }
0x4f1: {  	v2 =	vor.u32 v21, v0;
	_ =	sdelay $0x3  }
0x4f2: {  	[tilespmem:s17+$0x6400] =	vst v1  }
0x4f3: {  	v1 =	vld.idx.msk [tilespmem:v2+s10+$0x0], $0xffff  }
0x4f4: {  	v2 =	vor.u32 v22, v0;
	_ =	sdelay $0x3  }
0x4f5: {  	[tilespmem:s17+$0x6480] =	vst v1  }
0x4f6: {  	v1 =	vld.idx.msk [tilespmem:v2+s10+$0x0], $0xffff  }
0x4f7: {  	v2 =	vor.u32 v23, v0;
	_ =	sdelay $0x3  }
0x4f8: {  	[tilespmem:s17+$0x6500] =	vst v1  }
0x4f9: {  	v1 =	vld.idx.msk [tilespmem:v2+s10+$0x0], $0xffff  }
0x4fa: {  	v2 =	vor.u32 v24, v0;
	_ =	sdelay $0x3  }
0x4fb: {  	[tilespmem:s17+$0x6580] =	vst v1  }
0x4fc: {  	v1 =	vld.idx.msk [tilespmem:v2+s10+$0x0], $0xffff  }
0x4fd: {  	v2 =	vor.u32 v25, v0;
	_ =	sdelay $0x3  }
0x4fe: {  	[tilespmem:s17+$0x7200] =	vst v1  }
0x4ff: {  	v1 =	vld.idx.msk [tilespmem:v2+s10+$0x0], $0xffff  }
0x500: {  	v2 =	vor.u32 v26, v0;
	_ =	sdelay $0x3  }
0x501: {  	[tilespmem:s17+$0x7280] =	vst v1  }
0x502: {  	v1 =	vld.idx.msk [tilespmem:v2+s10+$0x0], $0xffff  }
0x503: {  	v2 =	vor.u32 v27, v0;
	_ =	sdelay $0x3  }
0x504: {  	[tilespmem:s17+$0x7300] =	vst v1  }
0x505: {  	v1 =	vld.idx.msk [tilespmem:v2+s10+$0x0], $0xffff  }
0x506: {  	v2 =	vor.u32 v28, v0;
	_ =	sdelay $0x3  }
0x507: {  	[tilespmem:s17+$0x7380] =	vst v1  }
0x508: {  	v1 =	vld.idx.msk [tilespmem:v2+s10+$0x0], $0xffff  }
0x509: {  	v2 =	vor.u32 v29, v0;
	_ =	sdelay $0x3  }
0x50a: {  	[tilespmem:s17+$0x7400] =	vst v1  }
0x50b: {  	v1 =	vld.idx.msk [tilespmem:v2+s10+$0x0], $0xffff  }
0x50c: {  	v2 =	vor.u32 v30, v0;
	_ =	sdelay $0x3  }
0x50d: {  	[tilespmem:s17+$0x7480] =	vst v1  }
0x50e: {  	v1 =	vld.idx.msk [tilespmem:v2+s10+$0x0], $0xffff  }
0x50f: {  	v2 =	vor.u32 v31, v0;
	_ =	sdelay $0x3  }
0x510: {  	[tilespmem:s17+$0x7500] =	vst v1  }
0x511: {  	v1 =	vld.idx.msk [tilespmem:v2+s10+$0x0], $0xffff  }
0x512: {  	v2 =	vor.u32 v32, v0;
	_ =	sdelay $0x3  }
0x513: {  	[tilespmem:s17+$0x7580] =	vst v1  }
0x514: {  	v1 =	vld.idx.msk [tilespmem:v2+s10+$0x0], $0xffff  }
0x515: {  	v2 =	vor.u32 v33, v0;
	_ =	sdelay $0x3  }
0x516: {  	[tilespmem:s17+$0x8200] =	vst v1  }
0x517: {  	v1 =	vld.idx.msk [tilespmem:v2+s10+$0x0], $0xffff  }
0x518: {  	v2 =	vor.u32 v34, v0;
	_ =	sdelay $0x3  }
0x519: {  	[tilespmem:s17+$0x8280] =	vst v1  }
0x51a: {  	v1 =	vld.idx.msk [tilespmem:v2+s10+$0x0], $0xffff  }
0x51b: {  	v2 =	vor.u32 v35, v0;
	_ =	sdelay $0x3  }
0x51c: {  	[tilespmem:s17+$0x8300] =	vst v1  }
0x51d: {  	v1 =	vld.idx.msk [tilespmem:v2+s10+$0x0], $0xffff  }
0x51e: {  	v2 =	vor.u32 v36, v0;
	_ =	sdelay $0x3  }
0x51f: {  	[tilespmem:s17+$0x8380] =	vst v1  }
0x520: {  	v1 =	vld.idx.msk [tilespmem:v2+s10+$0x0], $0xffff  }
0x521: {  	v2 =	vor.u32 v37, v0;
	_ =	sdelay $0x3  }
0x522: {  	[tilespmem:s17+$0x8400] =	vst v1  }
0x523: {  	v1 =	vld.idx.msk [tilespmem:v2+s10+$0x0], $0xffff  }
0x524: {  	v2 =	vor.u32 v38, v0;
	_ =	sdelay $0x3  }
0x525: {  	[tilespmem:s17+$0x8480] =	vst v1  }
0x526: {  	v1 =	vld.idx.msk [tilespmem:v2+s10+$0x0], $0xffff  }
0x527: {  	v2 =	vor.u32 v39, v0;
	_ =	sdelay $0x3  }
0x528: {  	[tilespmem:s17+$0x8500] =	vst v1  }
0x529: {  	v1 =	vld.idx.msk [tilespmem:v2+s10+$0x0], $0xffff  }
0x52a: {  	v2 =	vor.u32 v40, v0;
	_ =	sdelay $0x3  }
0x52b: {  	[tilespmem:s17+$0x8580] =	vst v1  }
0x52c: {  	v1 =	vld.idx.msk [tilespmem:v2+s10+$0x0], $0xffff  }
0x52d: {  	v2 =	vor.u32 v41, v0;
	_ =	sdelay $0x3  }
0x52e: {  	[tilespmem:s17+$0x9200] =	vst v1  }
0x52f: {  	v1 =	vld.idx.msk [tilespmem:v2+s10+$0x0], $0xffff  }
0x530: {  	v2 =	vor.u32 v42, v0;
	_ =	sdelay $0x3  }
0x531: {  	[tilespmem:s17+$0x9280] =	vst v1  }
0x532: {  	v1 =	vld.idx.msk [tilespmem:v2+s10+$0x0], $0xffff  }
0x533: {  	v2 =	vor.u32 v43, v0;
	_ =	sdelay $0x3  }
0x534: {  	[tilespmem:s17+$0x9300] =	vst v1  }
0x535: {  	v1 =	vld.idx.msk [tilespmem:v2+s10+$0x0], $0xffff  }
0x536: {  	v2 =	vor.u32 v44, v0;
	_ =	sdelay $0x3  }
0x537: {  	[tilespmem:s17+$0x9380] =	vst v1  }
0x538: {  	v1 =	vld.idx.msk [tilespmem:v2+s10+$0x0], $0xffff  }
0x539: {  	v2 =	vor.u32 v45, v0;
	_ =	sdelay $0x3  }
0x53a: {  	[tilespmem:s17+$0x9400] =	vst v1  }
0x53b: {  	v1 =	vld.idx.msk [tilespmem:v2+s10+$0x0], $0xffff  }
0x53c: {  	v2 =	vor.u32 v46, v0;
	_ =	sdelay $0x3  }
0x53d: {  	[tilespmem:s17+$0x9480] =	vst v1  }
0x53e: {  	v1 =	vld.idx.msk [tilespmem:v2+s10+$0x0], $0xffff  }
0x53f: {  	v2 =	vor.u32 v47, v0;
	_ =	sdelay $0x3  }
0x540: {  	[tilespmem:s17+$0x9500] =	vst v1  }
0x541: {  	v1 =	vld.idx.msk [tilespmem:v2+s10+$0x0], $0xffff  }
0x542: {  	v2 =	vor.u32 v48, v0;
	_ =	sdelay $0x3  }
0x543: {  	[tilespmem:s17+$0x9580] =	vst v1  }
0x544: {  	v1 =	vld.idx.msk [tilespmem:v2+s10+$0x0], $0xffff  }
0x545: {  	v2 =	vor.u32 v49, v0;
	_ =	sdelay $0x3  }
0x546: {  	[tilespmem:s17+$0xA200] =	vst v1  }
0x547: {  	v1 =	vld.idx.msk [tilespmem:v2+s10+$0x0], $0xffff  }
0x548: {  	v2 =	vor.u32 v50, v0;
	_ =	sdelay $0x3  }
0x549: {  	[tilespmem:s17+$0xA280] =	vst v1  }
0x54a: {  	v1 =	vld.idx.msk [tilespmem:v2+s10+$0x0], $0xffff  }
0x54b: {  	v2 =	vor.u32 v51, v0;
	_ =	sdelay $0x3  }
0x54c: {  	[tilespmem:s17+$0xA300] =	vst v1  }
0x54d: {  	v1 =	vld.idx.msk [tilespmem:v2+s10+$0x0], $0xffff  }
0x54e: {  	v2 =	vor.u32 v52, v0;
	_ =	sdelay $0x3  }
0x54f: {  	[tilespmem:s17+$0xA380] =	vst v1  }
0x550: {  	v1 =	vld.idx.msk [tilespmem:v2+s10+$0x0], $0xffff  }
0x551: {  	v2 =	vor.u32 v53, v0;
	_ =	sdelay $0x3  }
0x552: {  	[tilespmem:s17+$0xA400] =	vst v1  }
0x553: {  	v1 =	vld.idx.msk [tilespmem:v2+s10+$0x0], $0xffff  }
0x554: {  	v2 =	vor.u32 v54, v0;
	_ =	sdelay $0x3  }
0x555: {  	[tilespmem:s17+$0xA480] =	vst v1  }
0x556: {  	v1 =	vld.idx.msk [tilespmem:v2+s10+$0x0], $0xffff  }
0x557: {  	v2 =	vor.u32 v55, v0;
	_ =	sdelay $0x3  }
0x558: {  	[tilespmem:s17+$0xA500] =	vst v1  }
0x559: {  	v1 =	vld.idx.msk [tilespmem:v2+s10+$0x0], $0xffff  }
0x55a: {  	v2 =	vor.u32 v56, v0;
	_ =	sdelay $0x3  }
0x55b: {  	[tilespmem:s17+$0xA580] =	vst v1  }
0x55c: {  	v1 =	vld.idx.msk [tilespmem:v2+s10+$0x0], $0xffff  }
0x55d: {  	v2 =	vor.u32 v57, v0;
	_ =	sdelay $0x3  }
0x55e: {  	[tilespmem:s17+$0xB200] =	vst v1  }
0x55f: {  	v1 =	vld.idx.msk [tilespmem:v2+s10+$0x0], $0xffff  }
0x560: {  	v2 =	vor.u32 v58, v0;
	_ =	sdelay $0x3  }
0x561: {  	[tilespmem:s17+$0xB280] =	vst v1  }
0x562: {  	v1 =	vld.idx.msk [tilespmem:v2+s10+$0x0], $0xffff  }
0x563: {  	v2 =	vor.u32 v59, v0;
	_ =	sdelay $0x3  }
0x564: {  	[tilespmem:s17+$0xB300] =	vst v1  }
0x565: {  	v1 =	vld.idx.msk [tilespmem:v2+s10+$0x0], $0xffff  }
0x566: {  	v2 =	vor.u32 v60, v0;
	_ =	sdelay $0x3  }
0x567: {  	[tilespmem:s17+$0xB380] =	vst v1  }
0x568: {  	v1 =	vld.idx.msk [tilespmem:v2+s10+$0x0], $0xffff  }
0x569: {  	v2 =	vor.u32 v61, v0;
	_ =	sdelay $0x3  }
0x56a: {  	[tilespmem:s17+$0xB400] =	vst v1  }
0x56b: {  	v1 =	vld.idx.msk [tilespmem:v2+s10+$0x0], $0xffff  }
0x56c: {  	v2 =	vor.u32 v62, v0;
	_ =	sdelay $0x3  }
0x56d: {  	[tilespmem:s17+$0xB480] =	vst v1  }
0x56e: {  	v1 =	vld.idx.msk [tilespmem:v2+s10+$0x0], $0xffff  }
0x56f: {  	v0 =	vor.u32 v63, v0;
	_ =	sdelay $0x3  }
0x570: {  	s15 =	sadd.s32 $0x1, s15;
	[tilespmem:s17+$0xB500] =	vst v1  }
0x571: {  	p0 =	sne.s32 s15, $0x20;
	v0 =	vld.idx.msk [tilespmem:v0+s10+$0x0], $0xffff  }
.Ltmp16:
0x572: {  	_ = 	snop;
	(pc) =	sbr.rel @p0 .LBB2_2-.Ltmp16, $2  }
0x573: {  	_ =	sdelay $0x2  }
0x574: {  	[tilespmem:s17+$0xB580] =	vst v0  }
0x575: {  	s14 =	sadd.s32 $0x1, s14  }
0x576: {  	p0 =	sne.s32 s14, s6  }
.Ltmp17:
0x577: {  	_ = 	snop;
	(pc) =	sbr.rel @p0 .LBB2_1-.Ltmp17, $4  }
0x578: {  	[hbm4b:s5+s11] =	stream.strided.scatter [tilespmem:s13], [sflag:$0x2], $0x8000, s12, s11, $0x38;
	[tilespmem:$0xC200] =	vst v63  }
0x579: {  	_ =	swait.ge [sflag:s9], $0x8000  }
0x57a: {  	[sflag:s9] =	ssyncset.done $0x0  }
0x57b: {  	[sflag:s9] =	ssyncadd.s32 $0xFFFF8000  }
0x57c: {  	_ =	sfence.sel $0x180000  }
0x57d: {  	[bflag:$0x0] =	sbarrier.arrive $0xFFFF  }
0x57e: {  	p0 =	sne.s32 s2, $0x0;
	_ =	strace $0x90000047  }
0x57f: {  	s0 =	sadd.s32 @!p0 $0x100000, s1;
	[bflag:$0x2] =	sbarrier.arrive $0xFFFF  }
0x580: {  	[sflag:s0] =	ssyncadd.tile.s32 @!p0 $0x1;
	_ =	shalt  }
.Lfunc_end2:
_tile_overlayer_lowered:
.L_overlay_start_2:
0x581: {  	(tag) =	ssettag $0x2  }
0x582: {  	s0 =	rddreg [dreg:$0x0];
	s2 =	stileid.u32  }
0x583: {  	s1 =	rddreg [dreg:$0x1];
	p0 =	sne.s32 s2, $0x0  }
0x584: {  	s3 =	rddreg [dreg:$0x2];
	[bflag:$0x3] =	sbarrier.arrive $0xFFFF;
	s2 =	simm.s32 @!p0 $0x1C03  }
0x585: {  	[timem:s3], [sflag:s2] =	dma.local @!p0 [hbm:s0], s1  }
0x586: {  	s0 =	simm.s32 @!p0 $0x3  }
0x587: {  	_ =	swait.ge @!p0 [sflag:s0], s1  }
0x588: {  	s1 =	ssub.s32 @!p0 $0x0, s1;
	[sflag:s0] =	ssyncset.done @!p0 $0x0  }
0x589: {  	[sflag:s0] =	ssyncadd.s32 @!p0 s1  }
0x58a: {  	[bflag:$0x3] =	sbarrier.arrive $0xFFFF  }
0x58b: {  	_ =	shalt  }

</sc_bundles>
